<compile_context>
chip_gen: v7x
topology: tpu7x:2x2x1
jax: 0.10.2.dev20260603
libtpu: 0.0.44.dev20260713+nightly
codegen_flags: <defaults>
</compile_context>

<pallas_src>
import jax
import jax.numpy as jnp
from jax import lax
from jax.experimental import pallas as pl
from jax.experimental.pallas import tpu as pltpu
from jax.experimental.pallas import tpu_sc as plsc

N = 10000
E = 320000
H = 128
DE = 16

NC = 2
NS = 16
NW = NC * NS
EW = E // NW
B = 125
NCHUNK = EW // B
ROWS_PER_W = EW // B
STRIPE = 624
TAIL = N - NS * STRIPE

_MESH = plsc.VectorSubcoreMesh(core_axis_name="c", subcore_axis_name="s")


def _h1_body(feat_hbm, src_hbm, dst_hbm,
             h1_out,
             src_v, dst_v, rows_v, zrow_v,
             h1_acc, sem):
    c = lax.axis_index("c")
    s = lax.axis_index("s")
    wid = s * NC + c

    zeros16 = jnp.zeros((16,), jnp.float32)

    for r in range(16):
        for q in range(H // 16):
            zrow_v[r, q * 16:(q + 1) * 16] = zeros16

    r0 = s * STRIPE

    def _zero_acc(i, carry):
        off = pl.multiple_of(r0 + i * 16, 8)
        pltpu.sync_copy(zrow_v, h1_acc.at[pl.ds(off, 16)])
        return carry
    lax.fori_loop(0, STRIPE // 16, _zero_acc, None)

    @pl.when(s == NS - 1)
    def _zero_tail():
        pltpu.sync_copy(zrow_v, h1_acc.at[pl.ds(NS * STRIPE, TAIL)])

    plsc.subcore_barrier()

    wrow0 = wid * ROWS_PER_W

    def _fire(g):
        bo = lax.rem(g, 2)
        row0 = wrow0 + g
        pltpu.sync_copy(src_hbm.at[pl.ds(row0, 1)], src_v.at[pl.ds(bo, 1)])
        pltpu.sync_copy(dst_hbm.at[pl.ds(row0, 1)], dst_v.at[pl.ds(bo, 1)])
        pltpu.async_copy(feat_hbm.at[src_v.at[bo]],
                         rows_v.at[pl.ds(bo * B, B)], sem)

    _fire(0)

    def _chunk(g, carry):
        @pl.when(g + 1 < NCHUNK)
        def _prefetch():
            _fire(g + 1)
        bo = lax.rem(g, 2)
        pltpu.make_async_copy(feat_hbm.at[src_v.at[bo]],
                              rows_v.at[pl.ds(bo * B, B)], sem).wait()
        pltpu.sync_copy(rows_v.at[pl.ds(bo * B, B)],
                        h1_acc.at[dst_v.at[bo]], add=True)
        return carry
    lax.fori_loop(0, NCHUNK, _chunk, None)

    plsc.subcore_barrier()

    out0 = pl.multiple_of(c * N + r0, 8)
    pltpu.sync_copy(h1_acc.at[pl.ds(r0, STRIPE)],
                    h1_out.at[pl.ds(out0, STRIPE)])

    @pl.when(s == NS - 1)
    def _copy_tail():
        t0 = pl.multiple_of(c * N + NS * STRIPE, 8)
        pltpu.sync_copy(h1_acc.at[pl.ds(NS * STRIPE, TAIL)],
                        h1_out.at[pl.ds(t0, TAIL)])


def _sew_body(dst_hbm, ew_hbm,
              sew_out, deg_out,
              dst_v, ew_v, ones_v, zsew_v,
              sew_acc, deg_acc, sem):
    c = lax.axis_index("c")
    s = lax.axis_index("s")
    wid = s * NC + c

    zeros16 = jnp.zeros((16,), jnp.float32)
    ones16 = jnp.full((16,), 1.0, jnp.float32)
    for r in range(16):
        zsew_v[r, 0:16] = zeros16
    for r in range(B):
        ones_v[r, 0:16] = ones16

    r0 = s * STRIPE

    def _zero_acc(i, carry):
        off = pl.multiple_of(r0 + i * 16, 8)
        pltpu.sync_copy(zsew_v, sew_acc.at[pl.ds(off, 16)])
        pltpu.sync_copy(zsew_v, deg_acc.at[pl.ds(off, 16)])
        return carry
    lax.fori_loop(0, STRIPE // 16, _zero_acc, None)

    @pl.when(s == NS - 1)
    def _zero_tail():
        pltpu.sync_copy(zsew_v, sew_acc.at[pl.ds(NS * STRIPE, TAIL)])
        pltpu.sync_copy(zsew_v, deg_acc.at[pl.ds(NS * STRIPE, TAIL)])

    plsc.subcore_barrier()

    wrow0 = wid * ROWS_PER_W
    webase = wid * EW

    def _fire(g):
        bo = lax.rem(g, 2)
        row0 = wrow0 + g
        e0 = webase + g * B
        pltpu.sync_copy(dst_hbm.at[pl.ds(row0, 1)], dst_v.at[pl.ds(bo, 1)])
        pltpu.async_copy(ew_hbm.at[pl.ds(e0, B)],
                         ew_v.at[pl.ds(bo * B, B)], sem)

    _fire(0)

    def _chunk(g, carry):
        @pl.when(g + 1 < NCHUNK)
        def _prefetch():
            _fire(g + 1)
        bo = lax.rem(g, 2)
        e0 = webase + g * B
        pltpu.make_async_copy(ew_hbm.at[pl.ds(e0, B)],
                              ew_v.at[pl.ds(bo * B, B)], sem).wait()
        pltpu.sync_copy(ew_v.at[pl.ds(bo * B, B)],
                        sew_acc.at[dst_v.at[bo]], add=True)
        pltpu.sync_copy(ones_v, deg_acc.at[dst_v.at[bo]], add=True)
        return carry
    lax.fori_loop(0, NCHUNK, _chunk, None)

    plsc.subcore_barrier()

    out0 = pl.multiple_of(c * N + r0, 8)
    pltpu.sync_copy(sew_acc.at[pl.ds(r0, STRIPE)],
                    sew_out.at[pl.ds(out0, STRIPE)])
    pltpu.sync_copy(deg_acc.at[pl.ds(r0, STRIPE)],
                    deg_out.at[pl.ds(out0, STRIPE)])

    @pl.when(s == NS - 1)
    def _copy_tail():
        t0 = pl.multiple_of(c * N + NS * STRIPE, 8)
        pltpu.sync_copy(sew_acc.at[pl.ds(NS * STRIPE, TAIL)],
                        sew_out.at[pl.ds(t0, TAIL)])
        pltpu.sync_copy(deg_acc.at[pl.ds(NS * STRIPE, TAIL)],
                        deg_out.at[pl.ds(t0, TAIL)])


def _dense_body(h1p_ref, sdp_ref, feat_ref,
                waug_ref, w1_ref, b1_ref, w2_ref, b2_ref,
                g1_ref, be1_ref, g2_ref, be2_ref, out_ref):
    f32 = jnp.float32
    h1 = h1p_ref[0] + h1p_ref[1]
    sd = sdp_ref[0] + sdp_ref[1]

    dn_t = (((1,), (1,)), ((), ()))
    dn_n = (((1,), (0,)), ((), ()))
    h2 = lax.dot_general(sd, waug_ref[...], dn_n,
                         preferred_element_type=f32)
    x = lax.dot_general(h1, w1_ref[...], dn_t,
                        preferred_element_type=f32)
    x = x + b1_ref[...] + h2

    m1 = jnp.mean(x, axis=0)
    v1 = jnp.mean((x - m1) ** 2, axis=0)
    x = (x - m1) * lax.rsqrt(v1 + 1e-5) * g1_ref[...] + be1_ref[...]
    x = jnp.maximum(x, 0.0)

    y = lax.dot_general(x, w2_ref[...], dn_t,
                        preferred_element_type=f32)
    y = y + b2_ref[...] + feat_ref[...]

    m2 = jnp.mean(y, axis=0)
    v2 = jnp.mean((y - m2) ** 2, axis=0)
    y = (y - m2) * lax.rsqrt(v2 + 1e-5) * g2_ref[...] + be2_ref[...]
    out_ref[...] = jnp.maximum(y, 0.0)


@jax.jit
def kernel(features, edge_w, W_bond, b_bond, W1, b1, W2, b2,
           bn1_gamma, bn1_beta, bn2_gamma, bn2_beta, edge_index):
    src2 = edge_index[0].astype(jnp.int32).reshape(E // B, B)
    dst2 = edge_index[1].astype(jnp.int32).reshape(E // B, B)
    waug = jnp.concatenate(
        [W_bond.T, b_bond[None, :], jnp.zeros((DE - 1, H), jnp.float32)],
        axis=0)

    h1_fn = pl.kernel(
        _h1_body,
        out_type=jax.ShapeDtypeStruct((NC * N, H), jnp.float32),
        mesh=_MESH,
        compiler_params=pltpu.CompilerParams(use_tc_tiling_on_sc=False),
        scratch_types=[
            pltpu.VMEM((2, B), jnp.int32),
            pltpu.VMEM((2, B), jnp.int32),
            pltpu.VMEM((2 * B, H), jnp.float32),
            pltpu.VMEM((16, H), jnp.float32),
            pltpu.VMEM_SHARED((N, H), jnp.float32),
            pltpu.SemaphoreType.DMA,
        ],
    )
    h1p = h1_fn(features, src2, dst2)

    sew_fn = pl.kernel(
        _sew_body,
        out_type=(
            jax.ShapeDtypeStruct((NC * N, DE), jnp.float32),
            jax.ShapeDtypeStruct((NC * N, DE), jnp.float32),
        ),
        mesh=_MESH,
        compiler_params=pltpu.CompilerParams(use_tc_tiling_on_sc=False),
        scratch_types=[
            pltpu.VMEM((2, B), jnp.int32),
            pltpu.VMEM((2 * B, DE), jnp.float32),
            pltpu.VMEM((B, DE), jnp.float32),
            pltpu.VMEM((16, DE), jnp.float32),
            pltpu.VMEM_SHARED((N, DE), jnp.float32),
            pltpu.VMEM_SHARED((N, DE), jnp.float32),
            pltpu.SemaphoreType.DMA,
        ],
    )
    sewp, degp = sew_fn(dst2, edge_w)

    sdp = jnp.concatenate(
        [sewp.reshape(NC, N, DE), degp.reshape(NC, N, DE)], axis=2)
    out = pl.pallas_call(
        _dense_body,
        out_shape=jax.ShapeDtypeStruct((N, H), jnp.float32),
    )(h1p.reshape(NC, N, H), sdp,
      features, waug, W1, b1, W2, b2,
      bn1_gamma, bn1_beta, bn2_gamma, bn2_beta)
    return out

# --- scband reference (transcript-rebuilt; emitter-appended) ---
"""Pipeline reference for scband-structure2-vec-layer-40922448396570 (READ-ONLY COPY).

The authoritative reference and input builder live on the scoring server;
editing this copy changes nothing except your own understanding.
"""

import jax, jax.numpy as jnp
import numpy as np

N = 10000
E = 320000
H = 128
DE = 16

def _batchnorm(x, gamma, beta, eps=1e-5):
    mean = jnp.mean(x, axis=0)
    var = jnp.var(x, axis=0)
    return (x - mean) / jnp.sqrt(var + eps) * gamma + beta

def setup_inputs(seed: int = 0) -> dict:
    key = jax.random.key(seed)
    ks = jax.random.split(key, 8)
    features = jax.random.normal(ks[0], (N, H), dtype=jnp.float32)
    edge_index = jax.random.randint(ks[1], (2, E), 0, N, dtype=jnp.int64)
    edge_w = jax.random.normal(ks[2], (E, DE), dtype=jnp.float32)
    W_bond = jax.random.normal(ks[3], (H, DE), dtype=jnp.float32) * (1.0 / np.sqrt(DE))
    b_bond = jnp.zeros((H,), dtype=jnp.float32)
    W1 = jax.random.normal(ks[4], (H, H), dtype=jnp.float32) * (1.0 / np.sqrt(H))
    b1 = jnp.zeros((H,), dtype=jnp.float32)
    W2 = jax.random.normal(ks[5], (H, H), dtype=jnp.float32) * (1.0 / np.sqrt(H))
    b2 = jnp.zeros((H,), dtype=jnp.float32)
    bn1_gamma = jnp.ones((H,), dtype=jnp.float32)
    bn1_beta = jnp.zeros((H,), dtype=jnp.float32)
    bn2_gamma = jnp.ones((H,), dtype=jnp.float32)
    bn2_beta = jnp.zeros((H,), dtype=jnp.float32)
    return {
        "features": features,
        "edge_w": edge_w,
        "W_bond": W_bond, "b_bond": b_bond,
        "W1": W1, "b1": b1,
        "W2": W2, "b2": b2,
        "bn1_gamma": bn1_gamma, "bn1_beta": bn1_beta,
        "bn2_gamma": bn2_gamma, "bn2_beta": bn2_beta,
        "edge_index": edge_index,
    }

def reference(features, edge_w, W_bond, b_bond, W1, b1, W2, b2,
              bn1_gamma, bn1_beta, bn2_gamma, bn2_beta, edge_index):
    src = edge_index[0]
    dst = edge_index[1]
    # bond_layer: per-edge linear on bond features
    h_e = edge_w @ W_bond.T + b_bond
    # message passing: sum of source node features and edge hidden per dst node
    h1 = jax.ops.segment_sum(features[src], dst, num_segments=N)
    h2 = jax.ops.segment_sum(h_e, dst, num_segments=N)
    # h = relu(bn1(hidden_layer1(h1) + h2))
    x = h1 @ W1.T + b1 + h2
    x = jax.nn.relu(_batchnorm(x, bn1_gamma, bn1_beta))
    # h = relu(bn2(hidden_layer2(h) + features))
    y = x @ W2.T + b2 + features
    y = jax.nn.relu(_batchnorm(y, bn2_gamma, bn2_beta))
    # dropout=0 -> Identity
    return y

if __name__ == "__main__":
    import jax
    _d = setup_inputs()
    print(jax.jit(kernel)(*tuple(_d.values())))

</pallas_src>

<mosaic_0001>
#map = affine_map<(d0, d1) -> (0, 0)>
module attributes {stable_mosaic.version = 14 : i64} {
  func.func @_h1_body(%arg0: i32, %arg1: i32, %arg2: memref<10000x128xf32, #tpu.memory_space<hbm>>, %arg3: memref<2560x125xi32, #tpu.memory_space<hbm>>, %arg4: memref<2560x125xi32, #tpu.memory_space<hbm>>, %arg5: memref<20000x128xf32, #tpu.memory_space<hbm>>, %arg6: memref<2x125xi32, #tpu.memory_space<vmem>>, %arg7: memref<2x125xi32, #tpu.memory_space<vmem>>, %arg8: memref<250x128xf32, #tpu.memory_space<vmem>>, %arg9: memref<16x128xf32, #tpu.memory_space<vmem>>, %arg10: memref<10000x128xf32, #tpu.memory_space<vmem_shared>>, %arg11: memref<!tpu.dma_semaphore, #tpu.memory_space<semaphore_mem>>) attributes {dimension_semantics = [#tpu.dimension_semantics<core_parallel>, #tpu.dimension_semantics<subcore_parallel>], iteration_bounds = array<i64: 2, 16>, scalar_prefetch = 0 : i64, scratch_operands = 6 : i64, tpu.core_type = #tpu.core_type<sc_vector_subcore>, window_params = [{transform_indices = #map}, {transform_indices = #map}, {transform_indices = #map}, {transform_indices = #map}]} {
    %mul3A = arith.constant 2 : i32
    %mul3A_0 = arith.muli %arg1, %mul3A : i32
    %add3A = arith.addi %mul3A_0, %arg0 : i32
    %broadcast_in_dim3A = arith.constant 0.000000e+00 : f32
    %broadcast_in_dim3A_1 = vector.broadcast %broadcast_in_dim3A : f32 to vector<16xf32>
    %swap3A = arith.constant 0 : i32
    %swap3A_2 = arith.index_cast %swap3A : i32 to index
    %swap3A_3 = arith.constant 0 : index
    %swap3A_4 = tpu.vector_load %arg9[%swap3A_2, %swap3A_3] {strides = array<i32>} : memref<16x128xf32, #tpu.memory_space<vmem>>, vector<1x16xf32>,
    %swap3A_5 = vector.shape_cast %swap3A_4 : vector<1x16xf32> to vector<16xf32>
    %swap3A_6 = vector.shape_cast %broadcast_in_dim3A_1 : vector<16xf32> to vector<1x16xf32>
    tpu.vector_store %arg9[%swap3A_2, %swap3A_3], %swap3A_6 {strides = array<i32>} : memref<16x128xf32, #tpu.memory_space<vmem>>, vector<1x16xf32>,
    %swap3A_7 = arith.constant 0 : i32
    %swap3A_8 = arith.index_cast %swap3A_7 : i32 to index
    %swap3A_9 = arith.constant 16 : index
    %swap3A_10 = tpu.vector_load %arg9[%swap3A_8, %swap3A_9] {strides = array<i32>} : memref<16x128xf32, #tpu.memory_space<vmem>>, vector<1x16xf32>,
    %swap3A_11 = vector.shape_cast %swap3A_10 : vector<1x16xf32> to vector<16xf32>
    %swap3A_12 = vector.shape_cast %broadcast_in_dim3A_1 : vector<16xf32> to vector<1x16xf32>
    tpu.vector_store %arg9[%swap3A_8, %swap3A_9], %swap3A_12 {strides = array<i32>} : memref<16x128xf32, #tpu.memory_space<vmem>>, vector<1x16xf32>,
    %swap3A_13 = arith.constant 0 : i32
    %swap3A_14 = arith.index_cast %swap3A_13 : i32 to index
    %swap3A_15 = arith.constant 32 : index
    %swap3A_16 = tpu.vector_load %arg9[%swap3A_14, %swap3A_15] {strides = array<i32>} : memref<16x128xf32, #tpu.memory_space<vmem>>, vector<1x16xf32>,
    %swap3A_17 = vector.shape_cast %swap3A_16 : vector<1x16xf32> to vector<16xf32>
    %swap3A_18 = vector.shape_cast %broadcast_in_dim3A_1 : vector<16xf32> to vector<1x16xf32>
    tpu.vector_store %arg9[%swap3A_14, %swap3A_15], %swap3A_18 {strides = array<i32>} : memref<16x128xf32, #tpu.memory_space<vmem>>, vector<1x16xf32>,
    %swap3A_19 = arith.constant 0 : i32
    %swap3A_20 = arith.index_cast %swap3A_19 : i32 to index
    %swap3A_21 = arith.constant 48 : index
    %swap3A_22 = tpu.vector_load %arg9[%swap3A_20, %swap3A_21] {strides = array<i32>} : memref<16x128xf32, #tpu.memory_space<vmem>>, vector<1x16xf32>,
    %swap3A_23 = vector.shape_cast %swap3A_22 : vector<1x16xf32> to vector<16xf32>
    %swap3A_24 = vector.shape_cast %broadcast_in_dim3A_1 : vector<16xf32> to vector<1x16xf32>
    tpu.vector_store %arg9[%swap3A_20, %swap3A_21], %swap3A_24 {strides = array<i32>} : memref<16x128xf32, #tpu.memory_space<vmem>>, vector<1x16xf32>,
    %swap3A_25 = arith.constant 0 : i32
    %swap3A_26 = arith.index_cast %swap3A_25 : i32 to index
    %swap3A_27 = arith.constant 64 : index
    %swap3A_28 = tpu.vector_load %arg9[%swap3A_26, %swap3A_27] {strides = array<i32>} : memref<16x128xf32, #tpu.memory_space<vmem>>, vector<1x16xf32>,
    %swap3A_29 = vector.shape_cast %swap3A_28 : vector<1x16xf32> to vector<16xf32>
    %swap3A_30 = vector.shape_cast %broadcast_in_dim3A_1 : vector<16xf32> to vector<1x16xf32>
    tpu.vector_store %arg9[%swap3A_26, %swap3A_27], %swap3A_30 {strides = array<i32>} : memref<16x128xf32, #tpu.memory_space<vmem>>, vector<1x16xf32>,
    %swap3A_31 = arith.constant 0 : i32
    %swap3A_32 = arith.index_cast %swap3A_31 : i32 to index
    %swap3A_33 = arith.constant 80 : index
    %swap3A_34 = tpu.vector_load %arg9[%swap3A_32, %swap3A_33] {strides = array<i32>} : memref<16x128xf32, #tpu.memory_space<vmem>>, vector<1x16xf32>,
    %swap3A_35 = vector.shape_cast %swap3A_34 : vector<1x16xf32> to vector<16xf32>
    %swap3A_36 = vector.shape_cast %broadcast_in_dim3A_1 : vector<16xf32> to vector<1x16xf32>
    tpu.vector_store %arg9[%swap3A_32, %swap3A_33], %swap3A_36 {strides = array<i32>} : memref<16x128xf32, #tpu.memory_space<vmem>>, vector<1x16xf32>,
    %swap3A_37 = arith.constant 0 : i32
    %swap3A_38 = arith.index_cast %swap3A_37 : i32 to index
    %swap3A_39 = arith.constant 96 : index
    %swap3A_40 = tpu.vector_load %arg9[%swap3A_38, %swap3A_39] {strides = array<i32>} : memref<16x128xf32, #tpu.memory_space<vmem>>, vector<1x16xf32>,
    %swap3A_41 = vector.shape_cast %swap3A_40 : vector<1x16xf32> to vector<16xf32>
    %swap3A_42 = vector.shape_cast %broadcast_in_dim3A_1 : vector<16xf32> to vector<1x16xf32>
    tpu.vector_store %arg9[%swap3A_38, %swap3A_39], %swap3A_42 {strides = array<i32>} : memref<16x128xf32, #tpu.memory_space<vmem>>, vector<1x16xf32>,
    %swap3A_43 = arith.constant 0 : i32
    %swap3A_44 = arith.index_cast %swap3A_43 : i32 to index
    %swap3A_45 = arith.constant 112 : index
    %swap3A_46 = tpu.vector_load %arg9[%swap3A_44, %swap3A_45] {strides = array<i32>} : memref<16x128xf32, #tpu.memory_space<vmem>>, vector<1x16xf32>,
    %swap3A_47 = vector.shape_cast %swap3A_46 : vector<1x16xf32> to vector<16xf32>
    %swap3A_48 = vector.shape_cast %broadcast_in_dim3A_1 : vector<16xf32> to vector<1x16xf32>
    tpu.vector_store %arg9[%swap3A_44, %swap3A_45], %swap3A_48 {strides = array<i32>} : memref<16x128xf32, #tpu.memory_space<vmem>>, vector<1x16xf32>,
    %swap3A_49 = arith.constant 1 : i32
    %swap3A_50 = arith.index_cast %swap3A_49 : i32 to index
    %swap3A_51 = arith.constant 0 : index
    %swap3A_52 = tpu.vector_load %arg9[%swap3A_50, %swap3A_51] {strides = array<i32>} : memref<16x128xf32, #tpu.memory_space<vmem>>, vector<1x16xf32>,
    %swap3A_53 = vector.shape_cast %swap3A_52 : vector<1x16xf32> to vector<16xf32>
    %swap3A_54 = vector.shape_cast %broadcast_in_dim3A_1 : vector<16xf32> to vector<1x16xf32>
    tpu.vector_store %arg9[%swap3A_50, %swap3A_51], %swap3A_54 {strides = array<i32>} : memref<16x128xf32, #tpu.memory_space<vmem>>, vector<1x16xf32>,
    %swap3A_55 = arith.constant 1 : i32
    %swap3A_56 = arith.index_cast %swap3A_55 : i32 to index
    %swap3A_57 = arith.constant 16 : index
    %swap3A_58 = tpu.vector_load %arg9[%swap3A_56, %swap3A_57] {strides = array<i32>} : memref<16x128xf32, #tpu.memory_space<vmem>>, vector<1x16xf32>,
    %swap3A_59 = vector.shape_cast %swap3A_58 : vector<1x16xf32> to vector<16xf32>
    %swap3A_60 = vector.shape_cast %broadcast_in_dim3A_1 : vector<16xf32> to vector<1x16xf32>
    tpu.vector_store %arg9[%swap3A_56, %swap3A_57], %swap3A_60 {strides = array<i32>} : memref<16x128xf32, #tpu.memory_space<vmem>>, vector<1x16xf32>,
    %swap3A_61 = arith.constant 1 : i32
    %swap3A_62 = arith.index_cast %swap3A_61 : i32 to index
    %swap3A_63 = arith.constant 32 : index
    %swap3A_64 = tpu.vector_load %arg9[%swap3A_62, %swap3A_63] {strides = array<i32>} : memref<16x128xf32, #tpu.memory_space<vmem>>, vector<1x16xf32>,
    %swap3A_65 = vector.shape_cast %swap3A_64 : vector<1x16xf32> to vector<16xf32>
    %swap3A_66 = vector.shape_cast %broadcast_in_dim3A_1 : vector<16xf32> to vector<1x16xf32>
    tpu.vector_store %arg9[%swap3A_62, %swap3A_63], %swap3A_66 {strides = array<i32>} : memref<16x128xf32, #tpu.memory_space<vmem>>, vector<1x16xf32>,
    %swap3A_67 = arith.constant 1 : i32
    %swap3A_68 = arith.index_cast %swap3A_67 : i32 to index
    %swap3A_69 = arith.constant 48 : index
    %swap3A_70 = tpu.vector_load %arg9[%swap3A_68, %swap3A_69] {strides = array<i32>} : memref<16x128xf32, #tpu.memory_space<vmem>>, vector<1x16xf32>,
    %swap3A_71 = vector.shape_cast %swap3A_70 : vector<1x16xf32> to vector<16xf32>
    %swap3A_72 = vector.shape_cast %broadcast_in_dim3A_1 : vector<16xf32> to vector<1x16xf32>
    tpu.vector_store %arg9[%swap3A_68, %swap3A_69], %swap3A_72 {strides = array<i32>} : memref<16x128xf32, #tpu.memory_space<vmem>>, vector<1x16xf32>,
    %swap3A_73 = arith.constant 1 : i32
    %swap3A_74 = arith.index_cast %swap3A_73 : i32 to index
    %swap3A_75 = arith.constant 64 : index
    %swap3A_76 = tpu.vector_load %arg9[%swap3A_74, %swap3A_75] {strides = array<i32>} : memref<16x128xf32, #tpu.memory_space<vmem>>, vector<1x16xf32>,
    %swap3A_77 = vector.shape_cast %swap3A_76 : vector<1x16xf32> to vector<16xf32>
    %swap3A_78 = vector.shape_cast %broadcast_in_dim3A_1 : vector<16xf32> to vector<1x16xf32>
    tpu.vector_store %arg9[%swap3A_74, %swap3A_75], %swap3A_78 {strides = array<i32>} : memref<16x128xf32, #tpu.memory_space<vmem>>, vector<1x16xf32>,
    %swap3A_79 = arith.constant 1 : i32
    %swap3A_80 = arith.index_cast %swap3A_79 : i32 to index
    %swap3A_81 = arith.constant 80 : index
    %swap3A_82 = tpu.vector_load %arg9[%swap3A_80, %swap3A_81] {strides = array<i32>} : memref<16x128xf32, #tpu.memory_space<vmem>>, vector<1x16xf32>,
    %swap3A_83 = vector.shape_cast %swap3A_82 : vector<1x16xf32> to vector<16xf32>
    %swap3A_84 = vector.shape_cast %broadcast_in_dim3A_1 : vector<16xf32> to vector<1x16xf32>
    tpu.vector_store %arg9[%swap3A_80, %swap3A_81], %swap3A_84 {strides = array<i32>} : memref<16x128xf32, #tpu.memory_space<vmem>>, vector<1x16xf32>,
    %swap3A_85 = arith.constant 1 : i32
    %swap3A_86 = arith.index_cast %swap3A_85 : i32 to index
    %swap3A_87 = arith.constant 96 : index
    %swap3A_88 = tpu.vector_load %arg9[%swap3A_86, %swap3A_87] {strides = array<i32>} : memref<16x128xf32, #tpu.memory_space<vmem>>, vector<1x16xf32>,
    %swap3A_89 = vector.shape_cast %swap3A_88 : vector<1x16xf32> to vector<16xf32>
    %swap3A_90 = vector.shape_cast %broadcast_in_dim3A_1 : vector<16xf32> to vector<1x16xf32>
    tpu.vector_store %arg9[%swap3A_86, %swap3A_87], %swap3A_90 {strides = array<i32>} : memref<16x128xf32, #tpu.memory_space<vmem>>, vector<1x16xf32>,
    %swap3A_91 = arith.constant 1 : i32
    %swap3A_92 = arith.index_cast %swap3A_91 : i32 to index
    %swap3A_93 = arith.constant 112 : index
    %swap3A_94 = tpu.vector_load %arg9[%swap3A_92, %swap3A_93] {strides = array<i32>} : memref<16x128xf32, #tpu.memory_space<vmem>>, vector<1x16xf32>,
    %swap3A_95 = vector.shape_cast %swap3A_94 : vector<1x16xf32> to vector<16xf32>
    %swap3A_96 = vector.shape_cast %broadcast_in_dim3A_1 : vector<16xf32> to vector<1x16xf32>
    tpu.vector_store %arg9[%swap3A_92, %swap3A_93], %swap3A_96 {strides = array<i32>} : memref<16x128xf32, #tpu.memory_space<vmem>>, vector<1x16xf32>,
    %swap3A_97 = arith.constant 2 : i32
    %swap3A_98 = arith.index_cast %swap3A_97 : i32 to index
    %swap3A_99 = arith.constant 0 : index
    %swap3A_100 = tpu.vector_load %arg9[%swap3A_98, %swap3A_99] {strides = array<i32>} : memref<16x128xf32, #tpu.memory_space<vmem>>, vector<1x16xf32>,
    %swap3A_101 = vector.shape_cast %swap3A_100 : vector<1x16xf32> to vector<16xf32>
    %swap3A_102 = vector.shape_cast %broadcast_in_dim3A_1 : vector<16xf32> to vector<1x16xf32>
    tpu.vector_store %arg9[%swap3A_98, %swap3A_99], %swap3A_102 {strides = array<i32>} : memref<16x128xf32, #tpu.memory_space<vmem>>, vector<1x16xf32>,
    %swap3A_103 = arith.constant 2 : i32
    %swap3A_104 = arith.index_cast %swap3A_103 : i32 to index
    %swap3A_105 = arith.constant 16 : index
    %swap3A_106 = tpu.vector_load %arg9[%swap3A_104, %swap3A_105] {strides = array<i32>} : memref<16x128xf32, #tpu.memory_space<vmem>>, vector<1x16xf32>,
    %swap3A_107 = vector.shape_cast %swap3A_106 : vector<1x16xf32> to vector<16xf32>
    %swap3A_108 = vector.shape_cast %broadcast_in_dim3A_1 : vector<16xf32> to vector<1x16xf32>
    tpu.vector_store %arg9[%swap3A_104, %swap3A_105], %swap3A_108 {strides = array<i32>} : memref<16x128xf32, #tpu.memory_space<vmem>>, vector<1x16xf32>,
    %swap3A_109 = arith.constant 2 : i32
    %swap3A_110 = arith.index_cast %swap3A_109 : i32 to index
    %swap3A_111 = arith.constant 32 : index
    %swap3A_112 = tpu.vector_load %arg9[%swap3A_110, %swap3A_111] {strides = array<i32>} : memref<16x128xf32, #tpu.memory_space<vmem>>, vector<1x16xf32>,
    %swap3A_113 = vector.shape_cast %swap3A_112 : vector<1x16xf32> to vector<16xf32>
    %swap3A_114 = vector.shape_cast %broadcast_in_dim3A_1 : vector<16xf32> to vector<1x16xf32>
    tpu.vector_store %arg9[%swap3A_110, %swap3A_111], %swap3A_114 {strides = array<i32>} : memref<16x128xf32, #tpu.memory_space<vmem>>, vector<1x16xf32>,
    %swap3A_115 = arith.constant 2 : i32
    %swap3A_116 = arith.index_cast %swap3A_115 : i32 to index
    %swap3A_117 = arith.constant 48 : index
    %swap3A_118 = tpu.vector_load %arg9[%swap3A_116, %swap3A_117] {strides = array<i32>} : memref<16x128xf32, #tpu.memory_space<vmem>>, vector<1x16xf32>,
    %swap3A_119 = vector.shape_cast %swap3A_118 : vector<1x16xf32> to vector<16xf32>
    %swap3A_120 = vector.shape_cast %broadcast_in_dim3A_1 : vector<16xf32> to vector<1x16xf32>
    tpu.vector_store %arg9[%swap3A_116, %swap3A_117], %swap3A_120 {strides = array<i32>} : memref<16x128xf32, #tpu.memory_space<vmem>>, vector<1x16xf32>,
    %swap3A_121 = arith.constant 2 : i32
    %swap3A_122 = arith.index_cast %swap3A_121 : i32 to index
    %swap3A_123 = arith.constant 64 : index
    %swap3A_124 = tpu.vector_load %arg9[%swap3A_122, %swap3A_123] {strides = array<i32>} : memref<16x128xf32, #tpu.memory_space<vmem>>, vector<1x16xf32>,
    %swap3A_125 = vector.shape_cast %swap3A_124 : vector<1x16xf32> to vector<16xf32>
    %swap3A_126 = vector.shape_cast %broadcast_in_dim3A_1 : vector<16xf32> to vector<1x16xf32>
    tpu.vector_store %arg9[%swap3A_122, %swap3A_123], %swap3A_126 {strides = array<i32>} : memref<16x128xf32, #tpu.memory_space<vmem>>, vector<1x16xf32>,
    %swap3A_127 = arith.constant 2 : i32
    %swap3A_128 = arith.index_cast %swap3A_127 : i32 to index
    %swap3A_129 = arith.constant 80 : index
    %swap3A_130 = tpu.vector_load %arg9[%swap3A_128, %swap3A_129] {strides = array<i32>} : memref<16x128xf32, #tpu.memory_space<vmem>>, vector<1x16xf32>,
    %swap3A_131 = vector.shape_cast %swap3A_130 : vector<1x16xf32> to vector<16xf32>
    %swap3A_132 = vector.shape_cast %broadcast_in_dim3A_1 : vector<16xf32> to vector<1x16xf32>
    tpu.vector_store %arg9[%swap3A_128, %swap3A_129], %swap3A_132 {strides = array<i32>} : memref<16x128xf32, #tpu.memory_space<vmem>>, vector<1x16xf32>,
    %swap3A_133 = arith.constant 2 : i32
    %swap3A_134 = arith.index_cast %swap3A_133 : i32 to index
    %swap3A_135 = arith.constant 96 : index
    %swap3A_136 = tpu.vector_load %arg9[%swap3A_134, %swap3A_135] {strides = array<i32>} : memref<16x128xf32, #tpu.memory_space<vmem>>, vector<1x16xf32>,
    %swap3A_137 = vector.shape_cast %swap3A_136 : vector<1x16xf32> to vector<16xf32>
    %swap3A_138 = vector.shape_cast %broadcast_in_dim3A_1 : vector<16xf32> to vector<1x16xf32>
    tpu.vector_store %arg9[%swap3A_134, %swap3A_135], %swap3A_138 {strides = array<i32>} : memref<16x128xf32, #tpu.memory_space<vmem>>, vector<1x16xf32>,
    %swap3A_139 = arith.constant 2 : i32
    %swap3A_140 = arith.index_cast %swap3A_139 : i32 to index
    %swap3A_141 = arith.constant 112 : index
    %swap3A_142 = tpu.vector_load %arg9[%swap3A_140, %swap3A_141] {strides = array<i32>} : memref<16x128xf32, #tpu.memory_space<vmem>>, vector<1x16xf32>,
    %swap3A_143 = vector.shape_cast %swap3A_142 : vector<1x16xf32> to vector<16xf32>
    %swap3A_144 = vector.shape_cast %broadcast_in_dim3A_1 : vector<16xf32> to vector<1x16xf32>
    tpu.vector_store %arg9[%swap3A_140, %swap3A_141], %swap3A_144 {strides = array<i32>} : memref<16x128xf32, #tpu.memory_space<vmem>>, vector<1x16xf32>,
    %swap3A_145 = arith.constant 3 : i32
    %swap3A_146 = arith.index_cast %swap3A_145 : i32 to index
    %swap3A_147 = arith.constant 0 : index
    %swap3A_148 = tpu.vector_load %arg9[%swap3A_146, %swap3A_147] {strides = array<i32>} : memref<16x128xf32, #tpu.memory_space<vmem>>, vector<1x16xf32>,
    %swap3A_149 = vector.shape_cast %swap3A_148 : vector<1x16xf32> to vector<16xf32>
    %swap3A_150 = vector.shape_cast %broadcast_in_dim3A_1 : vector<16xf32> to vector<1x16xf32>
    tpu.vector_store %arg9[%swap3A_146, %swap3A_147], %swap3A_150 {strides = array<i32>} : memref<16x128xf32, #tpu.memory_space<vmem>>, vector<1x16xf32>,
    %swap3A_151 = arith.constant 3 : i32
    %swap3A_152 = arith.index_cast %swap3A_151 : i32 to index
    %swap3A_153 = arith.constant 16 : index
    %swap3A_154 = tpu.vector_load %arg9[%swap3A_152, %swap3A_153] {strides = array<i32>} : memref<16x128xf32, #tpu.memory_space<vmem>>, vector<1x16xf32>,
    %swap3A_155 = vector.shape_cast %swap3A_154 : vector<1x16xf32> to vector<16xf32>
    %swap3A_156 = vector.shape_cast %broadcast_in_dim3A_1 : vector<16xf32> to vector<1x16xf32>
    tpu.vector_store %arg9[%swap3A_152, %swap3A_153], %swap3A_156 {strides = array<i32>} : memref<16x128xf32, #tpu.memory_space<vmem>>, vector<1x16xf32>,
    %swap3A_157 = arith.constant 3 : i32
    %swap3A_158 = arith.index_cast %swap3A_157 : i32 to index
    %swap3A_159 = arith.constant 32 : index
    %swap3A_160 = tpu.vector_load %arg9[%swap3A_158, %swap3A_159] {strides = array<i32>} : memref<16x128xf32, #tpu.memory_space<vmem>>, vector<1x16xf32>,
    %swap3A_161 = vector.shape_cast %swap3A_160 : vector<1x16xf32> to vector<16xf32>
    %swap3A_162 = vector.shape_cast %broadcast_in_dim3A_1 : vector<16xf32> to vector<1x16xf32>
    tpu.vector_store %arg9[%swap3A_158, %swap3A_159], %swap3A_162 {strides = array<i32>} : memref<16x128xf32, #tpu.memory_space<vmem>>, vector<1x16xf32>,
    %swap3A_163 = arith.constant 3 : i32
    %swap3A_164 = arith.index_cast %swap3A_163 : i32 to index
    %swap3A_165 = arith.constant 48 : index
    %swap3A_166 = tpu.vector_load %arg9[%swap3A_164, %swap3A_165] {strides = array<i32>} : memref<16x128xf32, #tpu.memory_space<vmem>>, vector<1x16xf32>,
    %swap3A_167 = vector.shape_cast %swap3A_166 : vector<1x16xf32> to vector<16xf32>
    %swap3A_168 = vector.shape_cast %broadcast_in_dim3A_1 : vector<16xf32> to vector<1x16xf32>
    tpu.vector_store %arg9[%swap3A_164, %swap3A_165], %swap3A_168 {strides = array<i32>} : memref<16x128xf32, #tpu.memory_space<vmem>>, vector<1x16xf32>,
    %swap3A_169 = arith.constant 3 : i32
    %swap3A_170 = arith.index_cast %swap3A_169 : i32 to index
    %swap3A_171 = arith.constant 64 : index
    %swap3A_172 = tpu.vector_load %arg9[%swap3A_170, %swap3A_171] {strides = array<i32>} : memref<16x128xf32, #tpu.memory_space<vmem>>, vector<1x16xf32>,
    %swap3A_173 = vector.shape_cast %swap3A_172 : vector<1x16xf32> to vector<16xf32>
    %swap3A_174 = vector.shape_cast %broadcast_in_dim3A_1 : vector<16xf32> to vector<1x16xf32>
    tpu.vector_store %arg9[%swap3A_170, %swap3A_171], %swap3A_174 {strides = array<i32>} : memref<16x128xf32, #tpu.memory_space<vmem>>, vector<1x16xf32>,
    %swap3A_175 = arith.constant 3 : i32
    %swap3A_176 = arith.index_cast %swap3A_175 : i32 to index
    %swap3A_177 = arith.constant 80 : index
    %swap3A_178 = tpu.vector_load %arg9[%swap3A_176, %swap3A_177] {strides = array<i32>} : memref<16x128xf32, #tpu.memory_space<vmem>>, vector<1x16xf32>,
    %swap3A_179 = vector.shape_cast %swap3A_178 : vector<1x16xf32> to vector<16xf32>
    %swap3A_180 = vector.shape_cast %broadcast_in_dim3A_1 : vector<16xf32> to vector<1x16xf32>
    tpu.vector_store %arg9[%swap3A_176, %swap3A_177], %swap3A_180 {strides = array<i32>} : memref<16x128xf32, #tpu.memory_space<vmem>>, vector<1x16xf32>,
    %swap3A_181 = arith.constant 3 : i32
    %swap3A_182 = arith.index_cast %swap3A_181 : i32 to index
    %swap3A_183 = arith.constant 96 : index
    %swap3A_184 = tpu.vector_load %arg9[%swap3A_182, %swap3A_183] {strides = array<i32>} : memref<16x128xf32, #tpu.memory_space<vmem>>, vector<1x16xf32>,
    %swap3A_185 = vector.shape_cast %swap3A_184 : vector<1x16xf32> to vector<16xf32>
    %swap3A_186 = vector.shape_cast %broadcast_in_dim3A_1 : vector<16xf32> to vector<1x16xf32>
    tpu.vector_store %arg9[%swap3A_182, %swap3A_183], %swap3A_186 {strides = array<i32>} : memref<16x128xf32, #tpu.memory_space<vmem>>, vector<1x16xf32>,
    %swap3A_187 = arith.constant 3 : i32
    %swap3A_188 = arith.index_cast %swap3A_187 : i32 to index
    %swap3A_189 = arith.constant 112 : index
    %swap3A_190 = tpu.vector_load %arg9[%swap3A_188, %swap3A_189] {strides = array<i32>} : memref<16x128xf32, #tpu.memory_space<vmem>>, vector<1x16xf32>,
    %swap3A_191 = vector.shape_cast %swap3A_190 : vector<1x16xf32> to vector<16xf32>
    %swap3A_192 = vector.shape_cast %broadcast_in_dim3A_1 : vector<16xf32> to vector<1x16xf32>
    tpu.vector_store %arg9[%swap3A_188, %swap3A_189], %swap3A_192 {strides = array<i32>} : memref<16x128xf32, #tpu.memory_space<vmem>>, vector<1x16xf32>,
    %swap3A_193 = arith.constant 4 : i32
    %swap3A_194 = arith.index_cast %swap3A_193 : i32 to index
    %swap3A_195 = arith.constant 0 : index
    %swap3A_196 = tpu.vector_load %arg9[%swap3A_194, %swap3A_195] {strides = array<i32>} : memref<16x128xf32, #tpu.memory_space<vmem>>, vector<1x16xf32>,
    %swap3A_197 = vector.shape_cast %swap3A_196 : vector<1x16xf32> to vector<16xf32>
    %swap3A_198 = vector.shape_cast %broadcast_in_dim3A_1 : vector<16xf32> to vector<1x16xf32>
    tpu.vector_store %arg9[%swap3A_194, %swap3A_195], %swap3A_198 {strides = array<i32>} : memref<16x128xf32, #tpu.memory_space<vmem>>, vector<1x16xf32>,
    %swap3A_199 = arith.constant 4 : i32
    %swap3A_200 = arith.index_cast %swap3A_199 : i32 to index
    %swap3A_201 = arith.constant 16 : index
    %swap3A_202 = tpu.vector_load %arg9[%swap3A_200, %swap3A_201] {strides = array<i32>} : memref<16x128xf32, #tpu.memory_space<vmem>>, vector<1x16xf32>,
    %swap3A_203 = vector.shape_cast %swap3A_202 : vector<1x16xf32> to vector<16xf32>
    %swap3A_204 = vector.shape_cast %broadcast_in_dim3A_1 : vector<16xf32> to vector<1x16xf32>
    tpu.vector_store %arg9[%swap3A_200, %swap3A_201], %swap3A_204 {strides = array<i32>} : memref<16x128xf32, #tpu.memory_space<vmem>>, vector<1x16xf32>,
    %swap3A_205 = arith.constant 4 : i32
    %swap3A_206 = arith.index_cast %swap3A_205 : i32 to index
    %swap3A_207 = arith.constant 32 : index
    %swap3A_208 = tpu.vector_load %arg9[%swap3A_206, %swap3A_207] {strides = array<i32>} : memref<16x128xf32, #tpu.memory_space<vmem>>, vector<1x16xf32>,
    %swap3A_209 = vector.shape_cast %swap3A_208 : vector<1x16xf32> to vector<16xf32>
    %swap3A_210 = vector.shape_cast %broadcast_in_dim3A_1 : vector<16xf32> to vector<1x16xf32>
    tpu.vector_store %arg9[%swap3A_206, %swap3A_207], %swap3A_210 {strides = array<i32>} : memref<16x128xf32, #tpu.memory_space<vmem>>, vector<1x16xf32>,
    %swap3A_211 = arith.constant 4 : i32
    %swap3A_212 = arith.index_cast %swap3A_211 : i32 to index
    %swap3A_213 = arith.constant 48 : index
    %swap3A_214 = tpu.vector_load %arg9[%swap3A_212, %swap3A_213] {strides = array<i32>} : memref<16x128xf32, #tpu.memory_space<vmem>>, vector<1x16xf32>,
    %swap3A_215 = vector.shape_cast %swap3A_214 : vector<1x16xf32> to vector<16xf32>
    %swap3A_216 = vector.shape_cast %broadcast_in_dim3A_1 : vector<16xf32> to vector<1x16xf32>
    tpu.vector_store %arg9[%swap3A_212, %swap3A_213], %swap3A_216 {strides = array<i32>} : memref<16x128xf32, #tpu.memory_space<vmem>>, vector<1x16xf32>,
    %swap3A_217 = arith.constant 4 : i32
    %swap3A_218 = arith.index_cast %swap3A_217 : i32 to index
    %swap3A_219 = arith.constant 64 : index
    %swap3A_220 = tpu.vector_load %arg9[%swap3A_218, %swap3A_219] {strides = array<i32>} : memref<16x128xf32, #tpu.memory_space<vmem>>, vector<1x16xf32>,
    %swap3A_221 = vector.shape_cast %swap3A_220 : vector<1x16xf32> to vector<16xf32>
    %swap3A_222 = vector.shape_cast %broadcast_in_dim3A_1 : vector<16xf32> to vector<1x16xf32>
    tpu.vector_store %arg9[%swap3A_218, %swap3A_219], %swap3A_222 {strides = array<i32>} : memref<16x128xf32, #tpu.memory_space<vmem>>, vector<1x16xf32>,
    %swap3A_223 = arith.constant 4 : i32
    %swap3A_224 = arith.index_cast %swap3A_223 : i32 to index
    %swap3A_225 = arith.constant 80 : index
    %swap3A_226 = tpu.vector_load %arg9[%swap3A_224, %swap3A_225] {strides = array<i32>} : memref<16x128xf32, #tpu.memory_space<vmem>>, vector<1x16xf32>,
    %swap3A_227 = vector.shape_cast %swap3A_226 : vector<1x16xf32> to vector<16xf32>
    %swap3A_228 = vector.shape_cast %broadcast_in_dim3A_1 : vector<16xf32> to vector<1x16xf32>
    tpu.vector_store %arg9[%swap3A_224, %swap3A_225], %swap3A_228 {strides = array<i32>} : memref<16x128xf32, #tpu.memory_space<vmem>>, vector<1x16xf32>,
    %swap3A_229 = arith.constant 4 : i32
    %swap3A_230 = arith.index_cast %swap3A_229 : i32 to index
    %swap3A_231 = arith.constant 96 : index
    %swap3A_232 = tpu.vector_load %arg9[%swap3A_230, %swap3A_231] {strides = array<i32>} : memref<16x128xf32, #tpu.memory_space<vmem>>, vector<1x16xf32>,
    %swap3A_233 = vector.shape_cast %swap3A_232 : vector<1x16xf32> to vector<16xf32>
    %swap3A_234 = vector.shape_cast %broadcast_in_dim3A_1 : vector<16xf32> to vector<1x16xf32>
    tpu.vector_store %arg9[%swap3A_230, %swap3A_231], %swap3A_234 {strides = array<i32>} : memref<16x128xf32, #tpu.memory_space<vmem>>, vector<1x16xf32>,
    %swap3A_235 = arith.constant 4 : i32
    %swap3A_236 = arith.index_cast %swap3A_235 : i32 to index
    %swap3A_237 = arith.constant 112 : index
    %swap3A_238 = tpu.vector_load %arg9[%swap3A_236, %swap3A_237] {strides = array<i32>} : memref<16x128xf32, #tpu.memory_space<vmem>>, vector<1x16xf32>,
    %swap3A_239 = vector.shape_cast %swap3A_238 : vector<1x16xf32> to vector<16xf32>
    %swap3A_240 = vector.shape_cast %broadcast_in_dim3A_1 : vector<16xf32> to vector<1x16xf32>
    tpu.vector_store %arg9[%swap3A_236, %swap3A_237], %swap3A_240 {strides = array<i32>} : memref<16x128xf32, #tpu.memory_space<vmem>>, vector<1x16xf32>,
    %swap3A_241 = arith.constant 5 : i32
    %swap3A_242 = arith.index_cast %swap3A_241 : i32 to index
    %swap3A_243 = arith.constant 0 : index
    %swap3A_244 = tpu.vector_load %arg9[%swap3A_242, %swap3A_243] {strides = array<i32>} : memref<16x128xf32, #tpu.memory_space<vmem>>, vector<1x16xf32>,
    %swap3A_245 = vector.shape_cast %swap3A_244 : vector<1x16xf32> to vector<16xf32>
    %swap3A_246 = vector.shape_cast %broadcast_in_dim3A_1 : vector<16xf32> to vector<1x16xf32>
    tpu.vector_store %arg9[%swap3A_242, %swap3A_243], %swap3A_246 {strides = array<i32>} : memref<16x128xf32, #tpu.memory_space<vmem>>, vector<1x16xf32>,
    %swap3A_247 = arith.constant 5 : i32
    %swap3A_248 = arith.index_cast %swap3A_247 : i32 to index
    %swap3A_249 = arith.constant 16 : index
    %swap3A_250 = tpu.vector_load %arg9[%swap3A_248, %swap3A_249] {strides = array<i32>} : memref<16x128xf32, #tpu.memory_space<vmem>>, vector<1x16xf32>,
    %swap3A_251 = vector.shape_cast %swap3A_250 : vector<1x16xf32> to vector<16xf32>
    %swap3A_252 = vector.shape_cast %broadcast_in_dim3A_1 : vector<16xf32> to vector<1x16xf32>
    tpu.vector_store %arg9[%swap3A_248, %swap3A_249], %swap3A_252 {strides = array<i32>} : memref<16x128xf32, #tpu.memory_space<vmem>>, vector<1x16xf32>,
    %swap3A_253 = arith.constant 5 : i32
    %swap3A_254 = arith.index_cast %swap3A_253 : i32 to index
    %swap3A_255 = arith.constant 32 : index
    %swap3A_256 = tpu.vector_load %arg9[%swap3A_254, %swap3A_255] {strides = array<i32>} : memref<16x128xf32, #tpu.memory_space<vmem>>, vector<1x16xf32>,
    %swap3A_257 = vector.shape_cast %swap3A_256 : vector<1x16xf32> to vector<16xf32>
    %swap3A_258 = vector.shape_cast %broadcast_in_dim3A_1 : vector<16xf32> to vector<1x16xf32>
    tpu.vector_store %arg9[%swap3A_254, %swap3A_255], %swap3A_258 {strides = array<i32>} : memref<16x128xf32, #tpu.memory_space<vmem>>, vector<1x16xf32>,
    %swap3A_259 = arith.constant 5 : i32
    %swap3A_260 = arith.index_cast %swap3A_259 : i32 to index
    %swap3A_261 = arith.constant 48 : index
    %swap3A_262 = tpu.vector_load %arg9[%swap3A_260, %swap3A_261] {strides = array<i32>} : memref<16x128xf32, #tpu.memory_space<vmem>>, vector<1x16xf32>,
    %swap3A_263 = vector.shape_cast %swap3A_262 : vector<1x16xf32> to vector<16xf32>
    %swap3A_264 = vector.shape_cast %broadcast_in_dim3A_1 : vector<16xf32> to vector<1x16xf32>
    tpu.vector_store %arg9[%swap3A_260, %swap3A_261], %swap3A_264 {strides = array<i32>} : memref<16x128xf32, #tpu.memory_space<vmem>>, vector<1x16xf32>,
    %swap3A_265 = arith.constant 5 : i32
    %swap3A_266 = arith.index_cast %swap3A_265 : i32 to index
    %swap3A_267 = arith.constant 64 : index
    %swap3A_268 = tpu.vector_load %arg9[%swap3A_266, %swap3A_267] {strides = array<i32>} : memref<16x128xf32, #tpu.memory_space<vmem>>, vector<1x16xf32>,
    %swap3A_269 = vector.shape_cast %swap3A_268 : vector<1x16xf32> to vector<16xf32>
    %swap3A_270 = vector.shape_cast %broadcast_in_dim3A_1 : vector<16xf32> to vector<1x16xf32>
    tpu.vector_store %arg9[%swap3A_266, %swap3A_267], %swap3A_270 {strides = array<i32>} : memref<16x128xf32, #tpu.memory_space<vmem>>, vector<1x16xf32>,
    %swap3A_271 = arith.constant 5 : i32
    %swap3A_272 = arith.index_cast %swap3A_271 : i32 to index
    %swap3A_273 = arith.constant 80 : index
    %swap3A_274 = tpu.vector_load %arg9[%swap3A_272, %swap3A_273] {strides = array<i32>} : memref<16x128xf32, #tpu.memory_space<vmem>>, vector<1x16xf32>,
    %swap3A_275 = vector.shape_cast %swap3A_274 : vector<1x16xf32> to vector<16xf32>
    %swap3A_276 = vector.shape_cast %broadcast_in_dim3A_1 : vector<16xf32> to vector<1x16xf32>
    tpu.vector_store %arg9[%swap3A_272, %swap3A_273], %swap3A_276 {strides = array<i32>} : memref<16x128xf32, #tpu.memory_space<vmem>>, vector<1x16xf32>,
    %swap3A_277 = arith.constant 5 : i32
    %swap3A_278 = arith.index_cast %swap3A_277 : i32 to index
    %swap3A_279 = arith.constant 96 : index
    %swap3A_280 = tpu.vector_load %arg9[%swap3A_278, %swap3A_279] {strides = array<i32>} : memref<16x128xf32, #tpu.memory_space<vmem>>, vector<1x16xf32>,
    %swap3A_281 = vector.shape_cast %swap3A_280 : vector<1x16xf32> to vector<16xf32>
    %swap3A_282 = vector.shape_cast %broadcast_in_dim3A_1 : vector<16xf32> to vector<1x16xf32>
    tpu.vector_store %arg9[%swap3A_278, %swap3A_279], %swap3A_282 {strides = array<i32>} : memref<16x128xf32, #tpu.memory_space<vmem>>, vector<1x16xf32>,
    %swap3A_283 = arith.constant 5 : i32
    %swap3A_284 = arith.index_cast %swap3A_283 : i32 to index
    %swap3A_285 = arith.constant 112 : index
    %swap3A_286 = tpu.vector_load %arg9[%swap3A_284, %swap3A_285] {strides = array<i32>} : memref<16x128xf32, #tpu.memory_space<vmem>>, vector<1x16xf32>,
    %swap3A_287 = vector.shape_cast %swap3A_286 : vector<1x16xf32> to vector<16xf32>
    %swap3A_288 = vector.shape_cast %broadcast_in_dim3A_1 : vector<16xf32> to vector<1x16xf32>
    tpu.vector_store %arg9[%swap3A_284, %swap3A_285], %swap3A_288 {strides = array<i32>} : memref<16x128xf32, #tpu.memory_space<vmem>>, vector<1x16xf32>,
    %swap3A_289 = arith.constant 6 : i32
    %swap3A_290 = arith.index_cast %swap3A_289 : i32 to index
    %swap3A_291 = arith.constant 0 : index
    %swap3A_292 = tpu.vector_load %arg9[%swap3A_290, %swap3A_291] {strides = array<i32>} : memref<16x128xf32, #tpu.memory_space<vmem>>, vector<1x16xf32>,
    %swap3A_293 = vector.shape_cast %swap3A_292 : vector<1x16xf32> to vector<16xf32>
    %swap3A_294 = vector.shape_cast %broadcast_in_dim3A_1 : vector<16xf32> to vector<1x16xf32>
    tpu.vector_store %arg9[%swap3A_290, %swap3A_291], %swap3A_294 {strides = array<i32>} : memref<16x128xf32, #tpu.memory_space<vmem>>, vector<1x16xf32>,
    %swap3A_295 = arith.constant 6 : i32
    %swap3A_296 = arith.index_cast %swap3A_295 : i32 to index
    %swap3A_297 = arith.constant 16 : index
    %swap3A_298 = tpu.vector_load %arg9[%swap3A_296, %swap3A_297] {strides = array<i32>} : memref<16x128xf32, #tpu.memory_space<vmem>>, vector<1x16xf32>,
    %swap3A_299 = vector.shape_cast %swap3A_298 : vector<1x16xf32> to vector<16xf32>
    %swap3A_300 = vector.shape_cast %broadcast_in_dim3A_1 : vector<16xf32> to vector<1x16xf32>
    tpu.vector_store %arg9[%swap3A_296, %swap3A_297], %swap3A_300 {strides = array<i32>} : memref<16x128xf32, #tpu.memory_space<vmem>>, vector<1x16xf32>,
    %swap3A_301 = arith.constant 6 : i32
    %swap3A_302 = arith.index_cast %swap3A_301 : i32 to index
    %swap3A_303 = arith.constant 32 : index
    %swap3A_304 = tpu.vector_load %arg9[%swap3A_302, %swap3A_303] {strides = array<i32>} : memref<16x128xf32, #tpu.memory_space<vmem>>, vector<1x16xf32>,
    %swap3A_305 = vector.shape_cast %swap3A_304 : vector<1x16xf32> to vector<16xf32>
    %swap3A_306 = vector.shape_cast %broadcast_in_dim3A_1 : vector<16xf32> to vector<1x16xf32>
    tpu.vector_store %arg9[%swap3A_302, %swap3A_303], %swap3A_306 {strides = array<i32>} : memref<16x128xf32, #tpu.memory_space<vmem>>, vector<1x16xf32>,
    %swap3A_307 = arith.constant 6 : i32
    %swap3A_308 = arith.index_cast %swap3A_307 : i32 to index
    %swap3A_309 = arith.constant 48 : index
    %swap3A_310 = tpu.vector_load %arg9[%swap3A_308, %swap3A_309] {strides = array<i32>} : memref<16x128xf32, #tpu.memory_space<vmem>>, vector<1x16xf32>,
    %swap3A_311 = vector.shape_cast %swap3A_310 : vector<1x16xf32> to vector<16xf32>
    %swap3A_312 = vector.shape_cast %broadcast_in_dim3A_1 : vector<16xf32> to vector<1x16xf32>
    tpu.vector_store %arg9[%swap3A_308, %swap3A_309], %swap3A_312 {strides = array<i32>} : memref<16x128xf32, #tpu.memory_space<vmem>>, vector<1x16xf32>,
    %swap3A_313 = arith.constant 6 : i32
    %swap3A_314 = arith.index_cast %swap3A_313 : i32 to index
    %swap3A_315 = arith.constant 64 : index
    %swap3A_316 = tpu.vector_load %arg9[%swap3A_314, %swap3A_315] {strides = array<i32>} : memref<16x128xf32, #tpu.memory_space<vmem>>, vector<1x16xf32>,
    %swap3A_317 = vector.shape_cast %swap3A_316 : vector<1x16xf32> to vector<16xf32>
    %swap3A_318 = vector.shape_cast %broadcast_in_dim3A_1 : vector<16xf32> to vector<1x16xf32>
    tpu.vector_store %arg9[%swap3A_314, %swap3A_315], %swap3A_318 {strides = array<i32>} : memref<16x128xf32, #tpu.memory_space<vmem>>, vector<1x16xf32>,
    %swap3A_319 = arith.constant 6 : i32
    %swap3A_320 = arith.index_cast %swap3A_319 : i32 to index
    %swap3A_321 = arith.constant 80 : index
    %swap3A_322 = tpu.vector_load %arg9[%swap3A_320, %swap3A_321] {strides = array<i32>} : memref<16x128xf32, #tpu.memory_space<vmem>>, vector<1x16xf32>,
    %swap3A_323 = vector.shape_cast %swap3A_322 : vector<1x16xf32> to vector<16xf32>
    %swap3A_324 = vector.shape_cast %broadcast_in_dim3A_1 : vector<16xf32> to vector<1x16xf32>
    tpu.vector_store %arg9[%swap3A_320, %swap3A_321], %swap3A_324 {strides = array<i32>} : memref<16x128xf32, #tpu.memory_space<vmem>>, vector<1x16xf32>,
    %swap3A_325 = arith.constant 6 : i32
    %swap3A_326 = arith.index_cast %swap3A_325 : i32 to index
    %swap3A_327 = arith.constant 96 : index
    %swap3A_328 = tpu.vector_load %arg9[%swap3A_326, %swap3A_327] {strides = array<i32>} : memref<16x128xf32, #tpu.memory_space<vmem>>, vector<1x16xf32>,
    %swap3A_329 = vector.shape_cast %swap3A_328 : vector<1x16xf32> to vector<16xf32>
    %swap3A_330 = vector.shape_cast %broadcast_in_dim3A_1 : vector<16xf32> to vector<1x16xf32>
    tpu.vector_store %arg9[%swap3A_326, %swap3A_327], %swap3A_330 {strides = array<i32>} : memref<16x128xf32, #tpu.memory_space<vmem>>, vector<1x16xf32>,
    %swap3A_331 = arith.constant 6 : i32
    %swap3A_332 = arith.index_cast %swap3A_331 : i32 to index
    %swap3A_333 = arith.constant 112 : index
    %swap3A_334 = tpu.vector_load %arg9[%swap3A_332, %swap3A_333] {strides = array<i32>} : memref<16x128xf32, #tpu.memory_space<vmem>>, vector<1x16xf32>,
    %swap3A_335 = vector.shape_cast %swap3A_334 : vector<1x16xf32> to vector<16xf32>
    %swap3A_336 = vector.shape_cast %broadcast_in_dim3A_1 : vector<16xf32> to vector<1x16xf32>
    tpu.vector_store %arg9[%swap3A_332, %swap3A_333], %swap3A_336 {strides = array<i32>} : memref<16x128xf32, #tpu.memory_space<vmem>>, vector<1x16xf32>,
    %swap3A_337 = arith.constant 7 : i32
    %swap3A_338 = arith.index_cast %swap3A_337 : i32 to index
    %swap3A_339 = arith.constant 0 : index
    %swap3A_340 = tpu.vector_load %arg9[%swap3A_338, %swap3A_339] {strides = array<i32>} : memref<16x128xf32, #tpu.memory_space<vmem>>, vector<1x16xf32>,
    %swap3A_341 = vector.shape_cast %swap3A_340 : vector<1x16xf32> to vector<16xf32>
    %swap3A_342 = vector.shape_cast %broadcast_in_dim3A_1 : vector<16xf32> to vector<1x16xf32>
    tpu.vector_store %arg9[%swap3A_338, %swap3A_339], %swap3A_342 {strides = array<i32>} : memref<16x128xf32, #tpu.memory_space<vmem>>, vector<1x16xf32>,
    %swap3A_343 = arith.constant 7 : i32
    %swap3A_344 = arith.index_cast %swap3A_343 : i32 to index
    %swap3A_345 = arith.constant 16 : index
    %swap3A_346 = tpu.vector_load %arg9[%swap3A_344, %swap3A_345] {strides = array<i32>} : memref<16x128xf32, #tpu.memory_space<vmem>>, vector<1x16xf32>,
    %swap3A_347 = vector.shape_cast %swap3A_346 : vector<1x16xf32> to vector<16xf32>
    %swap3A_348 = vector.shape_cast %broadcast_in_dim3A_1 : vector<16xf32> to vector<1x16xf32>
    tpu.vector_store %arg9[%swap3A_344, %swap3A_345], %swap3A_348 {strides = array<i32>} : memref<16x128xf32, #tpu.memory_space<vmem>>, vector<1x16xf32>,
    %swap3A_349 = arith.constant 7 : i32
    %swap3A_350 = arith.index_cast %swap3A_349 : i32 to index
    %swap3A_351 = arith.constant 32 : index
    %swap3A_352 = tpu.vector_load %arg9[%swap3A_350, %swap3A_351] {strides = array<i32>} : memref<16x128xf32, #tpu.memory_space<vmem>>, vector<1x16xf32>,
    %swap3A_353 = vector.shape_cast %swap3A_352 : vector<1x16xf32> to vector<16xf32>
    %swap3A_354 = vector.shape_cast %broadcast_in_dim3A_1 : vector<16xf32> to vector<1x16xf32>
    tpu.vector_store %arg9[%swap3A_350, %swap3A_351], %swap3A_354 {strides = array<i32>} : memref<16x128xf32, #tpu.memory_space<vmem>>, vector<1x16xf32>,
    %swap3A_355 = arith.constant 7 : i32
    %swap3A_356 = arith.index_cast %swap3A_355 : i32 to index
    %swap3A_357 = arith.constant 48 : index
    %swap3A_358 = tpu.vector_load %arg9[%swap3A_356, %swap3A_357] {strides = array<i32>} : memref<16x128xf32, #tpu.memory_space<vmem>>, vector<1x16xf32>,
    %swap3A_359 = vector.shape_cast %swap3A_358 : vector<1x16xf32> to vector<16xf32>
    %swap3A_360 = vector.shape_cast %broadcast_in_dim3A_1 : vector<16xf32> to vector<1x16xf32>
    tpu.vector_store %arg9[%swap3A_356, %swap3A_357], %swap3A_360 {strides = array<i32>} : memref<16x128xf32, #tpu.memory_space<vmem>>, vector<1x16xf32>,
    %swap3A_361 = arith.constant 7 : i32
    %swap3A_362 = arith.index_cast %swap3A_361 : i32 to index
    %swap3A_363 = arith.constant 64 : index
    %swap3A_364 = tpu.vector_load %arg9[%swap3A_362, %swap3A_363] {strides = array<i32>} : memref<16x128xf32, #tpu.memory_space<vmem>>, vector<1x16xf32>,
    %swap3A_365 = vector.shape_cast %swap3A_364 : vector<1x16xf32> to vector<16xf32>
    %swap3A_366 = vector.shape_cast %broadcast_in_dim3A_1 : vector<16xf32> to vector<1x16xf32>
    tpu.vector_store %arg9[%swap3A_362, %swap3A_363], %swap3A_366 {strides = array<i32>} : memref<16x128xf32, #tpu.memory_space<vmem>>, vector<1x16xf32>,
    %swap3A_367 = arith.constant 7 : i32
    %swap3A_368 = arith.index_cast %swap3A_367 : i32 to index
    %swap3A_369 = arith.constant 80 : index
    %swap3A_370 = tpu.vector_load %arg9[%swap3A_368, %swap3A_369] {strides = array<i32>} : memref<16x128xf32, #tpu.memory_space<vmem>>, vector<1x16xf32>,
    %swap3A_371 = vector.shape_cast %swap3A_370 : vector<1x16xf32> to vector<16xf32>
    %swap3A_372 = vector.shape_cast %broadcast_in_dim3A_1 : vector<16xf32> to vector<1x16xf32>
    tpu.vector_store %arg9[%swap3A_368, %swap3A_369], %swap3A_372 {strides = array<i32>} : memref<16x128xf32, #tpu.memory_space<vmem>>, vector<1x16xf32>,
    %swap3A_373 = arith.constant 7 : i32
    %swap3A_374 = arith.index_cast %swap3A_373 : i32 to index
    %swap3A_375 = arith.constant 96 : index
    %swap3A_376 = tpu.vector_load %arg9[%swap3A_374, %swap3A_375] {strides = array<i32>} : memref<16x128xf32, #tpu.memory_space<vmem>>, vector<1x16xf32>,
    %swap3A_377 = vector.shape_cast %swap3A_376 : vector<1x16xf32> to vector<16xf32>
    %swap3A_378 = vector.shape_cast %broadcast_in_dim3A_1 : vector<16xf32> to vector<1x16xf32>
    tpu.vector_store %arg9[%swap3A_374, %swap3A_375], %swap3A_378 {strides = array<i32>} : memref<16x128xf32, #tpu.memory_space<vmem>>, vector<1x16xf32>,
    %swap3A_379 = arith.constant 7 : i32
    %swap3A_380 = arith.index_cast %swap3A_379 : i32 to index
    %swap3A_381 = arith.constant 112 : index
    %swap3A_382 = tpu.vector_load %arg9[%swap3A_380, %swap3A_381] {strides = array<i32>} : memref<16x128xf32, #tpu.memory_space<vmem>>, vector<1x16xf32>,
    %swap3A_383 = vector.shape_cast %swap3A_382 : vector<1x16xf32> to vector<16xf32>
    %swap3A_384 = vector.shape_cast %broadcast_in_dim3A_1 : vector<16xf32> to vector<1x16xf32>
    tpu.vector_store %arg9[%swap3A_380, %swap3A_381], %swap3A_384 {strides = array<i32>} : memref<16x128xf32, #tpu.memory_space<vmem>>, vector<1x16xf32>,
    %swap3A_385 = arith.constant 8 : i32
    %swap3A_386 = arith.index_cast %swap3A_385 : i32 to index
    %swap3A_387 = arith.constant 0 : index
    %swap3A_388 = tpu.vector_load %arg9[%swap3A_386, %swap3A_387] {strides = array<i32>} : memref<16x128xf32, #tpu.memory_space<vmem>>, vector<1x16xf32>,
    %swap3A_389 = vector.shape_cast %swap3A_388 : vector<1x16xf32> to vector<16xf32>
    %swap3A_390 = vector.shape_cast %broadcast_in_dim3A_1 : vector<16xf32> to vector<1x16xf32>
    tpu.vector_store %arg9[%swap3A_386, %swap3A_387], %swap3A_390 {strides = array<i32>} : memref<16x128xf32, #tpu.memory_space<vmem>>, vector<1x16xf32>,
    %swap3A_391 = arith.constant 8 : i32
    %swap3A_392 = arith.index_cast %swap3A_391 : i32 to index
    %swap3A_393 = arith.constant 16 : index
    %swap3A_394 = tpu.vector_load %arg9[%swap3A_392, %swap3A_393] {strides = array<i32>} : memref<16x128xf32, #tpu.memory_space<vmem>>, vector<1x16xf32>,
    %swap3A_395 = vector.shape_cast %swap3A_394 : vector<1x16xf32> to vector<16xf32>
    %swap3A_396 = vector.shape_cast %broadcast_in_dim3A_1 : vector<16xf32> to vector<1x16xf32>
    tpu.vector_store %arg9[%swap3A_392, %swap3A_393], %swap3A_396 {strides = array<i32>} : memref<16x128xf32, #tpu.memory_space<vmem>>, vector<1x16xf32>,
    %swap3A_397 = arith.constant 8 : i32
    %swap3A_398 = arith.index_cast %swap3A_397 : i32 to index
    %swap3A_399 = arith.constant 32 : index
    %swap3A_400 = tpu.vector_load %arg9[%swap3A_398, %swap3A_399] {strides = array<i32>} : memref<16x128xf32, #tpu.memory_space<vmem>>, vector<1x16xf32>,
    %swap3A_401 = vector.shape_cast %swap3A_400 : vector<1x16xf32> to vector<16xf32>
    %swap3A_402 = vector.shape_cast %broadcast_in_dim3A_1 : vector<16xf32> to vector<1x16xf32>
    tpu.vector_store %arg9[%swap3A_398, %swap3A_399], %swap3A_402 {strides = array<i32>} : memref<16x128xf32, #tpu.memory_space<vmem>>, vector<1x16xf32>,
    %swap3A_403 = arith.constant 8 : i32
    %swap3A_404 = arith.index_cast %swap3A_403 : i32 to index
    %swap3A_405 = arith.constant 48 : index
    %swap3A_406 = tpu.vector_load %arg9[%swap3A_404, %swap3A_405] {strides = array<i32>} : memref<16x128xf32, #tpu.memory_space<vmem>>, vector<1x16xf32>,
    %swap3A_407 = vector.shape_cast %swap3A_406 : vector<1x16xf32> to vector<16xf32>
    %swap3A_408 = vector.shape_cast %broadcast_in_dim3A_1 : vector<16xf32> to vector<1x16xf32>
    tpu.vector_store %arg9[%swap3A_404, %swap3A_405], %swap3A_408 {strides = array<i32>} : memref<16x128xf32, #tpu.memory_space<vmem>>, vector<1x16xf32>,
    %swap3A_409 = arith.constant 8 : i32
    %swap3A_410 = arith.index_cast %swap3A_409 : i32 to index
    %swap3A_411 = arith.constant 64 : index
    %swap3A_412 = tpu.vector_load %arg9[%swap3A_410, %swap3A_411] {strides = array<i32>} : memref<16x128xf32, #tpu.memory_space<vmem>>, vector<1x16xf32>,
    %swap3A_413 = vector.shape_cast %swap3A_412 : vector<1x16xf32> to vector<16xf32>
    %swap3A_414 = vector.shape_cast %broadcast_in_dim3A_1 : vector<16xf32> to vector<1x16xf32>
    tpu.vector_store %arg9[%swap3A_410, %swap3A_411], %swap3A_414 {strides = array<i32>} : memref<16x128xf32, #tpu.memory_space<vmem>>, vector<1x16xf32>,
    %swap3A_415 = arith.constant 8 : i32
    %swap3A_416 = arith.index_cast %swap3A_415 : i32 to index
    %swap3A_417 = arith.constant 80 : index
    %swap3A_418 = tpu.vector_load %arg9[%swap3A_416, %swap3A_417] {strides = array<i32>} : memref<16x128xf32, #tpu.memory_space<vmem>>, vector<1x16xf32>,
    %swap3A_419 = vector.shape_cast %swap3A_418 : vector<1x16xf32> to vector<16xf32>
    %swap3A_420 = vector.shape_cast %broadcast_in_dim3A_1 : vector<16xf32> to vector<1x16xf32>
    tpu.vector_store %arg9[%swap3A_416, %swap3A_417], %swap3A_420 {strides = array<i32>} : memref<16x128xf32, #tpu.memory_space<vmem>>, vector<1x16xf32>,
    %swap3A_421 = arith.constant 8 : i32
    %swap3A_422 = arith.index_cast %swap3A_421 : i32 to index
    %swap3A_423 = arith.constant 96 : index
    %swap3A_424 = tpu.vector_load %arg9[%swap3A_422, %swap3A_423] {strides = array<i32>} : memref<16x128xf32, #tpu.memory_space<vmem>>, vector<1x16xf32>,
    %swap3A_425 = vector.shape_cast %swap3A_424 : vector<1x16xf32> to vector<16xf32>
    %swap3A_426 = vector.shape_cast %broadcast_in_dim3A_1 : vector<16xf32> to vector<1x16xf32>
    tpu.vector_store %arg9[%swap3A_422, %swap3A_423], %swap3A_426 {strides = array<i32>} : memref<16x128xf32, #tpu.memory_space<vmem>>, vector<1x16xf32>,
    %swap3A_427 = arith.constant 8 : i32
    %swap3A_428 = arith.index_cast %swap3A_427 : i32 to index
    %swap3A_429 = arith.constant 112 : index
    %swap3A_430 = tpu.vector_load %arg9[%swap3A_428, %swap3A_429] {strides = array<i32>} : memref<16x128xf32, #tpu.memory_space<vmem>>, vector<1x16xf32>,
    %swap3A_431 = vector.shape_cast %swap3A_430 : vector<1x16xf32> to vector<16xf32>
    %swap3A_432 = vector.shape_cast %broadcast_in_dim3A_1 : vector<16xf32> to vector<1x16xf32>
    tpu.vector_store %arg9[%swap3A_428, %swap3A_429], %swap3A_432 {strides = array<i32>} : memref<16x128xf32, #tpu.memory_space<vmem>>, vector<1x16xf32>,
    %swap3A_433 = arith.constant 9 : i32
    %swap3A_434 = arith.index_cast %swap3A_433 : i32 to index
    %swap3A_435 = arith.constant 0 : index
    %swap3A_436 = tpu.vector_load %arg9[%swap3A_434, %swap3A_435] {strides = array<i32>} : memref<16x128xf32, #tpu.memory_space<vmem>>, vector<1x16xf32>,
    %swap3A_437 = vector.shape_cast %swap3A_436 : vector<1x16xf32> to vector<16xf32>
    %swap3A_438 = vector.shape_cast %broadcast_in_dim3A_1 : vector<16xf32> to vector<1x16xf32>
    tpu.vector_store %arg9[%swap3A_434, %swap3A_435], %swap3A_438 {strides = array<i32>} : memref<16x128xf32, #tpu.memory_space<vmem>>, vector<1x16xf32>,
    %swap3A_439 = arith.constant 9 : i32
    %swap3A_440 = arith.index_cast %swap3A_439 : i32 to index
    %swap3A_441 = arith.constant 16 : index
    %swap3A_442 = tpu.vector_load %arg9[%swap3A_440, %swap3A_441] {strides = array<i32>} : memref<16x128xf32, #tpu.memory_space<vmem>>, vector<1x16xf32>,
    %swap3A_443 = vector.shape_cast %swap3A_442 : vector<1x16xf32> to vector<16xf32>
    %swap3A_444 = vector.shape_cast %broadcast_in_dim3A_1 : vector<16xf32> to vector<1x16xf32>
    tpu.vector_store %arg9[%swap3A_440, %swap3A_441], %swap3A_444 {strides = array<i32>} : memref<16x128xf32, #tpu.memory_space<vmem>>, vector<1x16xf32>,
    %swap3A_445 = arith.constant 9 : i32
    %swap3A_446 = arith.index_cast %swap3A_445 : i32 to index
    %swap3A_447 = arith.constant 32 : index
    %swap3A_448 = tpu.vector_load %arg9[%swap3A_446, %swap3A_447] {strides = array<i32>} : memref<16x128xf32, #tpu.memory_space<vmem>>, vector<1x16xf32>,
    %swap3A_449 = vector.shape_cast %swap3A_448 : vector<1x16xf32> to vector<16xf32>
    %swap3A_450 = vector.shape_cast %broadcast_in_dim3A_1 : vector<16xf32> to vector<1x16xf32>
    tpu.vector_store %arg9[%swap3A_446, %swap3A_447], %swap3A_450 {strides = array<i32>} : memref<16x128xf32, #tpu.memory_space<vmem>>, vector<1x16xf32>,
    %swap3A_451 = arith.constant 9 : i32
    %swap3A_452 = arith.index_cast %swap3A_451 : i32 to index
    %swap3A_453 = arith.constant 48 : index
    %swap3A_454 = tpu.vector_load %arg9[%swap3A_452, %swap3A_453] {strides = array<i32>} : memref<16x128xf32, #tpu.memory_space<vmem>>, vector<1x16xf32>,
    %swap3A_455 = vector.shape_cast %swap3A_454 : vector<1x16xf32> to vector<16xf32>
    %swap3A_456 = vector.shape_cast %broadcast_in_dim3A_1 : vector<16xf32> to vector<1x16xf32>
    tpu.vector_store %arg9[%swap3A_452, %swap3A_453], %swap3A_456 {strides = array<i32>} : memref<16x128xf32, #tpu.memory_space<vmem>>, vector<1x16xf32>,
    %swap3A_457 = arith.constant 9 : i32
    %swap3A_458 = arith.index_cast %swap3A_457 : i32 to index
    %swap3A_459 = arith.constant 64 : index
    %swap3A_460 = tpu.vector_load %arg9[%swap3A_458, %swap3A_459] {strides = array<i32>} : memref<16x128xf32, #tpu.memory_space<vmem>>, vector<1x16xf32>,
    %swap3A_461 = vector.shape_cast %swap3A_460 : vector<1x16xf32> to vector<16xf32>
    %swap3A_462 = vector.shape_cast %broadcast_in_dim3A_1 : vector<16xf32> to vector<1x16xf32>
    tpu.vector_store %arg9[%swap3A_458, %swap3A_459], %swap3A_462 {strides = array<i32>} : memref<16x128xf32, #tpu.memory_space<vmem>>, vector<1x16xf32>,
    %swap3A_463 = arith.constant 9 : i32
    %swap3A_464 = arith.index_cast %swap3A_463 : i32 to index
    %swap3A_465 = arith.constant 80 : index
    %swap3A_466 = tpu.vector_load %arg9[%swap3A_464, %swap3A_465] {strides = array<i32>} : memref<16x128xf32, #tpu.memory_space<vmem>>, vector<1x16xf32>,
    %swap3A_467 = vector.shape_cast %swap3A_466 : vector<1x16xf32> to vector<16xf32>
    %swap3A_468 = vector.shape_cast %broadcast_in_dim3A_1 : vector<16xf32> to vector<1x16xf32>
    tpu.vector_store %arg9[%swap3A_464, %swap3A_465], %swap3A_468 {strides = array<i32>} : memref<16x128xf32, #tpu.memory_space<vmem>>, vector<1x16xf32>,
    %swap3A_469 = arith.constant 9 : i32
    %swap3A_470 = arith.index_cast %swap3A_469 : i32 to index
    %swap3A_471 = arith.constant 96 : index
    %swap3A_472 = tpu.vector_load %arg9[%swap3A_470, %swap3A_471] {strides = array<i32>} : memref<16x128xf32, #tpu.memory_space<vmem>>, vector<1x16xf32>,
    %swap3A_473 = vector.shape_cast %swap3A_472 : vector<1x16xf32> to vector<16xf32>
    %swap3A_474 = vector.shape_cast %broadcast_in_dim3A_1 : vector<16xf32> to vector<1x16xf32>
    tpu.vector_store %arg9[%swap3A_470, %swap3A_471], %swap3A_474 {strides = array<i32>} : memref<16x128xf32, #tpu.memory_space<vmem>>, vector<1x16xf32>,
    %swap3A_475 = arith.constant 9 : i32
    %swap3A_476 = arith.index_cast %swap3A_475 : i32 to index
    %swap3A_477 = arith.constant 112 : index
    %swap3A_478 = tpu.vector_load %arg9[%swap3A_476, %swap3A_477] {strides = array<i32>} : memref<16x128xf32, #tpu.memory_space<vmem>>, vector<1x16xf32>,
    %swap3A_479 = vector.shape_cast %swap3A_478 : vector<1x16xf32> to vector<16xf32>
    %swap3A_480 = vector.shape_cast %broadcast_in_dim3A_1 : vector<16xf32> to vector<1x16xf32>
    tpu.vector_store %arg9[%swap3A_476, %swap3A_477], %swap3A_480 {strides = array<i32>} : memref<16x128xf32, #tpu.memory_space<vmem>>, vector<1x16xf32>,
    %swap3A_481 = arith.constant 10 : i32
    %swap3A_482 = arith.index_cast %swap3A_481 : i32 to index
    %swap3A_483 = arith.constant 0 : index
    %swap3A_484 = tpu.vector_load %arg9[%swap3A_482, %swap3A_483] {strides = array<i32>} : memref<16x128xf32, #tpu.memory_space<vmem>>, vector<1x16xf32>,
    %swap3A_485 = vector.shape_cast %swap3A_484 : vector<1x16xf32> to vector<16xf32>
    %swap3A_486 = vector.shape_cast %broadcast_in_dim3A_1 : vector<16xf32> to vector<1x16xf32>
    tpu.vector_store %arg9[%swap3A_482, %swap3A_483], %swap3A_486 {strides = array<i32>} : memref<16x128xf32, #tpu.memory_space<vmem>>, vector<1x16xf32>,
    %swap3A_487 = arith.constant 10 : i32
    %swap3A_488 = arith.index_cast %swap3A_487 : i32 to index
    %swap3A_489 = arith.constant 16 : index
    %swap3A_490 = tpu.vector_load %arg9[%swap3A_488, %swap3A_489] {strides = array<i32>} : memref<16x128xf32, #tpu.memory_space<vmem>>, vector<1x16xf32>,
    %swap3A_491 = vector.shape_cast %swap3A_490 : vector<1x16xf32> to vector<16xf32>
    %swap3A_492 = vector.shape_cast %broadcast_in_dim3A_1 : vector<16xf32> to vector<1x16xf32>
    tpu.vector_store %arg9[%swap3A_488, %swap3A_489], %swap3A_492 {strides = array<i32>} : memref<16x128xf32, #tpu.memory_space<vmem>>, vector<1x16xf32>,
    %swap3A_493 = arith.constant 10 : i32
    %swap3A_494 = arith.index_cast %swap3A_493 : i32 to index
    %swap3A_495 = arith.constant 32 : index
    %swap3A_496 = tpu.vector_load %arg9[%swap3A_494, %swap3A_495] {strides = array<i32>} : memref<16x128xf32, #tpu.memory_space<vmem>>, vector<1x16xf32>,
    %swap3A_497 = vector.shape_cast %swap3A_496 : vector<1x16xf32> to vector<16xf32>
    %swap3A_498 = vector.shape_cast %broadcast_in_dim3A_1 : vector<16xf32> to vector<1x16xf32>
    tpu.vector_store %arg9[%swap3A_494, %swap3A_495], %swap3A_498 {strides = array<i32>} : memref<16x128xf32, #tpu.memory_space<vmem>>, vector<1x16xf32>,
    %swap3A_499 = arith.constant 10 : i32
    %swap3A_500 = arith.index_cast %swap3A_499 : i32 to index
    %swap3A_501 = arith.constant 48 : index
    %swap3A_502 = tpu.vector_load %arg9[%swap3A_500, %swap3A_501] {strides = array<i32>} : memref<16x128xf32, #tpu.memory_space<vmem>>, vector<1x16xf32>,
    %swap3A_503 = vector.shape_cast %swap3A_502 : vector<1x16xf32> to vector<16xf32>
    %swap3A_504 = vector.shape_cast %broadcast_in_dim3A_1 : vector<16xf32> to vector<1x16xf32>
    tpu.vector_store %arg9[%swap3A_500, %swap3A_501], %swap3A_504 {strides = array<i32>} : memref<16x128xf32, #tpu.memory_space<vmem>>, vector<1x16xf32>,
    %swap3A_505 = arith.constant 10 : i32
    %swap3A_506 = arith.index_cast %swap3A_505 : i32 to index
    %swap3A_507 = arith.constant 64 : index
    %swap3A_508 = tpu.vector_load %arg9[%swap3A_506, %swap3A_507] {strides = array<i32>} : memref<16x128xf32, #tpu.memory_space<vmem>>, vector<1x16xf32>,
    %swap3A_509 = vector.shape_cast %swap3A_508 : vector<1x16xf32> to vector<16xf32>
    %swap3A_510 = vector.shape_cast %broadcast_in_dim3A_1 : vector<16xf32> to vector<1x16xf32>
    tpu.vector_store %arg9[%swap3A_506, %swap3A_507], %swap3A_510 {strides = array<i32>} : memref<16x128xf32, #tpu.memory_space<vmem>>, vector<1x16xf32>,
    %swap3A_511 = arith.constant 10 : i32
    %swap3A_512 = arith.index_cast %swap3A_511 : i32 to index
    %swap3A_513 = arith.constant 80 : index
    %swap3A_514 = tpu.vector_load %arg9[%swap3A_512, %swap3A_513] {strides = array<i32>} : memref<16x128xf32, #tpu.memory_space<vmem>>, vector<1x16xf32>,
    %swap3A_515 = vector.shape_cast %swap3A_514 : vector<1x16xf32> to vector<16xf32>
    %swap3A_516 = vector.shape_cast %broadcast_in_dim3A_1 : vector<16xf32> to vector<1x16xf32>
    tpu.vector_store %arg9[%swap3A_512, %swap3A_513], %swap3A_516 {strides = array<i32>} : memref<16x128xf32, #tpu.memory_space<vmem>>, vector<1x16xf32>,
    %swap3A_517 = arith.constant 10 : i32
    %swap3A_518 = arith.index_cast %swap3A_517 : i32 to index
    %swap3A_519 = arith.constant 96 : index
    %swap3A_520 = tpu.vector_load %arg9[%swap3A_518, %swap3A_519] {strides = array<i32>} : memref<16x128xf32, #tpu.memory_space<vmem>>, vector<1x16xf32>,
    %swap3A_521 = vector.shape_cast %swap3A_520 : vector<1x16xf32> to vector<16xf32>
    %swap3A_522 = vector.shape_cast %broadcast_in_dim3A_1 : vector<16xf32> to vector<1x16xf32>
    tpu.vector_store %arg9[%swap3A_518, %swap3A_519], %swap3A_522 {strides = array<i32>} : memref<16x128xf32, #tpu.memory_space<vmem>>, vector<1x16xf32>,
    %swap3A_523 = arith.constant 10 : i32
    %swap3A_524 = arith.index_cast %swap3A_523 : i32 to index
    %swap3A_525 = arith.constant 112 : index
    %swap3A_526 = tpu.vector_load %arg9[%swap3A_524, %swap3A_525] {strides = array<i32>} : memref<16x128xf32, #tpu.memory_space<vmem>>, vector<1x16xf32>,
    %swap3A_527 = vector.shape_cast %swap3A_526 : vector<1x16xf32> to vector<16xf32>
    %swap3A_528 = vector.shape_cast %broadcast_in_dim3A_1 : vector<16xf32> to vector<1x16xf32>
    tpu.vector_store %arg9[%swap3A_524, %swap3A_525], %swap3A_528 {strides = array<i32>} : memref<16x128xf32, #tpu.memory_space<vmem>>, vector<1x16xf32>,
    %swap3A_529 = arith.constant 11 : i32
    %swap3A_530 = arith.index_cast %swap3A_529 : i32 to index
    %swap3A_531 = arith.constant 0 : index
    %swap3A_532 = tpu.vector_load %arg9[%swap3A_530, %swap3A_531] {strides = array<i32>} : memref<16x128xf32, #tpu.memory_space<vmem>>, vector<1x16xf32>,
    %swap3A_533 = vector.shape_cast %swap3A_532 : vector<1x16xf32> to vector<16xf32>
    %swap3A_534 = vector.shape_cast %broadcast_in_dim3A_1 : vector<16xf32> to vector<1x16xf32>
    tpu.vector_store %arg9[%swap3A_530, %swap3A_531], %swap3A_534 {strides = array<i32>} : memref<16x128xf32, #tpu.memory_space<vmem>>, vector<1x16xf32>,
    %swap3A_535 = arith.constant 11 : i32
    %swap3A_536 = arith.index_cast %swap3A_535 : i32 to index
    %swap3A_537 = arith.constant 16 : index
    %swap3A_538 = tpu.vector_load %arg9[%swap3A_536, %swap3A_537] {strides = array<i32>} : memref<16x128xf32, #tpu.memory_space<vmem>>, vector<1x16xf32>,
    %swap3A_539 = vector.shape_cast %swap3A_538 : vector<1x16xf32> to vector<16xf32>
    %swap3A_540 = vector.shape_cast %broadcast_in_dim3A_1 : vector<16xf32> to vector<1x16xf32>
    tpu.vector_store %arg9[%swap3A_536, %swap3A_537], %swap3A_540 {strides = array<i32>} : memref<16x128xf32, #tpu.memory_space<vmem>>, vector<1x16xf32>,
    %swap3A_541 = arith.constant 11 : i32
    %swap3A_542 = arith.index_cast %swap3A_541 : i32 to index
    %swap3A_543 = arith.constant 32 : index
    %swap3A_544 = tpu.vector_load %arg9[%swap3A_542, %swap3A_543] {strides = array<i32>} : memref<16x128xf32, #tpu.memory_space<vmem>>, vector<1x16xf32>,
    %swap3A_545 = vector.shape_cast %swap3A_544 : vector<1x16xf32> to vector<16xf32>
    %swap3A_546 = vector.shape_cast %broadcast_in_dim3A_1 : vector<16xf32> to vector<1x16xf32>
    tpu.vector_store %arg9[%swap3A_542, %swap3A_543], %swap3A_546 {strides = array<i32>} : memref<16x128xf32, #tpu.memory_space<vmem>>, vector<1x16xf32>,
    %swap3A_547 = arith.constant 11 : i32
    %swap3A_548 = arith.index_cast %swap3A_547 : i32 to index
    %swap3A_549 = arith.constant 48 : index
    %swap3A_550 = tpu.vector_load %arg9[%swap3A_548, %swap3A_549] {strides = array<i32>} : memref<16x128xf32, #tpu.memory_space<vmem>>, vector<1x16xf32>,
    %swap3A_551 = vector.shape_cast %swap3A_550 : vector<1x16xf32> to vector<16xf32>
    %swap3A_552 = vector.shape_cast %broadcast_in_dim3A_1 : vector<16xf32> to vector<1x16xf32>
    tpu.vector_store %arg9[%swap3A_548, %swap3A_549], %swap3A_552 {strides = array<i32>} : memref<16x128xf32, #tpu.memory_space<vmem>>, vector<1x16xf32>,
    %swap3A_553 = arith.constant 11 : i32
    %swap3A_554 = arith.index_cast %swap3A_553 : i32 to index
    %swap3A_555 = arith.constant 64 : index
    %swap3A_556 = tpu.vector_load %arg9[%swap3A_554, %swap3A_555] {strides = array<i32>} : memref<16x128xf32, #tpu.memory_space<vmem>>, vector<1x16xf32>,
    %swap3A_557 = vector.shape_cast %swap3A_556 : vector<1x16xf32> to vector<16xf32>
    %swap3A_558 = vector.shape_cast %broadcast_in_dim3A_1 : vector<16xf32> to vector<1x16xf32>
    tpu.vector_store %arg9[%swap3A_554, %swap3A_555], %swap3A_558 {strides = array<i32>} : memref<16x128xf32, #tpu.memory_space<vmem>>, vector<1x16xf32>,
    %swap3A_559 = arith.constant 11 : i32
    %swap3A_560 = arith.index_cast %swap3A_559 : i32 to index
    %swap3A_561 = arith.constant 80 : index
    %swap3A_562 = tpu.vector_load %arg9[%swap3A_560, %swap3A_561] {strides = array<i32>} : memref<16x128xf32, #tpu.memory_space<vmem>>, vector<1x16xf32>,
    %swap3A_563 = vector.shape_cast %swap3A_562 : vector<1x16xf32> to vector<16xf32>
    %swap3A_564 = vector.shape_cast %broadcast_in_dim3A_1 : vector<16xf32> to vector<1x16xf32>
    tpu.vector_store %arg9[%swap3A_560, %swap3A_561], %swap3A_564 {strides = array<i32>} : memref<16x128xf32, #tpu.memory_space<vmem>>, vector<1x16xf32>,
    %swap3A_565 = arith.constant 11 : i32
    %swap3A_566 = arith.index_cast %swap3A_565 : i32 to index
    %swap3A_567 = arith.constant 96 : index
    %swap3A_568 = tpu.vector_load %arg9[%swap3A_566, %swap3A_567] {strides = array<i32>} : memref<16x128xf32, #tpu.memory_space<vmem>>, vector<1x16xf32>,
    %swap3A_569 = vector.shape_cast %swap3A_568 : vector<1x16xf32> to vector<16xf32>
    %swap3A_570 = vector.shape_cast %broadcast_in_dim3A_1 : vector<16xf32> to vector<1x16xf32>
    tpu.vector_store %arg9[%swap3A_566, %swap3A_567], %swap3A_570 {strides = array<i32>} : memref<16x128xf32, #tpu.memory_space<vmem>>, vector<1x16xf32>,
    %swap3A_571 = arith.constant 11 : i32
    %swap3A_572 = arith.index_cast %swap3A_571 : i32 to index
    %swap3A_573 = arith.constant 112 : index
    %swap3A_574 = tpu.vector_load %arg9[%swap3A_572, %swap3A_573] {strides = array<i32>} : memref<16x128xf32, #tpu.memory_space<vmem>>, vector<1x16xf32>,
    %swap3A_575 = vector.shape_cast %swap3A_574 : vector<1x16xf32> to vector<16xf32>
    %swap3A_576 = vector.shape_cast %broadcast_in_dim3A_1 : vector<16xf32> to vector<1x16xf32>
    tpu.vector_store %arg9[%swap3A_572, %swap3A_573], %swap3A_576 {strides = array<i32>} : memref<16x128xf32, #tpu.memory_space<vmem>>, vector<1x16xf32>,
    %swap3A_577 = arith.constant 12 : i32
    %swap3A_578 = arith.index_cast %swap3A_577 : i32 to index
    %swap3A_579 = arith.constant 0 : index
    %swap3A_580 = tpu.vector_load %arg9[%swap3A_578, %swap3A_579] {strides = array<i32>} : memref<16x128xf32, #tpu.memory_space<vmem>>, vector<1x16xf32>,
    %swap3A_581 = vector.shape_cast %swap3A_580 : vector<1x16xf32> to vector<16xf32>
    %swap3A_582 = vector.shape_cast %broadcast_in_dim3A_1 : vector<16xf32> to vector<1x16xf32>
    tpu.vector_store %arg9[%swap3A_578, %swap3A_579], %swap3A_582 {strides = array<i32>} : memref<16x128xf32, #tpu.memory_space<vmem>>, vector<1x16xf32>,
    %swap3A_583 = arith.constant 12 : i32
    %swap3A_584 = arith.index_cast %swap3A_583 : i32 to index
    %swap3A_585 = arith.constant 16 : index
    %swap3A_586 = tpu.vector_load %arg9[%swap3A_584, %swap3A_585] {strides = array<i32>} : memref<16x128xf32, #tpu.memory_space<vmem>>, vector<1x16xf32>,
    %swap3A_587 = vector.shape_cast %swap3A_586 : vector<1x16xf32> to vector<16xf32>
    %swap3A_588 = vector.shape_cast %broadcast_in_dim3A_1 : vector<16xf32> to vector<1x16xf32>
    tpu.vector_store %arg9[%swap3A_584, %swap3A_585], %swap3A_588 {strides = array<i32>} : memref<16x128xf32, #tpu.memory_space<vmem>>, vector<1x16xf32>,
    %swap3A_589 = arith.constant 12 : i32
    %swap3A_590 = arith.index_cast %swap3A_589 : i32 to index
    %swap3A_591 = arith.constant 32 : index
    %swap3A_592 = tpu.vector_load %arg9[%swap3A_590, %swap3A_591] {strides = array<i32>} : memref<16x128xf32, #tpu.memory_space<vmem>>, vector<1x16xf32>,
    %swap3A_593 = vector.shape_cast %swap3A_592 : vector<1x16xf32> to vector<16xf32>
    %swap3A_594 = vector.shape_cast %broadcast_in_dim3A_1 : vector<16xf32> to vector<1x16xf32>
    tpu.vector_store %arg9[%swap3A_590, %swap3A_591], %swap3A_594 {strides = array<i32>} : memref<16x128xf32, #tpu.memory_space<vmem>>, vector<1x16xf32>,
    %swap3A_595 = arith.constant 12 : i32
    %swap3A_596 = arith.index_cast %swap3A_595 : i32 to index
    %swap3A_597 = arith.constant 48 : index
    %swap3A_598 = tpu.vector_load %arg9[%swap3A_596, %swap3A_597] {strides = array<i32>} : memref<16x128xf32, #tpu.memory_space<vmem>>, vector<1x16xf32>,
    %swap3A_599 = vector.shape_cast %swap3A_598 : vector<1x16xf32> to vector<16xf32>
    %swap3A_600 = vector.shape_cast %broadcast_in_dim3A_1 : vector<16xf32> to vector<1x16xf32>
    tpu.vector_store %arg9[%swap3A_596, %swap3A_597], %swap3A_600 {strides = array<i32>} : memref<16x128xf32, #tpu.memory_space<vmem>>, vector<1x16xf32>,
    %swap3A_601 = arith.constant 12 : i32
    %swap3A_602 = arith.index_cast %swap3A_601 : i32 to index
    %swap3A_603 = arith.constant 64 : index
    %swap3A_604 = tpu.vector_load %arg9[%swap3A_602, %swap3A_603] {strides = array<i32>} : memref<16x128xf32, #tpu.memory_space<vmem>>, vector<1x16xf32>,
    %swap3A_605 = vector.shape_cast %swap3A_604 : vector<1x16xf32> to vector<16xf32>
    %swap3A_606 = vector.shape_cast %broadcast_in_dim3A_1 : vector<16xf32> to vector<1x16xf32>
    tpu.vector_store %arg9[%swap3A_602, %swap3A_603], %swap3A_606 {strides = array<i32>} : memref<16x128xf32, #tpu.memory_space<vmem>>, vector<1x16xf32>,
    %swap3A_607 = arith.constant 12 : i32
    %swap3A_608 = arith.index_cast %swap3A_607 : i32 to index
    %swap3A_609 = arith.constant 80 : index
    %swap3A_610 = tpu.vector_load %arg9[%swap3A_608, %swap3A_609] {strides = array<i32>} : memref<16x128xf32, #tpu.memory_space<vmem>>, vector<1x16xf32>,
    %swap3A_611 = vector.shape_cast %swap3A_610 : vector<1x16xf32> to vector<16xf32>
    %swap3A_612 = vector.shape_cast %broadcast_in_dim3A_1 : vector<16xf32> to vector<1x16xf32>
    tpu.vector_store %arg9[%swap3A_608, %swap3A_609], %swap3A_612 {strides = array<i32>} : memref<16x128xf32, #tpu.memory_space<vmem>>, vector<1x16xf32>,
    %swap3A_613 = arith.constant 12 : i32
    %swap3A_614 = arith.index_cast %swap3A_613 : i32 to index
    %swap3A_615 = arith.constant 96 : index
    %swap3A_616 = tpu.vector_load %arg9[%swap3A_614, %swap3A_615] {strides = array<i32>} : memref<16x128xf32, #tpu.memory_space<vmem>>, vector<1x16xf32>,
    %swap3A_617 = vector.shape_cast %swap3A_616 : vector<1x16xf32> to vector<16xf32>
    %swap3A_618 = vector.shape_cast %broadcast_in_dim3A_1 : vector<16xf32> to vector<1x16xf32>
    tpu.vector_store %arg9[%swap3A_614, %swap3A_615], %swap3A_618 {strides = array<i32>} : memref<16x128xf32, #tpu.memory_space<vmem>>, vector<1x16xf32>,
    %swap3A_619 = arith.constant 12 : i32
    %swap3A_620 = arith.index_cast %swap3A_619 : i32 to index
    %swap3A_621 = arith.constant 112 : index
    %swap3A_622 = tpu.vector_load %arg9[%swap3A_620, %swap3A_621] {strides = array<i32>} : memref<16x128xf32, #tpu.memory_space<vmem>>, vector<1x16xf32>,
    %swap3A_623 = vector.shape_cast %swap3A_622 : vector<1x16xf32> to vector<16xf32>
    %swap3A_624 = vector.shape_cast %broadcast_in_dim3A_1 : vector<16xf32> to vector<1x16xf32>
    tpu.vector_store %arg9[%swap3A_620, %swap3A_621], %swap3A_624 {strides = array<i32>} : memref<16x128xf32, #tpu.memory_space<vmem>>, vector<1x16xf32>,
    %swap3A_625 = arith.constant 13 : i32
    %swap3A_626 = arith.index_cast %swap3A_625 : i32 to index
    %swap3A_627 = arith.constant 0 : index
    %swap3A_628 = tpu.vector_load %arg9[%swap3A_626, %swap3A_627] {strides = array<i32>} : memref<16x128xf32, #tpu.memory_space<vmem>>, vector<1x16xf32>,
    %swap3A_629 = vector.shape_cast %swap3A_628 : vector<1x16xf32> to vector<16xf32>
    %swap3A_630 = vector.shape_cast %broadcast_in_dim3A_1 : vector<16xf32> to vector<1x16xf32>
    tpu.vector_store %arg9[%swap3A_626, %swap3A_627], %swap3A_630 {strides = array<i32>} : memref<16x128xf32, #tpu.memory_space<vmem>>, vector<1x16xf32>,
    %swap3A_631 = arith.constant 13 : i32
    %swap3A_632 = arith.index_cast %swap3A_631 : i32 to index
    %swap3A_633 = arith.constant 16 : index
    %swap3A_634 = tpu.vector_load %arg9[%swap3A_632, %swap3A_633] {strides = array<i32>} : memref<16x128xf32, #tpu.memory_space<vmem>>, vector<1x16xf32>,
    %swap3A_635 = vector.shape_cast %swap3A_634 : vector<1x16xf32> to vector<16xf32>
    %swap3A_636 = vector.shape_cast %broadcast_in_dim3A_1 : vector<16xf32> to vector<1x16xf32>
    tpu.vector_store %arg9[%swap3A_632, %swap3A_633], %swap3A_636 {strides = array<i32>} : memref<16x128xf32, #tpu.memory_space<vmem>>, vector<1x16xf32>,
    %swap3A_637 = arith.constant 13 : i32
    %swap3A_638 = arith.index_cast %swap3A_637 : i32 to index
    %swap3A_639 = arith.constant 32 : index
    %swap3A_640 = tpu.vector_load %arg9[%swap3A_638, %swap3A_639] {strides = array<i32>} : memref<16x128xf32, #tpu.memory_space<vmem>>, vector<1x16xf32>,
    %swap3A_641 = vector.shape_cast %swap3A_640 : vector<1x16xf32> to vector<16xf32>
    %swap3A_642 = vector.shape_cast %broadcast_in_dim3A_1 : vector<16xf32> to vector<1x16xf32>
    tpu.vector_store %arg9[%swap3A_638, %swap3A_639], %swap3A_642 {strides = array<i32>} : memref<16x128xf32, #tpu.memory_space<vmem>>, vector<1x16xf32>,
    %swap3A_643 = arith.constant 13 : i32
    %swap3A_644 = arith.index_cast %swap3A_643 : i32 to index
    %swap3A_645 = arith.constant 48 : index
    %swap3A_646 = tpu.vector_load %arg9[%swap3A_644, %swap3A_645] {strides = array<i32>} : memref<16x128xf32, #tpu.memory_space<vmem>>, vector<1x16xf32>,
    %swap3A_647 = vector.shape_cast %swap3A_646 : vector<1x16xf32> to vector<16xf32>
    %swap3A_648 = vector.shape_cast %broadcast_in_dim3A_1 : vector<16xf32> to vector<1x16xf32>
    tpu.vector_store %arg9[%swap3A_644, %swap3A_645], %swap3A_648 {strides = array<i32>} : memref<16x128xf32, #tpu.memory_space<vmem>>, vector<1x16xf32>,
    %swap3A_649 = arith.constant 13 : i32
    %swap3A_650 = arith.index_cast %swap3A_649 : i32 to index
    %swap3A_651 = arith.constant 64 : index
    %swap3A_652 = tpu.vector_load %arg9[%swap3A_650, %swap3A_651] {strides = array<i32>} : memref<16x128xf32, #tpu.memory_space<vmem>>, vector<1x16xf32>,
    %swap3A_653 = vector.shape_cast %swap3A_652 : vector<1x16xf32> to vector<16xf32>
    %swap3A_654 = vector.shape_cast %broadcast_in_dim3A_1 : vector<16xf32> to vector<1x16xf32>
    tpu.vector_store %arg9[%swap3A_650, %swap3A_651], %swap3A_654 {strides = array<i32>} : memref<16x128xf32, #tpu.memory_space<vmem>>, vector<1x16xf32>,
    %swap3A_655 = arith.constant 13 : i32
    %swap3A_656 = arith.index_cast %swap3A_655 : i32 to index
    %swap3A_657 = arith.constant 80 : index
    %swap3A_658 = tpu.vector_load %arg9[%swap3A_656, %swap3A_657] {strides = array<i32>} : memref<16x128xf32, #tpu.memory_space<vmem>>, vector<1x16xf32>,
    %swap3A_659 = vector.shape_cast %swap3A_658 : vector<1x16xf32> to vector<16xf32>
    %swap3A_660 = vector.shape_cast %broadcast_in_dim3A_1 : vector<16xf32> to vector<1x16xf32>
    tpu.vector_store %arg9[%swap3A_656, %swap3A_657], %swap3A_660 {strides = array<i32>} : memref<16x128xf32, #tpu.memory_space<vmem>>, vector<1x16xf32>,
    %swap3A_661 = arith.constant 13 : i32
    %swap3A_662 = arith.index_cast %swap3A_661 : i32 to index
    %swap3A_663 = arith.constant 96 : index
    %swap3A_664 = tpu.vector_load %arg9[%swap3A_662, %swap3A_663] {strides = array<i32>} : memref<16x128xf32, #tpu.memory_space<vmem>>, vector<1x16xf32>,
    %swap3A_665 = vector.shape_cast %swap3A_664 : vector<1x16xf32> to vector<16xf32>
    %swap3A_666 = vector.shape_cast %broadcast_in_dim3A_1 : vector<16xf32> to vector<1x16xf32>
    tpu.vector_store %arg9[%swap3A_662, %swap3A_663], %swap3A_666 {strides = array<i32>} : memref<16x128xf32, #tpu.memory_space<vmem>>, vector<1x16xf32>,
    %swap3A_667 = arith.constant 13 : i32
    %swap3A_668 = arith.index_cast %swap3A_667 : i32 to index
    %swap3A_669 = arith.constant 112 : index
    %swap3A_670 = tpu.vector_load %arg9[%swap3A_668, %swap3A_669] {strides = array<i32>} : memref<16x128xf32, #tpu.memory_space<vmem>>, vector<1x16xf32>,
    %swap3A_671 = vector.shape_cast %swap3A_670 : vector<1x16xf32> to vector<16xf32>
    %swap3A_672 = vector.shape_cast %broadcast_in_dim3A_1 : vector<16xf32> to vector<1x16xf32>
    tpu.vector_store %arg9[%swap3A_668, %swap3A_669], %swap3A_672 {strides = array<i32>} : memref<16x128xf32, #tpu.memory_space<vmem>>, vector<1x16xf32>,
    %swap3A_673 = arith.constant 14 : i32
    %swap3A_674 = arith.index_cast %swap3A_673 : i32 to index
    %swap3A_675 = arith.constant 0 : index
    %swap3A_676 = tpu.vector_load %arg9[%swap3A_674, %swap3A_675] {strides = array<i32>} : memref<16x128xf32, #tpu.memory_space<vmem>>, vector<1x16xf32>,
    %swap3A_677 = vector.shape_cast %swap3A_676 : vector<1x16xf32> to vector<16xf32>
    %swap3A_678 = vector.shape_cast %broadcast_in_dim3A_1 : vector<16xf32> to vector<1x16xf32>
    tpu.vector_store %arg9[%swap3A_674, %swap3A_675], %swap3A_678 {strides = array<i32>} : memref<16x128xf32, #tpu.memory_space<vmem>>, vector<1x16xf32>,
    %swap3A_679 = arith.constant 14 : i32
    %swap3A_680 = arith.index_cast %swap3A_679 : i32 to index
    %swap3A_681 = arith.constant 16 : index
    %swap3A_682 = tpu.vector_load %arg9[%swap3A_680, %swap3A_681] {strides = array<i32>} : memref<16x128xf32, #tpu.memory_space<vmem>>, vector<1x16xf32>,
    %swap3A_683 = vector.shape_cast %swap3A_682 : vector<1x16xf32> to vector<16xf32>
    %swap3A_684 = vector.shape_cast %broadcast_in_dim3A_1 : vector<16xf32> to vector<1x16xf32>
    tpu.vector_store %arg9[%swap3A_680, %swap3A_681], %swap3A_684 {strides = array<i32>} : memref<16x128xf32, #tpu.memory_space<vmem>>, vector<1x16xf32>,
    %swap3A_685 = arith.constant 14 : i32
    %swap3A_686 = arith.index_cast %swap3A_685 : i32 to index
    %swap3A_687 = arith.constant 32 : index
    %swap3A_688 = tpu.vector_load %arg9[%swap3A_686, %swap3A_687] {strides = array<i32>} : memref<16x128xf32, #tpu.memory_space<vmem>>, vector<1x16xf32>,
    %swap3A_689 = vector.shape_cast %swap3A_688 : vector<1x16xf32> to vector<16xf32>
    %swap3A_690 = vector.shape_cast %broadcast_in_dim3A_1 : vector<16xf32> to vector<1x16xf32>
    tpu.vector_store %arg9[%swap3A_686, %swap3A_687], %swap3A_690 {strides = array<i32>} : memref<16x128xf32, #tpu.memory_space<vmem>>, vector<1x16xf32>,
    %swap3A_691 = arith.constant 14 : i32
    %swap3A_692 = arith.index_cast %swap3A_691 : i32 to index
    %swap3A_693 = arith.constant 48 : index
    %swap3A_694 = tpu.vector_load %arg9[%swap3A_692, %swap3A_693] {strides = array<i32>} : memref<16x128xf32, #tpu.memory_space<vmem>>, vector<1x16xf32>,
    %swap3A_695 = vector.shape_cast %swap3A_694 : vector<1x16xf32> to vector<16xf32>
    %swap3A_696 = vector.shape_cast %broadcast_in_dim3A_1 : vector<16xf32> to vector<1x16xf32>
    tpu.vector_store %arg9[%swap3A_692, %swap3A_693], %swap3A_696 {strides = array<i32>} : memref<16x128xf32, #tpu.memory_space<vmem>>, vector<1x16xf32>,
    %swap3A_697 = arith.constant 14 : i32
    %swap3A_698 = arith.index_cast %swap3A_697 : i32 to index
    %swap3A_699 = arith.constant 64 : index
    %swap3A_700 = tpu.vector_load %arg9[%swap3A_698, %swap3A_699] {strides = array<i32>} : memref<16x128xf32, #tpu.memory_space<vmem>>, vector<1x16xf32>,
    %swap3A_701 = vector.shape_cast %swap3A_700 : vector<1x16xf32> to vector<16xf32>
    %swap3A_702 = vector.shape_cast %broadcast_in_dim3A_1 : vector<16xf32> to vector<1x16xf32>
    tpu.vector_store %arg9[%swap3A_698, %swap3A_699], %swap3A_702 {strides = array<i32>} : memref<16x128xf32, #tpu.memory_space<vmem>>, vector<1x16xf32>,
    %swap3A_703 = arith.constant 14 : i32
    %swap3A_704 = arith.index_cast %swap3A_703 : i32 to index
    %swap3A_705 = arith.constant 80 : index
    %swap3A_706 = tpu.vector_load %arg9[%swap3A_704, %swap3A_705] {strides = array<i32>} : memref<16x128xf32, #tpu.memory_space<vmem>>, vector<1x16xf32>,
    %swap3A_707 = vector.shape_cast %swap3A_706 : vector<1x16xf32> to vector<16xf32>
    %swap3A_708 = vector.shape_cast %broadcast_in_dim3A_1 : vector<16xf32> to vector<1x16xf32>
    tpu.vector_store %arg9[%swap3A_704, %swap3A_705], %swap3A_708 {strides = array<i32>} : memref<16x128xf32, #tpu.memory_space<vmem>>, vector<1x16xf32>,
    %swap3A_709 = arith.constant 14 : i32
    %swap3A_710 = arith.index_cast %swap3A_709 : i32 to index
    %swap3A_711 = arith.constant 96 : index
    %swap3A_712 = tpu.vector_load %arg9[%swap3A_710, %swap3A_711] {strides = array<i32>} : memref<16x128xf32, #tpu.memory_space<vmem>>, vector<1x16xf32>,
    %swap3A_713 = vector.shape_cast %swap3A_712 : vector<1x16xf32> to vector<16xf32>
    %swap3A_714 = vector.shape_cast %broadcast_in_dim3A_1 : vector<16xf32> to vector<1x16xf32>
    tpu.vector_store %arg9[%swap3A_710, %swap3A_711], %swap3A_714 {strides = array<i32>} : memref<16x128xf32, #tpu.memory_space<vmem>>, vector<1x16xf32>,
    %swap3A_715 = arith.constant 14 : i32
    %swap3A_716 = arith.index_cast %swap3A_715 : i32 to index
    %swap3A_717 = arith.constant 112 : index
    %swap3A_718 = tpu.vector_load %arg9[%swap3A_716, %swap3A_717] {strides = array<i32>} : memref<16x128xf32, #tpu.memory_space<vmem>>, vector<1x16xf32>,
    %swap3A_719 = vector.shape_cast %swap3A_718 : vector<1x16xf32> to vector<16xf32>
    %swap3A_720 = vector.shape_cast %broadcast_in_dim3A_1 : vector<16xf32> to vector<1x16xf32>
    tpu.vector_store %arg9[%swap3A_716, %swap3A_717], %swap3A_720 {strides = array<i32>} : memref<16x128xf32, #tpu.memory_space<vmem>>, vector<1x16xf32>,
    %swap3A_721 = arith.constant 15 : i32
    %swap3A_722 = arith.index_cast %swap3A_721 : i32 to index
    %swap3A_723 = arith.constant 0 : index
    %swap3A_724 = tpu.vector_load %arg9[%swap3A_722, %swap3A_723] {strides = array<i32>} : memref<16x128xf32, #tpu.memory_space<vmem>>, vector<1x16xf32>,
    %swap3A_725 = vector.shape_cast %swap3A_724 : vector<1x16xf32> to vector<16xf32>
    %swap3A_726 = vector.shape_cast %broadcast_in_dim3A_1 : vector<16xf32> to vector<1x16xf32>
    tpu.vector_store %arg9[%swap3A_722, %swap3A_723], %swap3A_726 {strides = array<i32>} : memref<16x128xf32, #tpu.memory_space<vmem>>, vector<1x16xf32>,
    %swap3A_727 = arith.constant 15 : i32
    %swap3A_728 = arith.index_cast %swap3A_727 : i32 to index
    %swap3A_729 = arith.constant 16 : index
    %swap3A_730 = tpu.vector_load %arg9[%swap3A_728, %swap3A_729] {strides = array<i32>} : memref<16x128xf32, #tpu.memory_space<vmem>>, vector<1x16xf32>,
    %swap3A_731 = vector.shape_cast %swap3A_730 : vector<1x16xf32> to vector<16xf32>
    %swap3A_732 = vector.shape_cast %broadcast_in_dim3A_1 : vector<16xf32> to vector<1x16xf32>
    tpu.vector_store %arg9[%swap3A_728, %swap3A_729], %swap3A_732 {strides = array<i32>} : memref<16x128xf32, #tpu.memory_space<vmem>>, vector<1x16xf32>,
    %swap3A_733 = arith.constant 15 : i32
    %swap3A_734 = arith.index_cast %swap3A_733 : i32 to index
    %swap3A_735 = arith.constant 32 : index
    %swap3A_736 = tpu.vector_load %arg9[%swap3A_734, %swap3A_735] {strides = array<i32>} : memref<16x128xf32, #tpu.memory_space<vmem>>, vector<1x16xf32>,
    %swap3A_737 = vector.shape_cast %swap3A_736 : vector<1x16xf32> to vector<16xf32>
    %swap3A_738 = vector.shape_cast %broadcast_in_dim3A_1 : vector<16xf32> to vector<1x16xf32>
    tpu.vector_store %arg9[%swap3A_734, %swap3A_735], %swap3A_738 {strides = array<i32>} : memref<16x128xf32, #tpu.memory_space<vmem>>, vector<1x16xf32>,
    %swap3A_739 = arith.constant 15 : i32
    %swap3A_740 = arith.index_cast %swap3A_739 : i32 to index
    %swap3A_741 = arith.constant 48 : index
    %swap3A_742 = tpu.vector_load %arg9[%swap3A_740, %swap3A_741] {strides = array<i32>} : memref<16x128xf32, #tpu.memory_space<vmem>>, vector<1x16xf32>,
    %swap3A_743 = vector.shape_cast %swap3A_742 : vector<1x16xf32> to vector<16xf32>
    %swap3A_744 = vector.shape_cast %broadcast_in_dim3A_1 : vector<16xf32> to vector<1x16xf32>
    tpu.vector_store %arg9[%swap3A_740, %swap3A_741], %swap3A_744 {strides = array<i32>} : memref<16x128xf32, #tpu.memory_space<vmem>>, vector<1x16xf32>,
    %swap3A_745 = arith.constant 15 : i32
    %swap3A_746 = arith.index_cast %swap3A_745 : i32 to index
    %swap3A_747 = arith.constant 64 : index
    %swap3A_748 = tpu.vector_load %arg9[%swap3A_746, %swap3A_747] {strides = array<i32>} : memref<16x128xf32, #tpu.memory_space<vmem>>, vector<1x16xf32>,
    %swap3A_749 = vector.shape_cast %swap3A_748 : vector<1x16xf32> to vector<16xf32>
    %swap3A_750 = vector.shape_cast %broadcast_in_dim3A_1 : vector<16xf32> to vector<1x16xf32>
    tpu.vector_store %arg9[%swap3A_746, %swap3A_747], %swap3A_750 {strides = array<i32>} : memref<16x128xf32, #tpu.memory_space<vmem>>, vector<1x16xf32>,
    %swap3A_751 = arith.constant 15 : i32
    %swap3A_752 = arith.index_cast %swap3A_751 : i32 to index
    %swap3A_753 = arith.constant 80 : index
    %swap3A_754 = tpu.vector_load %arg9[%swap3A_752, %swap3A_753] {strides = array<i32>} : memref<16x128xf32, #tpu.memory_space<vmem>>, vector<1x16xf32>,
    %swap3A_755 = vector.shape_cast %swap3A_754 : vector<1x16xf32> to vector<16xf32>
    %swap3A_756 = vector.shape_cast %broadcast_in_dim3A_1 : vector<16xf32> to vector<1x16xf32>
    tpu.vector_store %arg9[%swap3A_752, %swap3A_753], %swap3A_756 {strides = array<i32>} : memref<16x128xf32, #tpu.memory_space<vmem>>, vector<1x16xf32>,
    %swap3A_757 = arith.constant 15 : i32
    %swap3A_758 = arith.index_cast %swap3A_757 : i32 to index
    %swap3A_759 = arith.constant 96 : index
    %swap3A_760 = tpu.vector_load %arg9[%swap3A_758, %swap3A_759] {strides = array<i32>} : memref<16x128xf32, #tpu.memory_space<vmem>>, vector<1x16xf32>,
    %swap3A_761 = vector.shape_cast %swap3A_760 : vector<1x16xf32> to vector<16xf32>
    %swap3A_762 = vector.shape_cast %broadcast_in_dim3A_1 : vector<16xf32> to vector<1x16xf32>
    tpu.vector_store %arg9[%swap3A_758, %swap3A_759], %swap3A_762 {strides = array<i32>} : memref<16x128xf32, #tpu.memory_space<vmem>>, vector<1x16xf32>,
    %swap3A_763 = arith.constant 15 : i32
    %swap3A_764 = arith.index_cast %swap3A_763 : i32 to index
    %swap3A_765 = arith.constant 112 : index
    %swap3A_766 = tpu.vector_load %arg9[%swap3A_764, %swap3A_765] {strides = array<i32>} : memref<16x128xf32, #tpu.memory_space<vmem>>, vector<1x16xf32>,
    %swap3A_767 = vector.shape_cast %swap3A_766 : vector<1x16xf32> to vector<16xf32>
    %swap3A_768 = vector.shape_cast %broadcast_in_dim3A_1 : vector<16xf32> to vector<1x16xf32>
    tpu.vector_store %arg9[%swap3A_764, %swap3A_765], %swap3A_768 {strides = array<i32>} : memref<16x128xf32, #tpu.memory_space<vmem>>, vector<1x16xf32>,
    %mul3A_769 = arith.constant 624 : i32
    %mul3A_770 = arith.muli %arg1, %mul3A_769 : i32
    %scan3A = arith.constant 0 : i32
    %scan3A_771 = arith.constant 39 : i32
    %scan3A_772 = arith.addi %scan3A, %scan3A_771 : i32
    %scan3A_773 = arith.constant 1 : i32
    scf.for %scan3A_806 = %scan3A to %scan3A_772 step %scan3A_773  : i32 {
      %mul3A_807 = arith.constant 16 : i32
      %mul3A_808 = arith.muli %scan3A_806, %mul3A_807 : i32
      %add3A_809 = arith.addi %mul3A_770, %mul3A_808 : i32
      %multiple_of3A_810 = tpu.assume_multiple %add3A_809, 8 : i32
      "tpu.region"() ({
        %run_scoped3A = tpu.sem_alloc : memref<!tpu.dma_semaphore, #tpu.memory_space<semaphore_mem>>
        %dma_start3A_811 = arith.constant 0 : i32
        %dma_start3A_812 = tpu.memref_slice %arg10[%multiple_of3A_810, %dma_start3A_811] : memref<10000x128xf32, #tpu.memory_space<vmem_shared>> -> memref<16x128xf32, #tpu.memory_space<vmem_shared>>
        %dma_start3A_813 = arith.constant 0 : i32
        %dma_start3A_814 = tpu.memref_slice %arg10[%multiple_of3A_810, %dma_start3A_813] : memref<10000x128xf32, #tpu.memory_space<vmem_shared>> -> memref<16x128xf32, #tpu.memory_space<vmem_shared>>
        tpu.enqueue_dma source(%arg9 : memref<16x128xf32, #tpu.memory_space<vmem>>) target(%dma_start3A_814 : memref<16x128xf32, #tpu.memory_space<vmem_shared>>) target_semaphore(%run_scoped3A : memref<!tpu.dma_semaphore, #tpu.memory_space<semaphore_mem>>)
        %dma_wait3A = arith.constant 0 : i32
        %dma_wait3A_815 = tpu.memref_slice %arg10[%multiple_of3A_810, %dma_wait3A] : memref<10000x128xf32, #tpu.memory_space<vmem_shared>> -> memref<16x128xf32, #tpu.memory_space<vmem_shared>>
        %dma_wait3A_816 = arith.constant 0 : i32
        %dma_wait3A_817 = tpu.memref_slice %arg10[%multiple_of3A_810, %dma_wait3A_816] : memref<10000x128xf32, #tpu.memory_space<vmem_shared>> -> memref<16x128xf32, #tpu.memory_space<vmem_shared>>
        tpu.wait_dma2 semaphore(%run_scoped3A : memref<!tpu.dma_semaphore, #tpu.memory_space<semaphore_mem>>) src(%arg9 : memref<16x128xf32, #tpu.memory_space<vmem>>) dst(%dma_wait3A_817 : memref<16x128xf32, #tpu.memory_space<vmem_shared>>)
        tpu.yield
      }) : () -> ()
    }
    %scan3A_774 = arith.constant 39 : i32
    %eq3A = arith.constant 15 : i32
    %eq3A_775 = arith.cmpi eq, %arg1, %eq3A : i32
    %convert_element_type3A = arith.extui %eq3A_775 : i1 to i32
    %cond3A = arith.constant 0 : i32
    %cond3A_776 = arith.cmpi ne, %convert_element_type3A, %cond3A : i32
    scf.if %cond3A_776 {
      "tpu.region"() ({
        %run_scoped3A = tpu.sem_alloc : memref<!tpu.dma_semaphore, #tpu.memory_space<semaphore_mem>>
        %dma_start3A_806 = arith.constant 9984 : i32
        %dma_start3A_807 = arith.constant 0 : i32
        %dma_start3A_808 = tpu.memref_slice %arg10[%dma_start3A_806, %dma_start3A_807] : memref<10000x128xf32, #tpu.memory_space<vmem_shared>> -> memref<16x128xf32, #tpu.memory_space<vmem_shared>>
        %dma_start3A_809 = arith.constant 9984 : i32
        %dma_start3A_810 = arith.constant 0 : i32
        %dma_start3A_811 = tpu.memref_slice %arg10[%dma_start3A_809, %dma_start3A_810] : memref<10000x128xf32, #tpu.memory_space<vmem_shared>> -> memref<16x128xf32, #tpu.memory_space<vmem_shared>>
        tpu.enqueue_dma source(%arg9 : memref<16x128xf32, #tpu.memory_space<vmem>>) target(%dma_start3A_811 : memref<16x128xf32, #tpu.memory_space<vmem_shared>>) target_semaphore(%run_scoped3A : memref<!tpu.dma_semaphore, #tpu.memory_space<semaphore_mem>>)
        %dma_wait3A = arith.constant 9984 : i32
        %dma_wait3A_812 = arith.constant 0 : i32
        %dma_wait3A_813 = tpu.memref_slice %arg10[%dma_wait3A, %dma_wait3A_812] : memref<10000x128xf32, #tpu.memory_space<vmem_shared>> -> memref<16x128xf32, #tpu.memory_space<vmem_shared>>
        %dma_wait3A_814 = arith.constant 9984 : i32
        %dma_wait3A_815 = arith.constant 0 : i32
        %dma_wait3A_816 = tpu.memref_slice %arg10[%dma_wait3A_814, %dma_wait3A_815] : memref<10000x128xf32, #tpu.memory_space<vmem_shared>> -> memref<16x128xf32, #tpu.memory_space<vmem_shared>>
        tpu.wait_dma2 semaphore(%run_scoped3A : memref<!tpu.dma_semaphore, #tpu.memory_space<semaphore_mem>>) src(%arg9 : memref<16x128xf32, #tpu.memory_space<vmem>>) dst(%dma_wait3A_816 : memref<16x128xf32, #tpu.memory_space<vmem_shared>>)
        tpu.yield
      }) : () -> ()
    } else {
    }
    %barrier3A = arith.constant 0 : index
    tpu.barrier barrier_id(%barrier3A)
    %mul3A_777 = arith.constant 80 : i32
    %mul3A_778 = arith.muli %add3A, %mul3A_777 : i32
    %rem3A = arith.constant 0 : i32
    %rem3A_779 = arith.constant 2 : i32
    %rem3A_780 = arith.remsi %rem3A, %rem3A_779 : i32
    %add3A_781 = arith.constant 0 : i32
    %add3A_782 = arith.addi %mul3A_778, %add3A_781 : i32
    "tpu.region"() ({
      %run_scoped3A = tpu.sem_alloc : memref<!tpu.dma_semaphore, #tpu.memory_space<semaphore_mem>>
      %dma_start3A_806 = arith.constant 0 : i32
      %dma_start3A_807 = tpu.memref_slice %arg6[%rem3A_780, %dma_start3A_806] : memref<2x125xi32, #tpu.memory_space<vmem>> -> memref<1x125xi32, #tpu.memory_space<vmem>>
      %dma_start3A_808 = arith.constant 0 : i32
      %dma_start3A_809 = tpu.memref_slice %arg3[%add3A_782, %dma_start3A_808] : memref<2560x125xi32, #tpu.memory_space<hbm>> -> memref<1x125xi32, #tpu.memory_space<hbm>>
      %dma_start3A_810 = arith.constant 0 : i32
      %dma_start3A_811 = tpu.memref_slice %arg6[%rem3A_780, %dma_start3A_810] : memref<2x125xi32, #tpu.memory_space<vmem>> -> memref<1x125xi32, #tpu.memory_space<vmem>>
      %dma_start3A_812 = arith.constant 0 : i32
      %dma_start3A_813 = tpu.memref_slice %arg3[%add3A_782, %dma_start3A_812] : memref<2560x125xi32, #tpu.memory_space<hbm>> -> memref<1x125xi32, #tpu.memory_space<hbm>>
      tpu.enqueue_dma source(%dma_start3A_813 : memref<1x125xi32, #tpu.memory_space<hbm>>) target(%dma_start3A_811 : memref<1x125xi32, #tpu.memory_space<vmem>>) target_semaphore(%run_scoped3A : memref<!tpu.dma_semaphore, #tpu.memory_space<semaphore_mem>>)
      %dma_wait3A = arith.constant 0 : i32
      %dma_wait3A_814 = tpu.memref_slice %arg6[%rem3A_780, %dma_wait3A] : memref<2x125xi32, #tpu.memory_space<vmem>> -> memref<1x125xi32, #tpu.memory_space<vmem>>
      %dma_wait3A_815 = arith.constant 0 : i32
      %dma_wait3A_816 = tpu.memref_slice %arg3[%add3A_782, %dma_wait3A_815] : memref<2560x125xi32, #tpu.memory_space<hbm>> -> memref<1x125xi32, #tpu.memory_space<hbm>>
      %dma_wait3A_817 = arith.constant 0 : i32
      %dma_wait3A_818 = tpu.memref_slice %arg6[%rem3A_780, %dma_wait3A_817] : memref<2x125xi32, #tpu.memory_space<vmem>> -> memref<1x125xi32, #tpu.memory_space<vmem>>
      %dma_wait3A_819 = arith.constant 0 : i32
      %dma_wait3A_820 = tpu.memref_slice %arg3[%add3A_782, %dma_wait3A_819] : memref<2560x125xi32, #tpu.memory_space<hbm>> -> memref<1x125xi32, #tpu.memory_space<hbm>>
      tpu.wait_dma2 semaphore(%run_scoped3A : memref<!tpu.dma_semaphore, #tpu.memory_space<semaphore_mem>>) src(%dma_wait3A_820 : memref<1x125xi32, #tpu.memory_space<hbm>>) dst(%dma_wait3A_818 : memref<1x125xi32, #tpu.memory_space<vmem>>)
      tpu.yield
    }) : () -> ()
    "tpu.region"() ({
      %run_scoped3A = tpu.sem_alloc : memref<!tpu.dma_semaphore, #tpu.memory_space<semaphore_mem>>
      %dma_start3A_806 = arith.constant 0 : i32
      %dma_start3A_807 = tpu.memref_slice %arg7[%rem3A_780, %dma_start3A_806] : memref<2x125xi32, #tpu.memory_space<vmem>> -> memref<1x125xi32, #tpu.memory_space<vmem>>
      %dma_start3A_808 = arith.constant 0 : i32
      %dma_start3A_809 = tpu.memref_slice %arg4[%add3A_782, %dma_start3A_808] : memref<2560x125xi32, #tpu.memory_space<hbm>> -> memref<1x125xi32, #tpu.memory_space<hbm>>
      %dma_start3A_810 = arith.constant 0 : i32
      %dma_start3A_811 = tpu.memref_slice %arg7[%rem3A_780, %dma_start3A_810] : memref<2x125xi32, #tpu.memory_space<vmem>> -> memref<1x125xi32, #tpu.memory_space<vmem>>
      %dma_start3A_812 = arith.constant 0 : i32
      %dma_start3A_813 = tpu.memref_slice %arg4[%add3A_782, %dma_start3A_812] : memref<2560x125xi32, #tpu.memory_space<hbm>> -> memref<1x125xi32, #tpu.memory_space<hbm>>
      tpu.enqueue_dma source(%dma_start3A_813 : memref<1x125xi32, #tpu.memory_space<hbm>>) target(%dma_start3A_811 : memref<1x125xi32, #tpu.memory_space<vmem>>) target_semaphore(%run_scoped3A : memref<!tpu.dma_semaphore, #tpu.memory_space<semaphore_mem>>)
      %dma_wait3A = arith.constant 0 : i32
      %dma_wait3A_814 = tpu.memref_slice %arg7[%rem3A_780, %dma_wait3A] : memref<2x125xi32, #tpu.memory_space<vmem>> -> memref<1x125xi32, #tpu.memory_space<vmem>>
      %dma_wait3A_815 = arith.constant 0 : i32
      %dma_wait3A_816 = tpu.memref_slice %arg4[%add3A_782, %dma_wait3A_815] : memref<2560x125xi32, #tpu.memory_space<hbm>> -> memref<1x125xi32, #tpu.memory_space<hbm>>
      %dma_wait3A_817 = arith.constant 0 : i32
      %dma_wait3A_818 = tpu.memref_slice %arg7[%rem3A_780, %dma_wait3A_817] : memref<2x125xi32, #tpu.memory_space<vmem>> -> memref<1x125xi32, #tpu.memory_space<vmem>>
      %dma_wait3A_819 = arith.constant 0 : i32
      %dma_wait3A_820 = tpu.memref_slice %arg4[%add3A_782, %dma_wait3A_819] : memref<2560x125xi32, #tpu.memory_space<hbm>> -> memref<1x125xi32, #tpu.memory_space<hbm>>
      tpu.wait_dma2 semaphore(%run_scoped3A : memref<!tpu.dma_semaphore, #tpu.memory_space<semaphore_mem>>) src(%dma_wait3A_820 : memref<1x125xi32, #tpu.memory_space<hbm>>) dst(%dma_wait3A_818 : memref<1x125xi32, #tpu.memory_space<vmem>>)
      tpu.yield
    }) : () -> ()
    %mul3A_783 = arith.constant 125 : i32
    %mul3A_784 = arith.muli %rem3A_780, %mul3A_783 : i32
    %dma_start3A = arith.constant 0 : i32
    %dma_start3A_785 = tpu.memref_slice %arg8[%mul3A_784, %dma_start3A] : memref<250x128xf32, #tpu.memory_space<vmem>> -> memref<125x128xf32, #tpu.memory_space<vmem>>
    %dma_start3A_786 = arith.constant 0 : i32
    %dma_start3A_787 = tpu.memref_slice %arg6[%rem3A_780, %dma_start3A_786] : memref<2x125xi32, #tpu.memory_space<vmem>> -> memref<1x125xi32, #tpu.memory_space<vmem>>
    %dma_start3A_788 = tpu.memref_squeeze %dma_start3A_787 : memref<1x125xi32, #tpu.memory_space<vmem>> -> memref<125xi32, #tpu.memory_space<vmem>>
    %dma_start3A_789 = arith.constant 0 : i32
    %dma_start3A_790 = arith.constant 0 : i32
    %dma_start3A_791 = tpu.memref_slice %arg2[%dma_start3A_789, %dma_start3A_790] : memref<10000x128xf32, #tpu.memory_space<hbm>> -> memref<10000x128xf32, #tpu.memory_space<hbm>>
    tpu.enqueue_indirect_dma source(%dma_start3A_791 : memref<10000x128xf32, #tpu.memory_space<hbm>>) target(%dma_start3A_785 : memref<125x128xf32, #tpu.memory_space<vmem>>) offsets(%dma_start3A_788 : memref<125xi32, #tpu.memory_space<vmem>>) semaphore(%arg11 : memref<!tpu.dma_semaphore, #tpu.memory_space<semaphore_mem>>)
    %scan3A_792 = arith.constant 0 : i32
    %scan3A_793 = arith.constant 80 : i32
    %scan3A_794 = arith.addi %scan3A_792, %scan3A_793 : i32
    %scan3A_795 = arith.constant 1 : i32
    scf.for %scan3A_806 = %scan3A_792 to %scan3A_794 step %scan3A_795  : i32 {
      %add3A_807 = arith.constant 1 : i32
      %add3A_808 = arith.addi %scan3A_806, %add3A_807 : i32
      %lt3A = arith.constant 80 : i32
      %lt3A_809 = arith.cmpi slt, %add3A_808, %lt3A : i32
      %convert_element_type3A_810 = arith.extui %lt3A_809 : i1 to i32
      %cond3A_811 = arith.constant 0 : i32
      %cond3A_812 = arith.cmpi ne, %convert_element_type3A_810, %cond3A_811 : i32
      scf.if %cond3A_812 {
        %add3A_826 = arith.constant 1 : i32
        %add3A_827 = arith.addi %scan3A_806, %add3A_826 : i32
        %rem3A_828 = arith.constant 2 : i32
        %rem3A_829 = arith.remsi %add3A_827, %rem3A_828 : i32
        %add3A_830 = arith.addi %mul3A_778, %add3A_827 : i32
        "tpu.region"() ({
          %run_scoped3A = tpu.sem_alloc : memref<!tpu.dma_semaphore, #tpu.memory_space<semaphore_mem>>
          %dma_start3A_841 = arith.constant 0 : i32
          %dma_start3A_842 = tpu.memref_slice %arg6[%rem3A_829, %dma_start3A_841] : memref<2x125xi32, #tpu.memory_space<vmem>> -> memref<1x125xi32, #tpu.memory_space<vmem>>
          %dma_start3A_843 = arith.constant 0 : i32
          %dma_start3A_844 = tpu.memref_slice %arg3[%add3A_830, %dma_start3A_843] : memref<2560x125xi32, #tpu.memory_space<hbm>> -> memref<1x125xi32, #tpu.memory_space<hbm>>
          %dma_start3A_845 = arith.constant 0 : i32
          %dma_start3A_846 = tpu.memref_slice %arg6[%rem3A_829, %dma_start3A_845] : memref<2x125xi32, #tpu.memory_space<vmem>> -> memref<1x125xi32, #tpu.memory_space<vmem>>
          %dma_start3A_847 = arith.constant 0 : i32
          %dma_start3A_848 = tpu.memref_slice %arg3[%add3A_830, %dma_start3A_847] : memref<2560x125xi32, #tpu.memory_space<hbm>> -> memref<1x125xi32, #tpu.memory_space<hbm>>
          tpu.enqueue_dma source(%dma_start3A_848 : memref<1x125xi32, #tpu.memory_space<hbm>>) target(%dma_start3A_846 : memref<1x125xi32, #tpu.memory_space<vmem>>) target_semaphore(%run_scoped3A : memref<!tpu.dma_semaphore, #tpu.memory_space<semaphore_mem>>)
          %dma_wait3A_849 = arith.constant 0 : i32
          %dma_wait3A_850 = tpu.memref_slice %arg6[%rem3A_829, %dma_wait3A_849] : memref<2x125xi32, #tpu.memory_space<vmem>> -> memref<1x125xi32, #tpu.memory_space<vmem>>
          %dma_wait3A_851 = arith.constant 0 : i32
          %dma_wait3A_852 = tpu.memref_slice %arg3[%add3A_830, %dma_wait3A_851] : memref<2560x125xi32, #tpu.memory_space<hbm>> -> memref<1x125xi32, #tpu.memory_space<hbm>>
          %dma_wait3A_853 = arith.constant 0 : i32
          %dma_wait3A_854 = tpu.memref_slice %arg6[%rem3A_829, %dma_wait3A_853] : memref<2x125xi32, #tpu.memory_space<vmem>> -> memref<1x125xi32, #tpu.memory_space<vmem>>
          %dma_wait3A_855 = arith.constant 0 : i32
          %dma_wait3A_856 = tpu.memref_slice %arg3[%add3A_830, %dma_wait3A_855] : memref<2560x125xi32, #tpu.memory_space<hbm>> -> memref<1x125xi32, #tpu.memory_space<hbm>>
          tpu.wait_dma2 semaphore(%run_scoped3A : memref<!tpu.dma_semaphore, #tpu.memory_space<semaphore_mem>>) src(%dma_wait3A_856 : memref<1x125xi32, #tpu.memory_space<hbm>>) dst(%dma_wait3A_854 : memref<1x125xi32, #tpu.memory_space<vmem>>)
          tpu.yield
        }) : () -> ()
        "tpu.region"() ({
          %run_scoped3A = tpu.sem_alloc : memref<!tpu.dma_semaphore, #tpu.memory_space<semaphore_mem>>
          %dma_start3A_841 = arith.constant 0 : i32
          %dma_start3A_842 = tpu.memref_slice %arg7[%rem3A_829, %dma_start3A_841] : memref<2x125xi32, #tpu.memory_space<vmem>> -> memref<1x125xi32, #tpu.memory_space<vmem>>
          %dma_start3A_843 = arith.constant 0 : i32
          %dma_start3A_844 = tpu.memref_slice %arg4[%add3A_830, %dma_start3A_843] : memref<2560x125xi32, #tpu.memory_space<hbm>> -> memref<1x125xi32, #tpu.memory_space<hbm>>
          %dma_start3A_845 = arith.constant 0 : i32
          %dma_start3A_846 = tpu.memref_slice %arg7[%rem3A_829, %dma_start3A_845] : memref<2x125xi32, #tpu.memory_space<vmem>> -> memref<1x125xi32, #tpu.memory_space<vmem>>
          %dma_start3A_847 = arith.constant 0 : i32
          %dma_start3A_848 = tpu.memref_slice %arg4[%add3A_830, %dma_start3A_847] : memref<2560x125xi32, #tpu.memory_space<hbm>> -> memref<1x125xi32, #tpu.memory_space<hbm>>
          tpu.enqueue_dma source(%dma_start3A_848 : memref<1x125xi32, #tpu.memory_space<hbm>>) target(%dma_start3A_846 : memref<1x125xi32, #tpu.memory_space<vmem>>) target_semaphore(%run_scoped3A : memref<!tpu.dma_semaphore, #tpu.memory_space<semaphore_mem>>)
          %dma_wait3A_849 = arith.constant 0 : i32
          %dma_wait3A_850 = tpu.memref_slice %arg7[%rem3A_829, %dma_wait3A_849] : memref<2x125xi32, #tpu.memory_space<vmem>> -> memref<1x125xi32, #tpu.memory_space<vmem>>
          %dma_wait3A_851 = arith.constant 0 : i32
          %dma_wait3A_852 = tpu.memref_slice %arg4[%add3A_830, %dma_wait3A_851] : memref<2560x125xi32, #tpu.memory_space<hbm>> -> memref<1x125xi32, #tpu.memory_space<hbm>>
          %dma_wait3A_853 = arith.constant 0 : i32
          %dma_wait3A_854 = tpu.memref_slice %arg7[%rem3A_829, %dma_wait3A_853] : memref<2x125xi32, #tpu.memory_space<vmem>> -> memref<1x125xi32, #tpu.memory_space<vmem>>
          %dma_wait3A_855 = arith.constant 0 : i32
          %dma_wait3A_856 = tpu.memref_slice %arg4[%add3A_830, %dma_wait3A_855] : memref<2560x125xi32, #tpu.memory_space<hbm>> -> memref<1x125xi32, #tpu.memory_space<hbm>>
          tpu.wait_dma2 semaphore(%run_scoped3A : memref<!tpu.dma_semaphore, #tpu.memory_space<semaphore_mem>>) src(%dma_wait3A_856 : memref<1x125xi32, #tpu.memory_space<hbm>>) dst(%dma_wait3A_854 : memref<1x125xi32, #tpu.memory_space<vmem>>)
          tpu.yield
        }) : () -> ()
        %mul3A_831 = arith.constant 125 : i32
        %mul3A_832 = arith.muli %rem3A_829, %mul3A_831 : i32
        %dma_start3A_833 = arith.constant 0 : i32
        %dma_start3A_834 = tpu.memref_slice %arg8[%mul3A_832, %dma_start3A_833] : memref<250x128xf32, #tpu.memory_space<vmem>> -> memref<125x128xf32, #tpu.memory_space<vmem>>
        %dma_start3A_835 = arith.constant 0 : i32
        %dma_start3A_836 = tpu.memref_slice %arg6[%rem3A_829, %dma_start3A_835] : memref<2x125xi32, #tpu.memory_space<vmem>> -> memref<1x125xi32, #tpu.memory_space<vmem>>
        %dma_start3A_837 = tpu.memref_squeeze %dma_start3A_836 : memref<1x125xi32, #tpu.memory_space<vmem>> -> memref<125xi32, #tpu.memory_space<vmem>>
        %dma_start3A_838 = arith.constant 0 : i32
        %dma_start3A_839 = arith.constant 0 : i32
        %dma_start3A_840 = tpu.memref_slice %arg2[%dma_start3A_838, %dma_start3A_839] : memref<10000x128xf32, #tpu.memory_space<hbm>> -> memref<10000x128xf32, #tpu.memory_space<hbm>>
        tpu.enqueue_indirect_dma source(%dma_start3A_840 : memref<10000x128xf32, #tpu.memory_space<hbm>>) target(%dma_start3A_834 : memref<125x128xf32, #tpu.memory_space<vmem>>) offsets(%dma_start3A_837 : memref<125xi32, #tpu.memory_space<vmem>>) semaphore(%arg11 : memref<!tpu.dma_semaphore, #tpu.memory_space<semaphore_mem>>)
      } else {
      }
      %rem3A_813 = arith.constant 2 : i32
      %rem3A_814 = arith.remsi %scan3A_806, %rem3A_813 : i32
      %mul3A_815 = arith.constant 125 : i32
      %mul3A_816 = arith.muli %rem3A_814, %mul3A_815 : i32
      %dma_wait3A = arith.constant 0 : i32
      %dma_wait3A_817 = tpu.memref_slice %arg8[%mul3A_816, %dma_wait3A] : memref<250x128xf32, #tpu.memory_space<vmem>> -> memref<125x128xf32, #tpu.memory_space<vmem>>
      %dma_wait3A_818 = arith.constant 0 : i32
      %dma_wait3A_819 = tpu.memref_slice %arg6[%rem3A_814, %dma_wait3A_818] : memref<2x125xi32, #tpu.memory_space<vmem>> -> memref<1x125xi32, #tpu.memory_space<vmem>>
      %dma_wait3A_820 = tpu.memref_squeeze %dma_wait3A_819 : memref<1x125xi32, #tpu.memory_space<vmem>> -> memref<125xi32, #tpu.memory_space<vmem>>
      %dma_wait3A_821 = arith.constant 0 : i32
      %dma_wait3A_822 = arith.constant 0 : i32
      %dma_wait3A_823 = tpu.memref_slice %arg2[%dma_wait3A_821, %dma_wait3A_822] : memref<10000x128xf32, #tpu.memory_space<hbm>> -> memref<10000x128xf32, #tpu.memory_space<hbm>>
      tpu.wait_indirect_dma semaphore(%arg11 : memref<!tpu.dma_semaphore, #tpu.memory_space<semaphore_mem>>) src(%dma_wait3A_823 : memref<10000x128xf32, #tpu.memory_space<hbm>>) dst(%dma_wait3A_817 : memref<125x128xf32, #tpu.memory_space<vmem>>)
      %mul3A_824 = arith.constant 125 : i32
      %mul3A_825 = arith.muli %rem3A_814, %mul3A_824 : i32
      "tpu.region"() ({
        %run_scoped3A = tpu.sem_alloc : memref<!tpu.dma_semaphore, #tpu.memory_space<semaphore_mem>>
        %dma_start3A_826 = arith.constant 0 : i32
        %dma_start3A_827 = tpu.memref_slice %arg8[%mul3A_825, %dma_start3A_826] : memref<250x128xf32, #tpu.memory_space<vmem>> -> memref<125x128xf32, #tpu.memory_space<vmem>>
        %dma_start3A_828 = arith.constant 0 : i32
        %dma_start3A_829 = tpu.memref_slice %arg7[%rem3A_814, %dma_start3A_828] : memref<2x125xi32, #tpu.memory_space<vmem>> -> memref<1x125xi32, #tpu.memory_space<vmem>>
        %dma_start3A_830 = tpu.memref_squeeze %dma_start3A_829 : memref<1x125xi32, #tpu.memory_space<vmem>> -> memref<125xi32, #tpu.memory_space<vmem>>
        %dma_start3A_831 = arith.constant 0 : i32
        %dma_start3A_832 = arith.constant 0 : i32
        %dma_start3A_833 = tpu.memref_slice %arg10[%dma_start3A_831, %dma_start3A_832] : memref<10000x128xf32, #tpu.memory_space<vmem_shared>> -> memref<10000x128xf32, #tpu.memory_space<vmem_shared>>
        tpu.enqueue_indirect_dma source(%dma_start3A_827 : memref<125x128xf32, #tpu.memory_space<vmem>>) target(%dma_start3A_833 : memref<10000x128xf32, #tpu.memory_space<vmem_shared>>) offsets(%dma_start3A_830 : memref<125xi32, #tpu.memory_space<vmem>>) semaphore(%run_scoped3A : memref<!tpu.dma_semaphore, #tpu.memory_space<semaphore_mem>>) {add = true}
        %dma_wait3A_834 = arith.constant 0 : i32
        %dma_wait3A_835 = tpu.memref_slice %arg8[%mul3A_825, %dma_wait3A_834] : memref<250x128xf32, #tpu.memory_space<vmem>> -> memref<125x128xf32, #tpu.memory_space<vmem>>
        %dma_wait3A_836 = arith.constant 0 : i32
        %dma_wait3A_837 = tpu.memref_slice %arg7[%rem3A_814, %dma_wait3A_836] : memref<2x125xi32, #tpu.memory_space<vmem>> -> memref<1x125xi32, #tpu.memory_space<vmem>>
        %dma_wait3A_838 = tpu.memref_squeeze %dma_wait3A_837 : memref<1x125xi32, #tpu.memory_space<vmem>> -> memref<125xi32, #tpu.memory_space<vmem>>
        %dma_wait3A_839 = arith.constant 0 : i32
        %dma_wait3A_840 = arith.constant 0 : i32
        %dma_wait3A_841 = tpu.memref_slice %arg10[%dma_wait3A_839, %dma_wait3A_840] : memref<10000x128xf32, #tpu.memory_space<vmem_shared>> -> memref<10000x128xf32, #tpu.memory_space<vmem_shared>>
        tpu.wait_indirect_dma semaphore(%run_scoped3A : memref<!tpu.dma_semaphore, #tpu.memory_space<semaphore_mem>>) src(%dma_wait3A_835 : memref<125x128xf32, #tpu.memory_space<vmem>>) dst(%dma_wait3A_841 : memref<10000x128xf32, #tpu.memory_space<vmem_shared>>)
        tpu.yield
      }) : () -> ()
    }
    %scan3A_796 = arith.constant 80 : i32
    %barrier3A_797 = arith.constant 0 : index
    tpu.barrier barrier_id(%barrier3A_797)
    %mul3A_798 = arith.constant 10000 : i32
    %mul3A_799 = arith.muli %arg0, %mul3A_798 : i32
    %add3A_800 = arith.addi %mul3A_799, %mul3A_770 : i32
    %multiple_of3A = tpu.assume_multiple %add3A_800, 8 : i32
    "tpu.region"() ({
      %run_scoped3A = tpu.sem_alloc : memref<!tpu.dma_semaphore, #tpu.memory_space<semaphore_mem>>
      %dma_start3A_806 = arith.constant 0 : i32
      %dma_start3A_807 = tpu.memref_slice %arg5[%multiple_of3A, %dma_start3A_806] : memref<20000x128xf32, #tpu.memory_space<hbm>> -> memref<624x128xf32, #tpu.memory_space<hbm>>
      %dma_start3A_808 = arith.constant 0 : i32
      %dma_start3A_809 = tpu.memref_slice %arg10[%mul3A_770, %dma_start3A_808] : memref<10000x128xf32, #tpu.memory_space<vmem_shared>> -> memref<624x128xf32, #tpu.memory_space<vmem_shared>>
      tpu.enqueue_dma source(%dma_start3A_809 : memref<624x128xf32, #tpu.memory_space<vmem_shared>>) target(%dma_start3A_807 : memref<624x128xf32, #tpu.memory_space<hbm>>) target_semaphore(%run_scoped3A : memref<!tpu.dma_semaphore, #tpu.memory_space<semaphore_mem>>)
      %dma_wait3A = arith.constant 0 : i32
      %dma_wait3A_810 = tpu.memref_slice %arg5[%multiple_of3A, %dma_wait3A] : memref<20000x128xf32, #tpu.memory_space<hbm>> -> memref<624x128xf32, #tpu.memory_space<hbm>>
      %dma_wait3A_811 = arith.constant 0 : i32
      %dma_wait3A_812 = tpu.memref_slice %arg10[%mul3A_770, %dma_wait3A_811] : memref<10000x128xf32, #tpu.memory_space<vmem_shared>> -> memref<624x128xf32, #tpu.memory_space<vmem_shared>>
      tpu.wait_dma2 semaphore(%run_scoped3A : memref<!tpu.dma_semaphore, #tpu.memory_space<semaphore_mem>>) src(%dma_wait3A_812 : memref<624x128xf32, #tpu.memory_space<vmem_shared>>) dst(%dma_wait3A_810 : memref<624x128xf32, #tpu.memory_space<hbm>>)
      tpu.yield
    }) : () -> ()
    %eq3A_801 = arith.constant 15 : i32
    %eq3A_802 = arith.cmpi eq, %arg1, %eq3A_801 : i32
    %convert_element_type3A_803 = arith.extui %eq3A_802 : i1 to i32
    %cond3A_804 = arith.constant 0 : i32
    %cond3A_805 = arith.cmpi ne, %convert_element_type3A_803, %cond3A_804 : i32
    scf.if %cond3A_805 {
      %mul3A_806 = arith.constant 10000 : i32
      %mul3A_807 = arith.muli %arg0, %mul3A_806 : i32
      %add3A_808 = arith.constant 9984 : i32
      %add3A_809 = arith.addi %mul3A_807, %add3A_808 : i32
      %multiple_of3A_810 = tpu.assume_multiple %add3A_809, 8 : i32
      "tpu.region"() ({
        %run_scoped3A = tpu.sem_alloc : memref<!tpu.dma_semaphore, #tpu.memory_space<semaphore_mem>>
        %dma_start3A_811 = arith.constant 0 : i32
        %dma_start3A_812 = tpu.memref_slice %arg5[%multiple_of3A_810, %dma_start3A_811] : memref<20000x128xf32, #tpu.memory_space<hbm>> -> memref<16x128xf32, #tpu.memory_space<hbm>>
        %dma_start3A_813 = arith.constant 9984 : i32
        %dma_start3A_814 = arith.constant 0 : i32
        %dma_start3A_815 = tpu.memref_slice %arg10[%dma_start3A_813, %dma_start3A_814] : memref<10000x128xf32, #tpu.memory_space<vmem_shared>> -> memref<16x128xf32, #tpu.memory_space<vmem_shared>>
        tpu.enqueue_dma source(%dma_start3A_815 : memref<16x128xf32, #tpu.memory_space<vmem_shared>>) target(%dma_start3A_812 : memref<16x128xf32, #tpu.memory_space<hbm>>) target_semaphore(%run_scoped3A : memref<!tpu.dma_semaphore, #tpu.memory_space<semaphore_mem>>)
        %dma_wait3A = arith.constant 0 : i32
        %dma_wait3A_816 = tpu.memref_slice %arg5[%multiple_of3A_810, %dma_wait3A] : memref<20000x128xf32, #tpu.memory_space<hbm>> -> memref<16x128xf32, #tpu.memory_space<hbm>>
        %dma_wait3A_817 = arith.constant 9984 : i32
        %dma_wait3A_818 = arith.constant 0 : i32
        %dma_wait3A_819 = tpu.memref_slice %arg10[%dma_wait3A_817, %dma_wait3A_818] : memref<10000x128xf32, #tpu.memory_space<vmem_shared>> -> memref<16x128xf32, #tpu.memory_space<vmem_shared>>
        tpu.wait_dma2 semaphore(%run_scoped3A : memref<!tpu.dma_semaphore, #tpu.memory_space<semaphore_mem>>) src(%dma_wait3A_819 : memref<16x128xf32, #tpu.memory_space<vmem_shared>>) dst(%dma_wait3A_816 : memref<16x128xf32, #tpu.memory_space<hbm>>)
        tpu.yield
      }) : () -> ()
    } else {
    }
    return
  }
}

#map = affine_map<(d0, d1) -> (0, 0)>
module attributes {stable_mosaic.version = 14 : i64} {
  func.func @_sew_body(%arg0: i32, %arg1: i32, %arg2: memref<2560x125xi32, #tpu.memory_space<hbm>>, %arg3: memref<320000x16xf32, #tpu.memory_space<hbm>>, %arg4: memref<20000x16xf32, #tpu.memory_space<hbm>>, %arg5: memref<20000x16xf32, #tpu.memory_space<hbm>>, %arg6: memref<2x125xi32, #tpu.memory_space<vmem>>, %arg7: memref<250x16xf32, #tpu.memory_space<vmem>>, %arg8: memref<125x16xf32, #tpu.memory_space<vmem>>, %arg9: memref<16x16xf32, #tpu.memory_space<vmem>>, %arg10: memref<10000x16xf32, #tpu.memory_space<vmem_shared>>, %arg11: memref<10000x16xf32, #tpu.memory_space<vmem_shared>>, %arg12: memref<!tpu.dma_semaphore, #tpu.memory_space<semaphore_mem>>) attributes {dimension_semantics = [#tpu.dimension_semantics<core_parallel>, #tpu.dimension_semantics<subcore_parallel>], iteration_bounds = array<i64: 2, 16>, scalar_prefetch = 0 : i64, scratch_operands = 7 : i64, tpu.core_type = #tpu.core_type<sc_vector_subcore>, window_params = [{transform_indices = #map}, {transform_indices = #map}, {transform_indices = #map}, {transform_indices = #map}]} {
    %mul3A = arith.constant 2 : i32
    %mul3A_0 = arith.muli %arg1, %mul3A : i32
    %add3A = arith.addi %mul3A_0, %arg0 : i32
    %broadcast_in_dim3A = arith.constant 0.000000e+00 : f32
    %broadcast_in_dim3A_1 = vector.broadcast %broadcast_in_dim3A : f32 to vector<16xf32>
    %broadcast_in_dim3A_2 = arith.constant 1.000000e+00 : f32
    %broadcast_in_dim3A_3 = vector.broadcast %broadcast_in_dim3A_2 : f32 to vector<16xf32>
    %swap3A = arith.constant 0 : i32
    %swap3A_4 = arith.index_cast %swap3A : i32 to index
    %swap3A_5 = arith.constant 0 : index
    %swap3A_6 = tpu.vector_load %arg9[%swap3A_4, %swap3A_5] {strides = array<i32>} : memref<16x16xf32, #tpu.memory_space<vmem>>, vector<1x16xf32>,
    %swap3A_7 = vector.shape_cast %swap3A_6 : vector<1x16xf32> to vector<16xf32>
    %swap3A_8 = vector.shape_cast %broadcast_in_dim3A_1 : vector<16xf32> to vector<1x16xf32>
    tpu.vector_store %arg9[%swap3A_4, %swap3A_5], %swap3A_8 {strides = array<i32>} : memref<16x16xf32, #tpu.memory_space<vmem>>, vector<1x16xf32>,
    %swap3A_9 = arith.constant 1 : i32
    %swap3A_10 = arith.index_cast %swap3A_9 : i32 to index
    %swap3A_11 = arith.constant 0 : index
    %swap3A_12 = tpu.vector_load %arg9[%swap3A_10, %swap3A_11] {strides = array<i32>} : memref<16x16xf32, #tpu.memory_space<vmem>>, vector<1x16xf32>,
    %swap3A_13 = vector.shape_cast %swap3A_12 : vector<1x16xf32> to vector<16xf32>
    %swap3A_14 = vector.shape_cast %broadcast_in_dim3A_1 : vector<16xf32> to vector<1x16xf32>
    tpu.vector_store %arg9[%swap3A_10, %swap3A_11], %swap3A_14 {strides = array<i32>} : memref<16x16xf32, #tpu.memory_space<vmem>>, vector<1x16xf32>,
    %swap3A_15 = arith.constant 2 : i32
    %swap3A_16 = arith.index_cast %swap3A_15 : i32 to index
    %swap3A_17 = arith.constant 0 : index
    %swap3A_18 = tpu.vector_load %arg9[%swap3A_16, %swap3A_17] {strides = array<i32>} : memref<16x16xf32, #tpu.memory_space<vmem>>, vector<1x16xf32>,
    %swap3A_19 = vector.shape_cast %swap3A_18 : vector<1x16xf32> to vector<16xf32>
    %swap3A_20 = vector.shape_cast %broadcast_in_dim3A_1 : vector<16xf32> to vector<1x16xf32>
    tpu.vector_store %arg9[%swap3A_16, %swap3A_17], %swap3A_20 {strides = array<i32>} : memref<16x16xf32, #tpu.memory_space<vmem>>, vector<1x16xf32>,
    %swap3A_21 = arith.constant 3 : i32
    %swap3A_22 = arith.index_cast %swap3A_21 : i32 to index
    %swap3A_23 = arith.constant 0 : index
    %swap3A_24 = tpu.vector_load %arg9[%swap3A_22, %swap3A_23] {strides = array<i32>} : memref<16x16xf32, #tpu.memory_space<vmem>>, vector<1x16xf32>,
    %swap3A_25 = vector.shape_cast %swap3A_24 : vector<1x16xf32> to vector<16xf32>
    %swap3A_26 = vector.shape_cast %broadcast_in_dim3A_1 : vector<16xf32> to vector<1x16xf32>
    tpu.vector_store %arg9[%swap3A_22, %swap3A_23], %swap3A_26 {strides = array<i32>} : memref<16x16xf32, #tpu.memory_space<vmem>>, vector<1x16xf32>,
    %swap3A_27 = arith.constant 4 : i32
    %swap3A_28 = arith.index_cast %swap3A_27 : i32 to index
    %swap3A_29 = arith.constant 0 : index
    %swap3A_30 = tpu.vector_load %arg9[%swap3A_28, %swap3A_29] {strides = array<i32>} : memref<16x16xf32, #tpu.memory_space<vmem>>, vector<1x16xf32>,
    %swap3A_31 = vector.shape_cast %swap3A_30 : vector<1x16xf32> to vector<16xf32>
    %swap3A_32 = vector.shape_cast %broadcast_in_dim3A_1 : vector<16xf32> to vector<1x16xf32>
    tpu.vector_store %arg9[%swap3A_28, %swap3A_29], %swap3A_32 {strides = array<i32>} : memref<16x16xf32, #tpu.memory_space<vmem>>, vector<1x16xf32>,
    %swap3A_33 = arith.constant 5 : i32
    %swap3A_34 = arith.index_cast %swap3A_33 : i32 to index
    %swap3A_35 = arith.constant 0 : index
    %swap3A_36 = tpu.vector_load %arg9[%swap3A_34, %swap3A_35] {strides = array<i32>} : memref<16x16xf32, #tpu.memory_space<vmem>>, vector<1x16xf32>,
    %swap3A_37 = vector.shape_cast %swap3A_36 : vector<1x16xf32> to vector<16xf32>
    %swap3A_38 = vector.shape_cast %broadcast_in_dim3A_1 : vector<16xf32> to vector<1x16xf32>
    tpu.vector_store %arg9[%swap3A_34, %swap3A_35], %swap3A_38 {strides = array<i32>} : memref<16x16xf32, #tpu.memory_space<vmem>>, vector<1x16xf32>,
    %swap3A_39 = arith.constant 6 : i32
    %swap3A_40 = arith.index_cast %swap3A_39 : i32 to index
    %swap3A_41 = arith.constant 0 : index
    %swap3A_42 = tpu.vector_load %arg9[%swap3A_40, %swap3A_41] {strides = array<i32>} : memref<16x16xf32, #tpu.memory_space<vmem>>, vector<1x16xf32>,
    %swap3A_43 = vector.shape_cast %swap3A_42 : vector<1x16xf32> to vector<16xf32>
    %swap3A_44 = vector.shape_cast %broadcast_in_dim3A_1 : vector<16xf32> to vector<1x16xf32>
    tpu.vector_store %arg9[%swap3A_40, %swap3A_41], %swap3A_44 {strides = array<i32>} : memref<16x16xf32, #tpu.memory_space<vmem>>, vector<1x16xf32>,
    %swap3A_45 = arith.constant 7 : i32
    %swap3A_46 = arith.index_cast %swap3A_45 : i32 to index
    %swap3A_47 = arith.constant 0 : index
    %swap3A_48 = tpu.vector_load %arg9[%swap3A_46, %swap3A_47] {strides = array<i32>} : memref<16x16xf32, #tpu.memory_space<vmem>>, vector<1x16xf32>,
    %swap3A_49 = vector.shape_cast %swap3A_48 : vector<1x16xf32> to vector<16xf32>
    %swap3A_50 = vector.shape_cast %broadcast_in_dim3A_1 : vector<16xf32> to vector<1x16xf32>
    tpu.vector_store %arg9[%swap3A_46, %swap3A_47], %swap3A_50 {strides = array<i32>} : memref<16x16xf32, #tpu.memory_space<vmem>>, vector<1x16xf32>,
    %swap3A_51 = arith.constant 8 : i32
    %swap3A_52 = arith.index_cast %swap3A_51 : i32 to index
    %swap3A_53 = arith.constant 0 : index
    %swap3A_54 = tpu.vector_load %arg9[%swap3A_52, %swap3A_53] {strides = array<i32>} : memref<16x16xf32, #tpu.memory_space<vmem>>, vector<1x16xf32>,
    %swap3A_55 = vector.shape_cast %swap3A_54 : vector<1x16xf32> to vector<16xf32>
    %swap3A_56 = vector.shape_cast %broadcast_in_dim3A_1 : vector<16xf32> to vector<1x16xf32>
    tpu.vector_store %arg9[%swap3A_52, %swap3A_53], %swap3A_56 {strides = array<i32>} : memref<16x16xf32, #tpu.memory_space<vmem>>, vector<1x16xf32>,
    %swap3A_57 = arith.constant 9 : i32
    %swap3A_58 = arith.index_cast %swap3A_57 : i32 to index
    %swap3A_59 = arith.constant 0 : index
    %swap3A_60 = tpu.vector_load %arg9[%swap3A_58, %swap3A_59] {strides = array<i32>} : memref<16x16xf32, #tpu.memory_space<vmem>>, vector<1x16xf32>,
    %swap3A_61 = vector.shape_cast %swap3A_60 : vector<1x16xf32> to vector<16xf32>
    %swap3A_62 = vector.shape_cast %broadcast_in_dim3A_1 : vector<16xf32> to vector<1x16xf32>
    tpu.vector_store %arg9[%swap3A_58, %swap3A_59], %swap3A_62 {strides = array<i32>} : memref<16x16xf32, #tpu.memory_space<vmem>>, vector<1x16xf32>,
    %swap3A_63 = arith.constant 10 : i32
    %swap3A_64 = arith.index_cast %swap3A_63 : i32 to index
    %swap3A_65 = arith.constant 0 : index
    %swap3A_66 = tpu.vector_load %arg9[%swap3A_64, %swap3A_65] {strides = array<i32>} : memref<16x16xf32, #tpu.memory_space<vmem>>, vector<1x16xf32>,
    %swap3A_67 = vector.shape_cast %swap3A_66 : vector<1x16xf32> to vector<16xf32>
    %swap3A_68 = vector.shape_cast %broadcast_in_dim3A_1 : vector<16xf32> to vector<1x16xf32>
    tpu.vector_store %arg9[%swap3A_64, %swap3A_65], %swap3A_68 {strides = array<i32>} : memref<16x16xf32, #tpu.memory_space<vmem>>, vector<1x16xf32>,
    %swap3A_69 = arith.constant 11 : i32
    %swap3A_70 = arith.index_cast %swap3A_69 : i32 to index
    %swap3A_71 = arith.constant 0 : index
    %swap3A_72 = tpu.vector_load %arg9[%swap3A_70, %swap3A_71] {strides = array<i32>} : memref<16x16xf32, #tpu.memory_space<vmem>>, vector<1x16xf32>,
    %swap3A_73 = vector.shape_cast %swap3A_72 : vector<1x16xf32> to vector<16xf32>
    %swap3A_74 = vector.shape_cast %broadcast_in_dim3A_1 : vector<16xf32> to vector<1x16xf32>
    tpu.vector_store %arg9[%swap3A_70, %swap3A_71], %swap3A_74 {strides = array<i32>} : memref<16x16xf32, #tpu.memory_space<vmem>>, vector<1x16xf32>,
    %swap3A_75 = arith.constant 12 : i32
    %swap3A_76 = arith.index_cast %swap3A_75 : i32 to index
    %swap3A_77 = arith.constant 0 : index
    %swap3A_78 = tpu.vector_load %arg9[%swap3A_76, %swap3A_77] {strides = array<i32>} : memref<16x16xf32, #tpu.memory_space<vmem>>, vector<1x16xf32>,
    %swap3A_79 = vector.shape_cast %swap3A_78 : vector<1x16xf32> to vector<16xf32>
    %swap3A_80 = vector.shape_cast %broadcast_in_dim3A_1 : vector<16xf32> to vector<1x16xf32>
    tpu.vector_store %arg9[%swap3A_76, %swap3A_77], %swap3A_80 {strides = array<i32>} : memref<16x16xf32, #tpu.memory_space<vmem>>, vector<1x16xf32>,
    %swap3A_81 = arith.constant 13 : i32
    %swap3A_82 = arith.index_cast %swap3A_81 : i32 to index
    %swap3A_83 = arith.constant 0 : index
    %swap3A_84 = tpu.vector_load %arg9[%swap3A_82, %swap3A_83] {strides = array<i32>} : memref<16x16xf32, #tpu.memory_space<vmem>>, vector<1x16xf32>,
    %swap3A_85 = vector.shape_cast %swap3A_84 : vector<1x16xf32> to vector<16xf32>
    %swap3A_86 = vector.shape_cast %broadcast_in_dim3A_1 : vector<16xf32> to vector<1x16xf32>
    tpu.vector_store %arg9[%swap3A_82, %swap3A_83], %swap3A_86 {strides = array<i32>} : memref<16x16xf32, #tpu.memory_space<vmem>>, vector<1x16xf32>,
    %swap3A_87 = arith.constant 14 : i32
    %swap3A_88 = arith.index_cast %swap3A_87 : i32 to index
    %swap3A_89 = arith.constant 0 : index
    %swap3A_90 = tpu.vector_load %arg9[%swap3A_88, %swap3A_89] {strides = array<i32>} : memref<16x16xf32, #tpu.memory_space<vmem>>, vector<1x16xf32>,
    %swap3A_91 = vector.shape_cast %swap3A_90 : vector<1x16xf32> to vector<16xf32>
    %swap3A_92 = vector.shape_cast %broadcast_in_dim3A_1 : vector<16xf32> to vector<1x16xf32>
    tpu.vector_store %arg9[%swap3A_88, %swap3A_89], %swap3A_92 {strides = array<i32>} : memref<16x16xf32, #tpu.memory_space<vmem>>, vector<1x16xf32>,
    %swap3A_93 = arith.constant 15 : i32
    %swap3A_94 = arith.index_cast %swap3A_93 : i32 to index
    %swap3A_95 = arith.constant 0 : index
    %swap3A_96 = tpu.vector_load %arg9[%swap3A_94, %swap3A_95] {strides = array<i32>} : memref<16x16xf32, #tpu.memory_space<vmem>>, vector<1x16xf32>,
    %swap3A_97 = vector.shape_cast %swap3A_96 : vector<1x16xf32> to vector<16xf32>
    %swap3A_98 = vector.shape_cast %broadcast_in_dim3A_1 : vector<16xf32> to vector<1x16xf32>
    tpu.vector_store %arg9[%swap3A_94, %swap3A_95], %swap3A_98 {strides = array<i32>} : memref<16x16xf32, #tpu.memory_space<vmem>>, vector<1x16xf32>,
    %swap3A_99 = arith.constant 0 : i32
    %swap3A_100 = arith.index_cast %swap3A_99 : i32 to index
    %swap3A_101 = arith.constant 0 : index
    %swap3A_102 = tpu.vector_load %arg8[%swap3A_100, %swap3A_101] {strides = array<i32>} : memref<125x16xf32, #tpu.memory_space<vmem>>, vector<1x16xf32>,
    %swap3A_103 = vector.shape_cast %swap3A_102 : vector<1x16xf32> to vector<16xf32>
    %swap3A_104 = vector.shape_cast %broadcast_in_dim3A_3 : vector<16xf32> to vector<1x16xf32>
    tpu.vector_store %arg8[%swap3A_100, %swap3A_101], %swap3A_104 {strides = array<i32>} : memref<125x16xf32, #tpu.memory_space<vmem>>, vector<1x16xf32>,
    %swap3A_105 = arith.constant 1 : i32
    %swap3A_106 = arith.index_cast %swap3A_105 : i32 to index
    %swap3A_107 = arith.constant 0 : index
    %swap3A_108 = tpu.vector_load %arg8[%swap3A_106, %swap3A_107] {strides = array<i32>} : memref<125x16xf32, #tpu.memory_space<vmem>>, vector<1x16xf32>,
    %swap3A_109 = vector.shape_cast %swap3A_108 : vector<1x16xf32> to vector<16xf32>
    %swap3A_110 = vector.shape_cast %broadcast_in_dim3A_3 : vector<16xf32> to vector<1x16xf32>
    tpu.vector_store %arg8[%swap3A_106, %swap3A_107], %swap3A_110 {strides = array<i32>} : memref<125x16xf32, #tpu.memory_space<vmem>>, vector<1x16xf32>,
    %swap3A_111 = arith.constant 2 : i32
    %swap3A_112 = arith.index_cast %swap3A_111 : i32 to index
    %swap3A_113 = arith.constant 0 : index
    %swap3A_114 = tpu.vector_load %arg8[%swap3A_112, %swap3A_113] {strides = array<i32>} : memref<125x16xf32, #tpu.memory_space<vmem>>, vector<1x16xf32>,
    %swap3A_115 = vector.shape_cast %swap3A_114 : vector<1x16xf32> to vector<16xf32>
    %swap3A_116 = vector.shape_cast %broadcast_in_dim3A_3 : vector<16xf32> to vector<1x16xf32>
    tpu.vector_store %arg8[%swap3A_112, %swap3A_113], %swap3A_116 {strides = array<i32>} : memref<125x16xf32, #tpu.memory_space<vmem>>, vector<1x16xf32>,
    %swap3A_117 = arith.constant 3 : i32
    %swap3A_118 = arith.index_cast %swap3A_117 : i32 to index
    %swap3A_119 = arith.constant 0 : index
    %swap3A_120 = tpu.vector_load %arg8[%swap3A_118, %swap3A_119] {strides = array<i32>} : memref<125x16xf32, #tpu.memory_space<vmem>>, vector<1x16xf32>,
    %swap3A_121 = vector.shape_cast %swap3A_120 : vector<1x16xf32> to vector<16xf32>
    %swap3A_122 = vector.shape_cast %broadcast_in_dim3A_3 : vector<16xf32> to vector<1x16xf32>
    tpu.vector_store %arg8[%swap3A_118, %swap3A_119], %swap3A_122 {strides = array<i32>} : memref<125x16xf32, #tpu.memory_space<vmem>>, vector<1x16xf32>,
    %swap3A_123 = arith.constant 4 : i32
    %swap3A_124 = arith.index_cast %swap3A_123 : i32 to index
    %swap3A_125 = arith.constant 0 : index
    %swap3A_126 = tpu.vector_load %arg8[%swap3A_124, %swap3A_125] {strides = array<i32>} : memref<125x16xf32, #tpu.memory_space<vmem>>, vector<1x16xf32>,
    %swap3A_127 = vector.shape_cast %swap3A_126 : vector<1x16xf32> to vector<16xf32>
    %swap3A_128 = vector.shape_cast %broadcast_in_dim3A_3 : vector<16xf32> to vector<1x16xf32>
    tpu.vector_store %arg8[%swap3A_124, %swap3A_125], %swap3A_128 {strides = array<i32>} : memref<125x16xf32, #tpu.memory_space<vmem>>, vector<1x16xf32>,
    %swap3A_129 = arith.constant 5 : i32
    %swap3A_130 = arith.index_cast %swap3A_129 : i32 to index
    %swap3A_131 = arith.constant 0 : index
    %swap3A_132 = tpu.vector_load %arg8[%swap3A_130, %swap3A_131] {strides = array<i32>} : memref<125x16xf32, #tpu.memory_space<vmem>>, vector<1x16xf32>,
    %swap3A_133 = vector.shape_cast %swap3A_132 : vector<1x16xf32> to vector<16xf32>
    %swap3A_134 = vector.shape_cast %broadcast_in_dim3A_3 : vector<16xf32> to vector<1x16xf32>
    tpu.vector_store %arg8[%swap3A_130, %swap3A_131], %swap3A_134 {strides = array<i32>} : memref<125x16xf32, #tpu.memory_space<vmem>>, vector<1x16xf32>,
    %swap3A_135 = arith.constant 6 : i32
    %swap3A_136 = arith.index_cast %swap3A_135 : i32 to index
    %swap3A_137 = arith.constant 0 : index
    %swap3A_138 = tpu.vector_load %arg8[%swap3A_136, %swap3A_137] {strides = array<i32>} : memref<125x16xf32, #tpu.memory_space<vmem>>, vector<1x16xf32>,
    %swap3A_139 = vector.shape_cast %swap3A_138 : vector<1x16xf32> to vector<16xf32>
    %swap3A_140 = vector.shape_cast %broadcast_in_dim3A_3 : vector<16xf32> to vector<1x16xf32>
    tpu.vector_store %arg8[%swap3A_136, %swap3A_137], %swap3A_140 {strides = array<i32>} : memref<125x16xf32, #tpu.memory_space<vmem>>, vector<1x16xf32>,
    %swap3A_141 = arith.constant 7 : i32
    %swap3A_142 = arith.index_cast %swap3A_141 : i32 to index
    %swap3A_143 = arith.constant 0 : index
    %swap3A_144 = tpu.vector_load %arg8[%swap3A_142, %swap3A_143] {strides = array<i32>} : memref<125x16xf32, #tpu.memory_space<vmem>>, vector<1x16xf32>,
    %swap3A_145 = vector.shape_cast %swap3A_144 : vector<1x16xf32> to vector<16xf32>
    %swap3A_146 = vector.shape_cast %broadcast_in_dim3A_3 : vector<16xf32> to vector<1x16xf32>
    tpu.vector_store %arg8[%swap3A_142, %swap3A_143], %swap3A_146 {strides = array<i32>} : memref<125x16xf32, #tpu.memory_space<vmem>>, vector<1x16xf32>,
    %swap3A_147 = arith.constant 8 : i32
    %swap3A_148 = arith.index_cast %swap3A_147 : i32 to index
    %swap3A_149 = arith.constant 0 : index
    %swap3A_150 = tpu.vector_load %arg8[%swap3A_148, %swap3A_149] {strides = array<i32>} : memref<125x16xf32, #tpu.memory_space<vmem>>, vector<1x16xf32>,
    %swap3A_151 = vector.shape_cast %swap3A_150 : vector<1x16xf32> to vector<16xf32>
    %swap3A_152 = vector.shape_cast %broadcast_in_dim3A_3 : vector<16xf32> to vector<1x16xf32>
    tpu.vector_store %arg8[%swap3A_148, %swap3A_149], %swap3A_152 {strides = array<i32>} : memref<125x16xf32, #tpu.memory_space<vmem>>, vector<1x16xf32>,
    %swap3A_153 = arith.constant 9 : i32
    %swap3A_154 = arith.index_cast %swap3A_153 : i32 to index
    %swap3A_155 = arith.constant 0 : index
    %swap3A_156 = tpu.vector_load %arg8[%swap3A_154, %swap3A_155] {strides = array<i32>} : memref<125x16xf32, #tpu.memory_space<vmem>>, vector<1x16xf32>,
    %swap3A_157 = vector.shape_cast %swap3A_156 : vector<1x16xf32> to vector<16xf32>
    %swap3A_158 = vector.shape_cast %broadcast_in_dim3A_3 : vector<16xf32> to vector<1x16xf32>
    tpu.vector_store %arg8[%swap3A_154, %swap3A_155], %swap3A_158 {strides = array<i32>} : memref<125x16xf32, #tpu.memory_space<vmem>>, vector<1x16xf32>,
    %swap3A_159 = arith.constant 10 : i32
    %swap3A_160 = arith.index_cast %swap3A_159 : i32 to index
    %swap3A_161 = arith.constant 0 : index
    %swap3A_162 = tpu.vector_load %arg8[%swap3A_160, %swap3A_161] {strides = array<i32>} : memref<125x16xf32, #tpu.memory_space<vmem>>, vector<1x16xf32>,
    %swap3A_163 = vector.shape_cast %swap3A_162 : vector<1x16xf32> to vector<16xf32>
    %swap3A_164 = vector.shape_cast %broadcast_in_dim3A_3 : vector<16xf32> to vector<1x16xf32>
    tpu.vector_store %arg8[%swap3A_160, %swap3A_161], %swap3A_164 {strides = array<i32>} : memref<125x16xf32, #tpu.memory_space<vmem>>, vector<1x16xf32>,
    %swap3A_165 = arith.constant 11 : i32
    %swap3A_166 = arith.index_cast %swap3A_165 : i32 to index
    %swap3A_167 = arith.constant 0 : index
    %swap3A_168 = tpu.vector_load %arg8[%swap3A_166, %swap3A_167] {strides = array<i32>} : memref<125x16xf32, #tpu.memory_space<vmem>>, vector<1x16xf32>,
    %swap3A_169 = vector.shape_cast %swap3A_168 : vector<1x16xf32> to vector<16xf32>
    %swap3A_170 = vector.shape_cast %broadcast_in_dim3A_3 : vector<16xf32> to vector<1x16xf32>
    tpu.vector_store %arg8[%swap3A_166, %swap3A_167], %swap3A_170 {strides = array<i32>} : memref<125x16xf32, #tpu.memory_space<vmem>>, vector<1x16xf32>,
    %swap3A_171 = arith.constant 12 : i32
    %swap3A_172 = arith.index_cast %swap3A_171 : i32 to index
    %swap3A_173 = arith.constant 0 : index
    %swap3A_174 = tpu.vector_load %arg8[%swap3A_172, %swap3A_173] {strides = array<i32>} : memref<125x16xf32, #tpu.memory_space<vmem>>, vector<1x16xf32>,
    %swap3A_175 = vector.shape_cast %swap3A_174 : vector<1x16xf32> to vector<16xf32>
    %swap3A_176 = vector.shape_cast %broadcast_in_dim3A_3 : vector<16xf32> to vector<1x16xf32>
    tpu.vector_store %arg8[%swap3A_172, %swap3A_173], %swap3A_176 {strides = array<i32>} : memref<125x16xf32, #tpu.memory_space<vmem>>, vector<1x16xf32>,
    %swap3A_177 = arith.constant 13 : i32
    %swap3A_178 = arith.index_cast %swap3A_177 : i32 to index
    %swap3A_179 = arith.constant 0 : index
    %swap3A_180 = tpu.vector_load %arg8[%swap3A_178, %swap3A_179] {strides = array<i32>} : memref<125x16xf32, #tpu.memory_space<vmem>>, vector<1x16xf32>,
    %swap3A_181 = vector.shape_cast %swap3A_180 : vector<1x16xf32> to vector<16xf32>
    %swap3A_182 = vector.shape_cast %broadcast_in_dim3A_3 : vector<16xf32> to vector<1x16xf32>
    tpu.vector_store %arg8[%swap3A_178, %swap3A_179], %swap3A_182 {strides = array<i32>} : memref<125x16xf32, #tpu.memory_space<vmem>>, vector<1x16xf32>,
    %swap3A_183 = arith.constant 14 : i32
    %swap3A_184 = arith.index_cast %swap3A_183 : i32 to index
    %swap3A_185 = arith.constant 0 : index
    %swap3A_186 = tpu.vector_load %arg8[%swap3A_184, %swap3A_185] {strides = array<i32>} : memref<125x16xf32, #tpu.memory_space<vmem>>, vector<1x16xf32>,
    %swap3A_187 = vector.shape_cast %swap3A_186 : vector<1x16xf32> to vector<16xf32>
    %swap3A_188 = vector.shape_cast %broadcast_in_dim3A_3 : vector<16xf32> to vector<1x16xf32>
    tpu.vector_store %arg8[%swap3A_184, %swap3A_185], %swap3A_188 {strides = array<i32>} : memref<125x16xf32, #tpu.memory_space<vmem>>, vector<1x16xf32>,
    %swap3A_189 = arith.constant 15 : i32
    %swap3A_190 = arith.index_cast %swap3A_189 : i32 to index
    %swap3A_191 = arith.constant 0 : index
    %swap3A_192 = tpu.vector_load %arg8[%swap3A_190, %swap3A_191] {strides = array<i32>} : memref<125x16xf32, #tpu.memory_space<vmem>>, vector<1x16xf32>,
    %swap3A_193 = vector.shape_cast %swap3A_192 : vector<1x16xf32> to vector<16xf32>
    %swap3A_194 = vector.shape_cast %broadcast_in_dim3A_3 : vector<16xf32> to vector<1x16xf32>
    tpu.vector_store %arg8[%swap3A_190, %swap3A_191], %swap3A_194 {strides = array<i32>} : memref<125x16xf32, #tpu.memory_space<vmem>>, vector<1x16xf32>,
    %swap3A_195 = arith.constant 16 : i32
    %swap3A_196 = arith.index_cast %swap3A_195 : i32 to index
    %swap3A_197 = arith.constant 0 : index
    %swap3A_198 = tpu.vector_load %arg8[%swap3A_196, %swap3A_197] {strides = array<i32>} : memref<125x16xf32, #tpu.memory_space<vmem>>, vector<1x16xf32>,
    %swap3A_199 = vector.shape_cast %swap3A_198 : vector<1x16xf32> to vector<16xf32>
    %swap3A_200 = vector.shape_cast %broadcast_in_dim3A_3 : vector<16xf32> to vector<1x16xf32>
    tpu.vector_store %arg8[%swap3A_196, %swap3A_197], %swap3A_200 {strides = array<i32>} : memref<125x16xf32, #tpu.memory_space<vmem>>, vector<1x16xf32>,
    %swap3A_201 = arith.constant 17 : i32
    %swap3A_202 = arith.index_cast %swap3A_201 : i32 to index
    %swap3A_203 = arith.constant 0 : index
    %swap3A_204 = tpu.vector_load %arg8[%swap3A_202, %swap3A_203] {strides = array<i32>} : memref<125x16xf32, #tpu.memory_space<vmem>>, vector<1x16xf32>,
    %swap3A_205 = vector.shape_cast %swap3A_204 : vector<1x16xf32> to vector<16xf32>
    %swap3A_206 = vector.shape_cast %broadcast_in_dim3A_3 : vector<16xf32> to vector<1x16xf32>
    tpu.vector_store %arg8[%swap3A_202, %swap3A_203], %swap3A_206 {strides = array<i32>} : memref<125x16xf32, #tpu.memory_space<vmem>>, vector<1x16xf32>,
    %swap3A_207 = arith.constant 18 : i32
    %swap3A_208 = arith.index_cast %swap3A_207 : i32 to index
    %swap3A_209 = arith.constant 0 : index
    %swap3A_210 = tpu.vector_load %arg8[%swap3A_208, %swap3A_209] {strides = array<i32>} : memref<125x16xf32, #tpu.memory_space<vmem>>, vector<1x16xf32>,
    %swap3A_211 = vector.shape_cast %swap3A_210 : vector<1x16xf32> to vector<16xf32>
    %swap3A_212 = vector.shape_cast %broadcast_in_dim3A_3 : vector<16xf32> to vector<1x16xf32>
    tpu.vector_store %arg8[%swap3A_208, %swap3A_209], %swap3A_212 {strides = array<i32>} : memref<125x16xf32, #tpu.memory_space<vmem>>, vector<1x16xf32>,
    %swap3A_213 = arith.constant 19 : i32
    %swap3A_214 = arith.index_cast %swap3A_213 : i32 to index
    %swap3A_215 = arith.constant 0 : index
    %swap3A_216 = tpu.vector_load %arg8[%swap3A_214, %swap3A_215] {strides = array<i32>} : memref<125x16xf32, #tpu.memory_space<vmem>>, vector<1x16xf32>,
    %swap3A_217 = vector.shape_cast %swap3A_216 : vector<1x16xf32> to vector<16xf32>
    %swap3A_218 = vector.shape_cast %broadcast_in_dim3A_3 : vector<16xf32> to vector<1x16xf32>
    tpu.vector_store %arg8[%swap3A_214, %swap3A_215], %swap3A_218 {strides = array<i32>} : memref<125x16xf32, #tpu.memory_space<vmem>>, vector<1x16xf32>,
    %swap3A_219 = arith.constant 20 : i32
    %swap3A_220 = arith.index_cast %swap3A_219 : i32 to index
    %swap3A_221 = arith.constant 0 : index
    %swap3A_222 = tpu.vector_load %arg8[%swap3A_220, %swap3A_221] {strides = array<i32>} : memref<125x16xf32, #tpu.memory_space<vmem>>, vector<1x16xf32>,
    %swap3A_223 = vector.shape_cast %swap3A_222 : vector<1x16xf32> to vector<16xf32>
    %swap3A_224 = vector.shape_cast %broadcast_in_dim3A_3 : vector<16xf32> to vector<1x16xf32>
    tpu.vector_store %arg8[%swap3A_220, %swap3A_221], %swap3A_224 {strides = array<i32>} : memref<125x16xf32, #tpu.memory_space<vmem>>, vector<1x16xf32>,
    %swap3A_225 = arith.constant 21 : i32
    %swap3A_226 = arith.index_cast %swap3A_225 : i32 to index
    %swap3A_227 = arith.constant 0 : index
    %swap3A_228 = tpu.vector_load %arg8[%swap3A_226, %swap3A_227] {strides = array<i32>} : memref<125x16xf32, #tpu.memory_space<vmem>>, vector<1x16xf32>,
    %swap3A_229 = vector.shape_cast %swap3A_228 : vector<1x16xf32> to vector<16xf32>
    %swap3A_230 = vector.shape_cast %broadcast_in_dim3A_3 : vector<16xf32> to vector<1x16xf32>
    tpu.vector_store %arg8[%swap3A_226, %swap3A_227], %swap3A_230 {strides = array<i32>} : memref<125x16xf32, #tpu.memory_space<vmem>>, vector<1x16xf32>,
    %swap3A_231 = arith.constant 22 : i32
    %swap3A_232 = arith.index_cast %swap3A_231 : i32 to index
    %swap3A_233 = arith.constant 0 : index
    %swap3A_234 = tpu.vector_load %arg8[%swap3A_232, %swap3A_233] {strides = array<i32>} : memref<125x16xf32, #tpu.memory_space<vmem>>, vector<1x16xf32>,
    %swap3A_235 = vector.shape_cast %swap3A_234 : vector<1x16xf32> to vector<16xf32>
    %swap3A_236 = vector.shape_cast %broadcast_in_dim3A_3 : vector<16xf32> to vector<1x16xf32>
    tpu.vector_store %arg8[%swap3A_232, %swap3A_233], %swap3A_236 {strides = array<i32>} : memref<125x16xf32, #tpu.memory_space<vmem>>, vector<1x16xf32>,
    %swap3A_237 = arith.constant 23 : i32
    %swap3A_238 = arith.index_cast %swap3A_237 : i32 to index
    %swap3A_239 = arith.constant 0 : index
    %swap3A_240 = tpu.vector_load %arg8[%swap3A_238, %swap3A_239] {strides = array<i32>} : memref<125x16xf32, #tpu.memory_space<vmem>>, vector<1x16xf32>,
    %swap3A_241 = vector.shape_cast %swap3A_240 : vector<1x16xf32> to vector<16xf32>
    %swap3A_242 = vector.shape_cast %broadcast_in_dim3A_3 : vector<16xf32> to vector<1x16xf32>
    tpu.vector_store %arg8[%swap3A_238, %swap3A_239], %swap3A_242 {strides = array<i32>} : memref<125x16xf32, #tpu.memory_space<vmem>>, vector<1x16xf32>,
    %swap3A_243 = arith.constant 24 : i32
    %swap3A_244 = arith.index_cast %swap3A_243 : i32 to index
    %swap3A_245 = arith.constant 0 : index
    %swap3A_246 = tpu.vector_load %arg8[%swap3A_244, %swap3A_245] {strides = array<i32>} : memref<125x16xf32, #tpu.memory_space<vmem>>, vector<1x16xf32>,
    %swap3A_247 = vector.shape_cast %swap3A_246 : vector<1x16xf32> to vector<16xf32>
    %swap3A_248 = vector.shape_cast %broadcast_in_dim3A_3 : vector<16xf32> to vector<1x16xf32>
    tpu.vector_store %arg8[%swap3A_244, %swap3A_245], %swap3A_248 {strides = array<i32>} : memref<125x16xf32, #tpu.memory_space<vmem>>, vector<1x16xf32>,
    %swap3A_249 = arith.constant 25 : i32
    %swap3A_250 = arith.index_cast %swap3A_249 : i32 to index
    %swap3A_251 = arith.constant 0 : index
    %swap3A_252 = tpu.vector_load %arg8[%swap3A_250, %swap3A_251] {strides = array<i32>} : memref<125x16xf32, #tpu.memory_space<vmem>>, vector<1x16xf32>,
    %swap3A_253 = vector.shape_cast %swap3A_252 : vector<1x16xf32> to vector<16xf32>
    %swap3A_254 = vector.shape_cast %broadcast_in_dim3A_3 : vector<16xf32> to vector<1x16xf32>
    tpu.vector_store %arg8[%swap3A_250, %swap3A_251], %swap3A_254 {strides = array<i32>} : memref<125x16xf32, #tpu.memory_space<vmem>>, vector<1x16xf32>,
    %swap3A_255 = arith.constant 26 : i32
    %swap3A_256 = arith.index_cast %swap3A_255 : i32 to index
    %swap3A_257 = arith.constant 0 : index
    %swap3A_258 = tpu.vector_load %arg8[%swap3A_256, %swap3A_257] {strides = array<i32>} : memref<125x16xf32, #tpu.memory_space<vmem>>, vector<1x16xf32>,
    %swap3A_259 = vector.shape_cast %swap3A_258 : vector<1x16xf32> to vector<16xf32>
    %swap3A_260 = vector.shape_cast %broadcast_in_dim3A_3 : vector<16xf32> to vector<1x16xf32>
    tpu.vector_store %arg8[%swap3A_256, %swap3A_257], %swap3A_260 {strides = array<i32>} : memref<125x16xf32, #tpu.memory_space<vmem>>, vector<1x16xf32>,
    %swap3A_261 = arith.constant 27 : i32
    %swap3A_262 = arith.index_cast %swap3A_261 : i32 to index
    %swap3A_263 = arith.constant 0 : index
    %swap3A_264 = tpu.vector_load %arg8[%swap3A_262, %swap3A_263] {strides = array<i32>} : memref<125x16xf32, #tpu.memory_space<vmem>>, vector<1x16xf32>,
    %swap3A_265 = vector.shape_cast %swap3A_264 : vector<1x16xf32> to vector<16xf32>
    %swap3A_266 = vector.shape_cast %broadcast_in_dim3A_3 : vector<16xf32> to vector<1x16xf32>
    tpu.vector_store %arg8[%swap3A_262, %swap3A_263], %swap3A_266 {strides = array<i32>} : memref<125x16xf32, #tpu.memory_space<vmem>>, vector<1x16xf32>,
    %swap3A_267 = arith.constant 28 : i32
    %swap3A_268 = arith.index_cast %swap3A_267 : i32 to index
    %swap3A_269 = arith.constant 0 : index
    %swap3A_270 = tpu.vector_load %arg8[%swap3A_268, %swap3A_269] {strides = array<i32>} : memref<125x16xf32, #tpu.memory_space<vmem>>, vector<1x16xf32>,
    %swap3A_271 = vector.shape_cast %swap3A_270 : vector<1x16xf32> to vector<16xf32>
    %swap3A_272 = vector.shape_cast %broadcast_in_dim3A_3 : vector<16xf32> to vector<1x16xf32>
    tpu.vector_store %arg8[%swap3A_268, %swap3A_269], %swap3A_272 {strides = array<i32>} : memref<125x16xf32, #tpu.memory_space<vmem>>, vector<1x16xf32>,
    %swap3A_273 = arith.constant 29 : i32
    %swap3A_274 = arith.index_cast %swap3A_273 : i32 to index
    %swap3A_275 = arith.constant 0 : index
    %swap3A_276 = tpu.vector_load %arg8[%swap3A_274, %swap3A_275] {strides = array<i32>} : memref<125x16xf32, #tpu.memory_space<vmem>>, vector<1x16xf32>,
    %swap3A_277 = vector.shape_cast %swap3A_276 : vector<1x16xf32> to vector<16xf32>
    %swap3A_278 = vector.shape_cast %broadcast_in_dim3A_3 : vector<16xf32> to vector<1x16xf32>
    tpu.vector_store %arg8[%swap3A_274, %swap3A_275], %swap3A_278 {strides = array<i32>} : memref<125x16xf32, #tpu.memory_space<vmem>>, vector<1x16xf32>,
    %swap3A_279 = arith.constant 30 : i32
    %swap3A_280 = arith.index_cast %swap3A_279 : i32 to index
    %swap3A_281 = arith.constant 0 : index
    %swap3A_282 = tpu.vector_load %arg8[%swap3A_280, %swap3A_281] {strides = array<i32>} : memref<125x16xf32, #tpu.memory_space<vmem>>, vector<1x16xf32>,
    %swap3A_283 = vector.shape_cast %swap3A_282 : vector<1x16xf32> to vector<16xf32>
    %swap3A_284 = vector.shape_cast %broadcast_in_dim3A_3 : vector<16xf32> to vector<1x16xf32>
    tpu.vector_store %arg8[%swap3A_280, %swap3A_281], %swap3A_284 {strides = array<i32>} : memref<125x16xf32, #tpu.memory_space<vmem>>, vector<1x16xf32>,
    %swap3A_285 = arith.constant 31 : i32
    %swap3A_286 = arith.index_cast %swap3A_285 : i32 to index
    %swap3A_287 = arith.constant 0 : index
    %swap3A_288 = tpu.vector_load %arg8[%swap3A_286, %swap3A_287] {strides = array<i32>} : memref<125x16xf32, #tpu.memory_space<vmem>>, vector<1x16xf32>,
    %swap3A_289 = vector.shape_cast %swap3A_288 : vector<1x16xf32> to vector<16xf32>
    %swap3A_290 = vector.shape_cast %broadcast_in_dim3A_3 : vector<16xf32> to vector<1x16xf32>
    tpu.vector_store %arg8[%swap3A_286, %swap3A_287], %swap3A_290 {strides = array<i32>} : memref<125x16xf32, #tpu.memory_space<vmem>>, vector<1x16xf32>,
    %swap3A_291 = arith.constant 32 : i32
    %swap3A_292 = arith.index_cast %swap3A_291 : i32 to index
    %swap3A_293 = arith.constant 0 : index
    %swap3A_294 = tpu.vector_load %arg8[%swap3A_292, %swap3A_293] {strides = array<i32>} : memref<125x16xf32, #tpu.memory_space<vmem>>, vector<1x16xf32>,
    %swap3A_295 = vector.shape_cast %swap3A_294 : vector<1x16xf32> to vector<16xf32>
    %swap3A_296 = vector.shape_cast %broadcast_in_dim3A_3 : vector<16xf32> to vector<1x16xf32>
    tpu.vector_store %arg8[%swap3A_292, %swap3A_293], %swap3A_296 {strides = array<i32>} : memref<125x16xf32, #tpu.memory_space<vmem>>, vector<1x16xf32>,
    %swap3A_297 = arith.constant 33 : i32
    %swap3A_298 = arith.index_cast %swap3A_297 : i32 to index
    %swap3A_299 = arith.constant 0 : index
    %swap3A_300 = tpu.vector_load %arg8[%swap3A_298, %swap3A_299] {strides = array<i32>} : memref<125x16xf32, #tpu.memory_space<vmem>>, vector<1x16xf32>,
    %swap3A_301 = vector.shape_cast %swap3A_300 : vector<1x16xf32> to vector<16xf32>
    %swap3A_302 = vector.shape_cast %broadcast_in_dim3A_3 : vector<16xf32> to vector<1x16xf32>
    tpu.vector_store %arg8[%swap3A_298, %swap3A_299], %swap3A_302 {strides = array<i32>} : memref<125x16xf32, #tpu.memory_space<vmem>>, vector<1x16xf32>,
    %swap3A_303 = arith.constant 34 : i32
    %swap3A_304 = arith.index_cast %swap3A_303 : i32 to index
    %swap3A_305 = arith.constant 0 : index
    %swap3A_306 = tpu.vector_load %arg8[%swap3A_304, %swap3A_305] {strides = array<i32>} : memref<125x16xf32, #tpu.memory_space<vmem>>, vector<1x16xf32>,
    %swap3A_307 = vector.shape_cast %swap3A_306 : vector<1x16xf32> to vector<16xf32>
    %swap3A_308 = vector.shape_cast %broadcast_in_dim3A_3 : vector<16xf32> to vector<1x16xf32>
    tpu.vector_store %arg8[%swap3A_304, %swap3A_305], %swap3A_308 {strides = array<i32>} : memref<125x16xf32, #tpu.memory_space<vmem>>, vector<1x16xf32>,
    %swap3A_309 = arith.constant 35 : i32
    %swap3A_310 = arith.index_cast %swap3A_309 : i32 to index
    %swap3A_311 = arith.constant 0 : index
    %swap3A_312 = tpu.vector_load %arg8[%swap3A_310, %swap3A_311] {strides = array<i32>} : memref<125x16xf32, #tpu.memory_space<vmem>>, vector<1x16xf32>,
    %swap3A_313 = vector.shape_cast %swap3A_312 : vector<1x16xf32> to vector<16xf32>
    %swap3A_314 = vector.shape_cast %broadcast_in_dim3A_3 : vector<16xf32> to vector<1x16xf32>
    tpu.vector_store %arg8[%swap3A_310, %swap3A_311], %swap3A_314 {strides = array<i32>} : memref<125x16xf32, #tpu.memory_space<vmem>>, vector<1x16xf32>,
    %swap3A_315 = arith.constant 36 : i32
    %swap3A_316 = arith.index_cast %swap3A_315 : i32 to index
    %swap3A_317 = arith.constant 0 : index
    %swap3A_318 = tpu.vector_load %arg8[%swap3A_316, %swap3A_317] {strides = array<i32>} : memref<125x16xf32, #tpu.memory_space<vmem>>, vector<1x16xf32>,
    %swap3A_319 = vector.shape_cast %swap3A_318 : vector<1x16xf32> to vector<16xf32>
    %swap3A_320 = vector.shape_cast %broadcast_in_dim3A_3 : vector<16xf32> to vector<1x16xf32>
    tpu.vector_store %arg8[%swap3A_316, %swap3A_317], %swap3A_320 {strides = array<i32>} : memref<125x16xf32, #tpu.memory_space<vmem>>, vector<1x16xf32>,
    %swap3A_321 = arith.constant 37 : i32
    %swap3A_322 = arith.index_cast %swap3A_321 : i32 to index
    %swap3A_323 = arith.constant 0 : index
    %swap3A_324 = tpu.vector_load %arg8[%swap3A_322, %swap3A_323] {strides = array<i32>} : memref<125x16xf32, #tpu.memory_space<vmem>>, vector<1x16xf32>,
    %swap3A_325 = vector.shape_cast %swap3A_324 : vector<1x16xf32> to vector<16xf32>
    %swap3A_326 = vector.shape_cast %broadcast_in_dim3A_3 : vector<16xf32> to vector<1x16xf32>
    tpu.vector_store %arg8[%swap3A_322, %swap3A_323], %swap3A_326 {strides = array<i32>} : memref<125x16xf32, #tpu.memory_space<vmem>>, vector<1x16xf32>,
    %swap3A_327 = arith.constant 38 : i32
    %swap3A_328 = arith.index_cast %swap3A_327 : i32 to index
    %swap3A_329 = arith.constant 0 : index
    %swap3A_330 = tpu.vector_load %arg8[%swap3A_328, %swap3A_329] {strides = array<i32>} : memref<125x16xf32, #tpu.memory_space<vmem>>, vector<1x16xf32>,
    %swap3A_331 = vector.shape_cast %swap3A_330 : vector<1x16xf32> to vector<16xf32>
    %swap3A_332 = vector.shape_cast %broadcast_in_dim3A_3 : vector<16xf32> to vector<1x16xf32>
    tpu.vector_store %arg8[%swap3A_328, %swap3A_329], %swap3A_332 {strides = array<i32>} : memref<125x16xf32, #tpu.memory_space<vmem>>, vector<1x16xf32>,
    %swap3A_333 = arith.constant 39 : i32
    %swap3A_334 = arith.index_cast %swap3A_333 : i32 to index
    %swap3A_335 = arith.constant 0 : index
    %swap3A_336 = tpu.vector_load %arg8[%swap3A_334, %swap3A_335] {strides = array<i32>} : memref<125x16xf32, #tpu.memory_space<vmem>>, vector<1x16xf32>,
    %swap3A_337 = vector.shape_cast %swap3A_336 : vector<1x16xf32> to vector<16xf32>
    %swap3A_338 = vector.shape_cast %broadcast_in_dim3A_3 : vector<16xf32> to vector<1x16xf32>
    tpu.vector_store %arg8[%swap3A_334, %swap3A_335], %swap3A_338 {strides = array<i32>} : memref<125x16xf32, #tpu.memory_space<vmem>>, vector<1x16xf32>,
    %swap3A_339 = arith.constant 40 : i32
    %swap3A_340 = arith.index_cast %swap3A_339 : i32 to index
    %swap3A_341 = arith.constant 0 : index
    %swap3A_342 = tpu.vector_load %arg8[%swap3A_340, %swap3A_341] {strides = array<i32>} : memref<125x16xf32, #tpu.memory_space<vmem>>, vector<1x16xf32>,
    %swap3A_343 = vector.shape_cast %swap3A_342 : vector<1x16xf32> to vector<16xf32>
    %swap3A_344 = vector.shape_cast %broadcast_in_dim3A_3 : vector<16xf32> to vector<1x16xf32>
    tpu.vector_store %arg8[%swap3A_340, %swap3A_341], %swap3A_344 {strides = array<i32>} : memref<125x16xf32, #tpu.memory_space<vmem>>, vector<1x16xf32>,
    %swap3A_345 = arith.constant 41 : i32
    %swap3A_346 = arith.index_cast %swap3A_345 : i32 to index
    %swap3A_347 = arith.constant 0 : index
    %swap3A_348 = tpu.vector_load %arg8[%swap3A_346, %swap3A_347] {strides = array<i32>} : memref<125x16xf32, #tpu.memory_space<vmem>>, vector<1x16xf32>,
    %swap3A_349 = vector.shape_cast %swap3A_348 : vector<1x16xf32> to vector<16xf32>
    %swap3A_350 = vector.shape_cast %broadcast_in_dim3A_3 : vector<16xf32> to vector<1x16xf32>
    tpu.vector_store %arg8[%swap3A_346, %swap3A_347], %swap3A_350 {strides = array<i32>} : memref<125x16xf32, #tpu.memory_space<vmem>>, vector<1x16xf32>,
    %swap3A_351 = arith.constant 42 : i32
    %swap3A_352 = arith.index_cast %swap3A_351 : i32 to index
    %swap3A_353 = arith.constant 0 : index
    %swap3A_354 = tpu.vector_load %arg8[%swap3A_352, %swap3A_353] {strides = array<i32>} : memref<125x16xf32, #tpu.memory_space<vmem>>, vector<1x16xf32>,
    %swap3A_355 = vector.shape_cast %swap3A_354 : vector<1x16xf32> to vector<16xf32>
    %swap3A_356 = vector.shape_cast %broadcast_in_dim3A_3 : vector<16xf32> to vector<1x16xf32>
    tpu.vector_store %arg8[%swap3A_352, %swap3A_353], %swap3A_356 {strides = array<i32>} : memref<125x16xf32, #tpu.memory_space<vmem>>, vector<1x16xf32>,
    %swap3A_357 = arith.constant 43 : i32
    %swap3A_358 = arith.index_cast %swap3A_357 : i32 to index
    %swap3A_359 = arith.constant 0 : index
    %swap3A_360 = tpu.vector_load %arg8[%swap3A_358, %swap3A_359] {strides = array<i32>} : memref<125x16xf32, #tpu.memory_space<vmem>>, vector<1x16xf32>,
    %swap3A_361 = vector.shape_cast %swap3A_360 : vector<1x16xf32> to vector<16xf32>
    %swap3A_362 = vector.shape_cast %broadcast_in_dim3A_3 : vector<16xf32> to vector<1x16xf32>
    tpu.vector_store %arg8[%swap3A_358, %swap3A_359], %swap3A_362 {strides = array<i32>} : memref<125x16xf32, #tpu.memory_space<vmem>>, vector<1x16xf32>,
    %swap3A_363 = arith.constant 44 : i32
    %swap3A_364 = arith.index_cast %swap3A_363 : i32 to index
    %swap3A_365 = arith.constant 0 : index
    %swap3A_366 = tpu.vector_load %arg8[%swap3A_364, %swap3A_365] {strides = array<i32>} : memref<125x16xf32, #tpu.memory_space<vmem>>, vector<1x16xf32>,
    %swap3A_367 = vector.shape_cast %swap3A_366 : vector<1x16xf32> to vector<16xf32>
    %swap3A_368 = vector.shape_cast %broadcast_in_dim3A_3 : vector<16xf32> to vector<1x16xf32>
    tpu.vector_store %arg8[%swap3A_364, %swap3A_365], %swap3A_368 {strides = array<i32>} : memref<125x16xf32, #tpu.memory_space<vmem>>, vector<1x16xf32>,
    %swap3A_369 = arith.constant 45 : i32
    %swap3A_370 = arith.index_cast %swap3A_369 : i32 to index
    %swap3A_371 = arith.constant 0 : index
    %swap3A_372 = tpu.vector_load %arg8[%swap3A_370, %swap3A_371] {strides = array<i32>} : memref<125x16xf32, #tpu.memory_space<vmem>>, vector<1x16xf32>,
    %swap3A_373 = vector.shape_cast %swap3A_372 : vector<1x16xf32> to vector<16xf32>
    %swap3A_374 = vector.shape_cast %broadcast_in_dim3A_3 : vector<16xf32> to vector<1x16xf32>
    tpu.vector_store %arg8[%swap3A_370, %swap3A_371], %swap3A_374 {strides = array<i32>} : memref<125x16xf32, #tpu.memory_space<vmem>>, vector<1x16xf32>,
    %swap3A_375 = arith.constant 46 : i32
    %swap3A_376 = arith.index_cast %swap3A_375 : i32 to index
    %swap3A_377 = arith.constant 0 : index
    %swap3A_378 = tpu.vector_load %arg8[%swap3A_376, %swap3A_377] {strides = array<i32>} : memref<125x16xf32, #tpu.memory_space<vmem>>, vector<1x16xf32>,
    %swap3A_379 = vector.shape_cast %swap3A_378 : vector<1x16xf32> to vector<16xf32>
    %swap3A_380 = vector.shape_cast %broadcast_in_dim3A_3 : vector<16xf32> to vector<1x16xf32>
    tpu.vector_store %arg8[%swap3A_376, %swap3A_377], %swap3A_380 {strides = array<i32>} : memref<125x16xf32, #tpu.memory_space<vmem>>, vector<1x16xf32>,
    %swap3A_381 = arith.constant 47 : i32
    %swap3A_382 = arith.index_cast %swap3A_381 : i32 to index
    %swap3A_383 = arith.constant 0 : index
    %swap3A_384 = tpu.vector_load %arg8[%swap3A_382, %swap3A_383] {strides = array<i32>} : memref<125x16xf32, #tpu.memory_space<vmem>>, vector<1x16xf32>,
    %swap3A_385 = vector.shape_cast %swap3A_384 : vector<1x16xf32> to vector<16xf32>
    %swap3A_386 = vector.shape_cast %broadcast_in_dim3A_3 : vector<16xf32> to vector<1x16xf32>
    tpu.vector_store %arg8[%swap3A_382, %swap3A_383], %swap3A_386 {strides = array<i32>} : memref<125x16xf32, #tpu.memory_space<vmem>>, vector<1x16xf32>,
    %swap3A_387 = arith.constant 48 : i32
    %swap3A_388 = arith.index_cast %swap3A_387 : i32 to index
    %swap3A_389 = arith.constant 0 : index
    %swap3A_390 = tpu.vector_load %arg8[%swap3A_388, %swap3A_389] {strides = array<i32>} : memref<125x16xf32, #tpu.memory_space<vmem>>, vector<1x16xf32>,
    %swap3A_391 = vector.shape_cast %swap3A_390 : vector<1x16xf32> to vector<16xf32>
    %swap3A_392 = vector.shape_cast %broadcast_in_dim3A_3 : vector<16xf32> to vector<1x16xf32>
    tpu.vector_store %arg8[%swap3A_388, %swap3A_389], %swap3A_392 {strides = array<i32>} : memref<125x16xf32, #tpu.memory_space<vmem>>, vector<1x16xf32>,
    %swap3A_393 = arith.constant 49 : i32
    %swap3A_394 = arith.index_cast %swap3A_393 : i32 to index
    %swap3A_395 = arith.constant 0 : index
    %swap3A_396 = tpu.vector_load %arg8[%swap3A_394, %swap3A_395] {strides = array<i32>} : memref<125x16xf32, #tpu.memory_space<vmem>>, vector<1x16xf32>,
    %swap3A_397 = vector.shape_cast %swap3A_396 : vector<1x16xf32> to vector<16xf32>
    %swap3A_398 = vector.shape_cast %broadcast_in_dim3A_3 : vector<16xf32> to vector<1x16xf32>
    tpu.vector_store %arg8[%swap3A_394, %swap3A_395], %swap3A_398 {strides = array<i32>} : memref<125x16xf32, #tpu.memory_space<vmem>>, vector<1x16xf32>,
    %swap3A_399 = arith.constant 50 : i32
    %swap3A_400 = arith.index_cast %swap3A_399 : i32 to index
    %swap3A_401 = arith.constant 0 : index
    %swap3A_402 = tpu.vector_load %arg8[%swap3A_400, %swap3A_401] {strides = array<i32>} : memref<125x16xf32, #tpu.memory_space<vmem>>, vector<1x16xf32>,
    %swap3A_403 = vector.shape_cast %swap3A_402 : vector<1x16xf32> to vector<16xf32>
    %swap3A_404 = vector.shape_cast %broadcast_in_dim3A_3 : vector<16xf32> to vector<1x16xf32>
    tpu.vector_store %arg8[%swap3A_400, %swap3A_401], %swap3A_404 {strides = array<i32>} : memref<125x16xf32, #tpu.memory_space<vmem>>, vector<1x16xf32>,
    %swap3A_405 = arith.constant 51 : i32
    %swap3A_406 = arith.index_cast %swap3A_405 : i32 to index
    %swap3A_407 = arith.constant 0 : index
    %swap3A_408 = tpu.vector_load %arg8[%swap3A_406, %swap3A_407] {strides = array<i32>} : memref<125x16xf32, #tpu.memory_space<vmem>>, vector<1x16xf32>,
    %swap3A_409 = vector.shape_cast %swap3A_408 : vector<1x16xf32> to vector<16xf32>
    %swap3A_410 = vector.shape_cast %broadcast_in_dim3A_3 : vector<16xf32> to vector<1x16xf32>
    tpu.vector_store %arg8[%swap3A_406, %swap3A_407], %swap3A_410 {strides = array<i32>} : memref<125x16xf32, #tpu.memory_space<vmem>>, vector<1x16xf32>,
    %swap3A_411 = arith.constant 52 : i32
    %swap3A_412 = arith.index_cast %swap3A_411 : i32 to index
    %swap3A_413 = arith.constant 0 : index
    %swap3A_414 = tpu.vector_load %arg8[%swap3A_412, %swap3A_413] {strides = array<i32>} : memref<125x16xf32, #tpu.memory_space<vmem>>, vector<1x16xf32>,
    %swap3A_415 = vector.shape_cast %swap3A_414 : vector<1x16xf32> to vector<16xf32>
    %swap3A_416 = vector.shape_cast %broadcast_in_dim3A_3 : vector<16xf32> to vector<1x16xf32>
    tpu.vector_store %arg8[%swap3A_412, %swap3A_413], %swap3A_416 {strides = array<i32>} : memref<125x16xf32, #tpu.memory_space<vmem>>, vector<1x16xf32>,
    %swap3A_417 = arith.constant 53 : i32
    %swap3A_418 = arith.index_cast %swap3A_417 : i32 to index
    %swap3A_419 = arith.constant 0 : index
    %swap3A_420 = tpu.vector_load %arg8[%swap3A_418, %swap3A_419] {strides = array<i32>} : memref<125x16xf32, #tpu.memory_space<vmem>>, vector<1x16xf32>,
    %swap3A_421 = vector.shape_cast %swap3A_420 : vector<1x16xf32> to vector<16xf32>
    %swap3A_422 = vector.shape_cast %broadcast_in_dim3A_3 : vector<16xf32> to vector<1x16xf32>
    tpu.vector_store %arg8[%swap3A_418, %swap3A_419], %swap3A_422 {strides = array<i32>} : memref<125x16xf32, #tpu.memory_space<vmem>>, vector<1x16xf32>,
    %swap3A_423 = arith.constant 54 : i32
    %swap3A_424 = arith.index_cast %swap3A_423 : i32 to index
    %swap3A_425 = arith.constant 0 : index
    %swap3A_426 = tpu.vector_load %arg8[%swap3A_424, %swap3A_425] {strides = array<i32>} : memref<125x16xf32, #tpu.memory_space<vmem>>, vector<1x16xf32>,
    %swap3A_427 = vector.shape_cast %swap3A_426 : vector<1x16xf32> to vector<16xf32>
    %swap3A_428 = vector.shape_cast %broadcast_in_dim3A_3 : vector<16xf32> to vector<1x16xf32>
    tpu.vector_store %arg8[%swap3A_424, %swap3A_425], %swap3A_428 {strides = array<i32>} : memref<125x16xf32, #tpu.memory_space<vmem>>, vector<1x16xf32>,
    %swap3A_429 = arith.constant 55 : i32
    %swap3A_430 = arith.index_cast %swap3A_429 : i32 to index
    %swap3A_431 = arith.constant 0 : index
    %swap3A_432 = tpu.vector_load %arg8[%swap3A_430, %swap3A_431] {strides = array<i32>} : memref<125x16xf32, #tpu.memory_space<vmem>>, vector<1x16xf32>,
    %swap3A_433 = vector.shape_cast %swap3A_432 : vector<1x16xf32> to vector<16xf32>
    %swap3A_434 = vector.shape_cast %broadcast_in_dim3A_3 : vector<16xf32> to vector<1x16xf32>
    tpu.vector_store %arg8[%swap3A_430, %swap3A_431], %swap3A_434 {strides = array<i32>} : memref<125x16xf32, #tpu.memory_space<vmem>>, vector<1x16xf32>,
    %swap3A_435 = arith.constant 56 : i32
    %swap3A_436 = arith.index_cast %swap3A_435 : i32 to index
    %swap3A_437 = arith.constant 0 : index
    %swap3A_438 = tpu.vector_load %arg8[%swap3A_436, %swap3A_437] {strides = array<i32>} : memref<125x16xf32, #tpu.memory_space<vmem>>, vector<1x16xf32>,
    %swap3A_439 = vector.shape_cast %swap3A_438 : vector<1x16xf32> to vector<16xf32>
    %swap3A_440 = vector.shape_cast %broadcast_in_dim3A_3 : vector<16xf32> to vector<1x16xf32>
    tpu.vector_store %arg8[%swap3A_436, %swap3A_437], %swap3A_440 {strides = array<i32>} : memref<125x16xf32, #tpu.memory_space<vmem>>, vector<1x16xf32>,
    %swap3A_441 = arith.constant 57 : i32
    %swap3A_442 = arith.index_cast %swap3A_441 : i32 to index
    %swap3A_443 = arith.constant 0 : index
    %swap3A_444 = tpu.vector_load %arg8[%swap3A_442, %swap3A_443] {strides = array<i32>} : memref<125x16xf32, #tpu.memory_space<vmem>>, vector<1x16xf32>,
    %swap3A_445 = vector.shape_cast %swap3A_444 : vector<1x16xf32> to vector<16xf32>
    %swap3A_446 = vector.shape_cast %broadcast_in_dim3A_3 : vector<16xf32> to vector<1x16xf32>
    tpu.vector_store %arg8[%swap3A_442, %swap3A_443], %swap3A_446 {strides = array<i32>} : memref<125x16xf32, #tpu.memory_space<vmem>>, vector<1x16xf32>,
    %swap3A_447 = arith.constant 58 : i32
    %swap3A_448 = arith.index_cast %swap3A_447 : i32 to index
    %swap3A_449 = arith.constant 0 : index
    %swap3A_450 = tpu.vector_load %arg8[%swap3A_448, %swap3A_449] {strides = array<i32>} : memref<125x16xf32, #tpu.memory_space<vmem>>, vector<1x16xf32>,
    %swap3A_451 = vector.shape_cast %swap3A_450 : vector<1x16xf32> to vector<16xf32>
    %swap3A_452 = vector.shape_cast %broadcast_in_dim3A_3 : vector<16xf32> to vector<1x16xf32>
    tpu.vector_store %arg8[%swap3A_448, %swap3A_449], %swap3A_452 {strides = array<i32>} : memref<125x16xf32, #tpu.memory_space<vmem>>, vector<1x16xf32>,
    %swap3A_453 = arith.constant 59 : i32
    %swap3A_454 = arith.index_cast %swap3A_453 : i32 to index
    %swap3A_455 = arith.constant 0 : index
    %swap3A_456 = tpu.vector_load %arg8[%swap3A_454, %swap3A_455] {strides = array<i32>} : memref<125x16xf32, #tpu.memory_space<vmem>>, vector<1x16xf32>,
    %swap3A_457 = vector.shape_cast %swap3A_456 : vector<1x16xf32> to vector<16xf32>
    %swap3A_458 = vector.shape_cast %broadcast_in_dim3A_3 : vector<16xf32> to vector<1x16xf32>
    tpu.vector_store %arg8[%swap3A_454, %swap3A_455], %swap3A_458 {strides = array<i32>} : memref<125x16xf32, #tpu.memory_space<vmem>>, vector<1x16xf32>,
    %swap3A_459 = arith.constant 60 : i32
    %swap3A_460 = arith.index_cast %swap3A_459 : i32 to index
    %swap3A_461 = arith.constant 0 : index
    %swap3A_462 = tpu.vector_load %arg8[%swap3A_460, %swap3A_461] {strides = array<i32>} : memref<125x16xf32, #tpu.memory_space<vmem>>, vector<1x16xf32>,
    %swap3A_463 = vector.shape_cast %swap3A_462 : vector<1x16xf32> to vector<16xf32>
    %swap3A_464 = vector.shape_cast %broadcast_in_dim3A_3 : vector<16xf32> to vector<1x16xf32>
    tpu.vector_store %arg8[%swap3A_460, %swap3A_461], %swap3A_464 {strides = array<i32>} : memref<125x16xf32, #tpu.memory_space<vmem>>, vector<1x16xf32>,
    %swap3A_465 = arith.constant 61 : i32
    %swap3A_466 = arith.index_cast %swap3A_465 : i32 to index
    %swap3A_467 = arith.constant 0 : index
    %swap3A_468 = tpu.vector_load %arg8[%swap3A_466, %swap3A_467] {strides = array<i32>} : memref<125x16xf32, #tpu.memory_space<vmem>>, vector<1x16xf32>,
    %swap3A_469 = vector.shape_cast %swap3A_468 : vector<1x16xf32> to vector<16xf32>
    %swap3A_470 = vector.shape_cast %broadcast_in_dim3A_3 : vector<16xf32> to vector<1x16xf32>
    tpu.vector_store %arg8[%swap3A_466, %swap3A_467], %swap3A_470 {strides = array<i32>} : memref<125x16xf32, #tpu.memory_space<vmem>>, vector<1x16xf32>,
    %swap3A_471 = arith.constant 62 : i32
    %swap3A_472 = arith.index_cast %swap3A_471 : i32 to index
    %swap3A_473 = arith.constant 0 : index
    %swap3A_474 = tpu.vector_load %arg8[%swap3A_472, %swap3A_473] {strides = array<i32>} : memref<125x16xf32, #tpu.memory_space<vmem>>, vector<1x16xf32>,
    %swap3A_475 = vector.shape_cast %swap3A_474 : vector<1x16xf32> to vector<16xf32>
    %swap3A_476 = vector.shape_cast %broadcast_in_dim3A_3 : vector<16xf32> to vector<1x16xf32>
    tpu.vector_store %arg8[%swap3A_472, %swap3A_473], %swap3A_476 {strides = array<i32>} : memref<125x16xf32, #tpu.memory_space<vmem>>, vector<1x16xf32>,
    %swap3A_477 = arith.constant 63 : i32
    %swap3A_478 = arith.index_cast %swap3A_477 : i32 to index
    %swap3A_479 = arith.constant 0 : index
    %swap3A_480 = tpu.vector_load %arg8[%swap3A_478, %swap3A_479] {strides = array<i32>} : memref<125x16xf32, #tpu.memory_space<vmem>>, vector<1x16xf32>,
    %swap3A_481 = vector.shape_cast %swap3A_480 : vector<1x16xf32> to vector<16xf32>
    %swap3A_482 = vector.shape_cast %broadcast_in_dim3A_3 : vector<16xf32> to vector<1x16xf32>
    tpu.vector_store %arg8[%swap3A_478, %swap3A_479], %swap3A_482 {strides = array<i32>} : memref<125x16xf32, #tpu.memory_space<vmem>>, vector<1x16xf32>,
    %swap3A_483 = arith.constant 64 : i32
    %swap3A_484 = arith.index_cast %swap3A_483 : i32 to index
    %swap3A_485 = arith.constant 0 : index
    %swap3A_486 = tpu.vector_load %arg8[%swap3A_484, %swap3A_485] {strides = array<i32>} : memref<125x16xf32, #tpu.memory_space<vmem>>, vector<1x16xf32>,
    %swap3A_487 = vector.shape_cast %swap3A_486 : vector<1x16xf32> to vector<16xf32>
    %swap3A_488 = vector.shape_cast %broadcast_in_dim3A_3 : vector<16xf32> to vector<1x16xf32>
    tpu.vector_store %arg8[%swap3A_484, %swap3A_485], %swap3A_488 {strides = array<i32>} : memref<125x16xf32, #tpu.memory_space<vmem>>, vector<1x16xf32>,
    %swap3A_489 = arith.constant 65 : i32
    %swap3A_490 = arith.index_cast %swap3A_489 : i32 to index
    %swap3A_491 = arith.constant 0 : index
    %swap3A_492 = tpu.vector_load %arg8[%swap3A_490, %swap3A_491] {strides = array<i32>} : memref<125x16xf32, #tpu.memory_space<vmem>>, vector<1x16xf32>,
    %swap3A_493 = vector.shape_cast %swap3A_492 : vector<1x16xf32> to vector<16xf32>
    %swap3A_494 = vector.shape_cast %broadcast_in_dim3A_3 : vector<16xf32> to vector<1x16xf32>
    tpu.vector_store %arg8[%swap3A_490, %swap3A_491], %swap3A_494 {strides = array<i32>} : memref<125x16xf32, #tpu.memory_space<vmem>>, vector<1x16xf32>,
    %swap3A_495 = arith.constant 66 : i32
    %swap3A_496 = arith.index_cast %swap3A_495 : i32 to index
    %swap3A_497 = arith.constant 0 : index
    %swap3A_498 = tpu.vector_load %arg8[%swap3A_496, %swap3A_497] {strides = array<i32>} : memref<125x16xf32, #tpu.memory_space<vmem>>, vector<1x16xf32>,
    %swap3A_499 = vector.shape_cast %swap3A_498 : vector<1x16xf32> to vector<16xf32>
    %swap3A_500 = vector.shape_cast %broadcast_in_dim3A_3 : vector<16xf32> to vector<1x16xf32>
    tpu.vector_store %arg8[%swap3A_496, %swap3A_497], %swap3A_500 {strides = array<i32>} : memref<125x16xf32, #tpu.memory_space<vmem>>, vector<1x16xf32>,
    %swap3A_501 = arith.constant 67 : i32
    %swap3A_502 = arith.index_cast %swap3A_501 : i32 to index
    %swap3A_503 = arith.constant 0 : index
    %swap3A_504 = tpu.vector_load %arg8[%swap3A_502, %swap3A_503] {strides = array<i32>} : memref<125x16xf32, #tpu.memory_space<vmem>>, vector<1x16xf32>,
    %swap3A_505 = vector.shape_cast %swap3A_504 : vector<1x16xf32> to vector<16xf32>
    %swap3A_506 = vector.shape_cast %broadcast_in_dim3A_3 : vector<16xf32> to vector<1x16xf32>
    tpu.vector_store %arg8[%swap3A_502, %swap3A_503], %swap3A_506 {strides = array<i32>} : memref<125x16xf32, #tpu.memory_space<vmem>>, vector<1x16xf32>,
    %swap3A_507 = arith.constant 68 : i32
    %swap3A_508 = arith.index_cast %swap3A_507 : i32 to index
    %swap3A_509 = arith.constant 0 : index
    %swap3A_510 = tpu.vector_load %arg8[%swap3A_508, %swap3A_509] {strides = array<i32>} : memref<125x16xf32, #tpu.memory_space<vmem>>, vector<1x16xf32>,
    %swap3A_511 = vector.shape_cast %swap3A_510 : vector<1x16xf32> to vector<16xf32>
    %swap3A_512 = vector.shape_cast %broadcast_in_dim3A_3 : vector<16xf32> to vector<1x16xf32>
    tpu.vector_store %arg8[%swap3A_508, %swap3A_509], %swap3A_512 {strides = array<i32>} : memref<125x16xf32, #tpu.memory_space<vmem>>, vector<1x16xf32>,
    %swap3A_513 = arith.constant 69 : i32
    %swap3A_514 = arith.index_cast %swap3A_513 : i32 to index
    %swap3A_515 = arith.constant 0 : index
    %swap3A_516 = tpu.vector_load %arg8[%swap3A_514, %swap3A_515] {strides = array<i32>} : memref<125x16xf32, #tpu.memory_space<vmem>>, vector<1x16xf32>,
    %swap3A_517 = vector.shape_cast %swap3A_516 : vector<1x16xf32> to vector<16xf32>
    %swap3A_518 = vector.shape_cast %broadcast_in_dim3A_3 : vector<16xf32> to vector<1x16xf32>
    tpu.vector_store %arg8[%swap3A_514, %swap3A_515], %swap3A_518 {strides = array<i32>} : memref<125x16xf32, #tpu.memory_space<vmem>>, vector<1x16xf32>,
    %swap3A_519 = arith.constant 70 : i32
    %swap3A_520 = arith.index_cast %swap3A_519 : i32 to index
    %swap3A_521 = arith.constant 0 : index
    %swap3A_522 = tpu.vector_load %arg8[%swap3A_520, %swap3A_521] {strides = array<i32>} : memref<125x16xf32, #tpu.memory_space<vmem>>, vector<1x16xf32>,
    %swap3A_523 = vector.shape_cast %swap3A_522 : vector<1x16xf32> to vector<16xf32>
    %swap3A_524 = vector.shape_cast %broadcast_in_dim3A_3 : vector<16xf32> to vector<1x16xf32>
    tpu.vector_store %arg8[%swap3A_520, %swap3A_521], %swap3A_524 {strides = array<i32>} : memref<125x16xf32, #tpu.memory_space<vmem>>, vector<1x16xf32>,
    %swap3A_525 = arith.constant 71 : i32
    %swap3A_526 = arith.index_cast %swap3A_525 : i32 to index
    %swap3A_527 = arith.constant 0 : index
    %swap3A_528 = tpu.vector_load %arg8[%swap3A_526, %swap3A_527] {strides = array<i32>} : memref<125x16xf32, #tpu.memory_space<vmem>>, vector<1x16xf32>,
    %swap3A_529 = vector.shape_cast %swap3A_528 : vector<1x16xf32> to vector<16xf32>
    %swap3A_530 = vector.shape_cast %broadcast_in_dim3A_3 : vector<16xf32> to vector<1x16xf32>
    tpu.vector_store %arg8[%swap3A_526, %swap3A_527], %swap3A_530 {strides = array<i32>} : memref<125x16xf32, #tpu.memory_space<vmem>>, vector<1x16xf32>,
    %swap3A_531 = arith.constant 72 : i32
    %swap3A_532 = arith.index_cast %swap3A_531 : i32 to index
    %swap3A_533 = arith.constant 0 : index
    %swap3A_534 = tpu.vector_load %arg8[%swap3A_532, %swap3A_533] {strides = array<i32>} : memref<125x16xf32, #tpu.memory_space<vmem>>, vector<1x16xf32>,
    %swap3A_535 = vector.shape_cast %swap3A_534 : vector<1x16xf32> to vector<16xf32>
    %swap3A_536 = vector.shape_cast %broadcast_in_dim3A_3 : vector<16xf32> to vector<1x16xf32>
    tpu.vector_store %arg8[%swap3A_532, %swap3A_533], %swap3A_536 {strides = array<i32>} : memref<125x16xf32, #tpu.memory_space<vmem>>, vector<1x16xf32>,
    %swap3A_537 = arith.constant 73 : i32
    %swap3A_538 = arith.index_cast %swap3A_537 : i32 to index
    %swap3A_539 = arith.constant 0 : index
    %swap3A_540 = tpu.vector_load %arg8[%swap3A_538, %swap3A_539] {strides = array<i32>} : memref<125x16xf32, #tpu.memory_space<vmem>>, vector<1x16xf32>,
    %swap3A_541 = vector.shape_cast %swap3A_540 : vector<1x16xf32> to vector<16xf32>
    %swap3A_542 = vector.shape_cast %broadcast_in_dim3A_3 : vector<16xf32> to vector<1x16xf32>
    tpu.vector_store %arg8[%swap3A_538, %swap3A_539], %swap3A_542 {strides = array<i32>} : memref<125x16xf32, #tpu.memory_space<vmem>>, vector<1x16xf32>,
    %swap3A_543 = arith.constant 74 : i32
    %swap3A_544 = arith.index_cast %swap3A_543 : i32 to index
    %swap3A_545 = arith.constant 0 : index
    %swap3A_546 = tpu.vector_load %arg8[%swap3A_544, %swap3A_545] {strides = array<i32>} : memref<125x16xf32, #tpu.memory_space<vmem>>, vector<1x16xf32>,
    %swap3A_547 = vector.shape_cast %swap3A_546 : vector<1x16xf32> to vector<16xf32>
    %swap3A_548 = vector.shape_cast %broadcast_in_dim3A_3 : vector<16xf32> to vector<1x16xf32>
    tpu.vector_store %arg8[%swap3A_544, %swap3A_545], %swap3A_548 {strides = array<i32>} : memref<125x16xf32, #tpu.memory_space<vmem>>, vector<1x16xf32>,
    %swap3A_549 = arith.constant 75 : i32
    %swap3A_550 = arith.index_cast %swap3A_549 : i32 to index
    %swap3A_551 = arith.constant 0 : index
    %swap3A_552 = tpu.vector_load %arg8[%swap3A_550, %swap3A_551] {strides = array<i32>} : memref<125x16xf32, #tpu.memory_space<vmem>>, vector<1x16xf32>,
    %swap3A_553 = vector.shape_cast %swap3A_552 : vector<1x16xf32> to vector<16xf32>
    %swap3A_554 = vector.shape_cast %broadcast_in_dim3A_3 : vector<16xf32> to vector<1x16xf32>
    tpu.vector_store %arg8[%swap3A_550, %swap3A_551], %swap3A_554 {strides = array<i32>} : memref<125x16xf32, #tpu.memory_space<vmem>>, vector<1x16xf32>,
    %swap3A_555 = arith.constant 76 : i32
    %swap3A_556 = arith.index_cast %swap3A_555 : i32 to index
    %swap3A_557 = arith.constant 0 : index
    %swap3A_558 = tpu.vector_load %arg8[%swap3A_556, %swap3A_557] {strides = array<i32>} : memref<125x16xf32, #tpu.memory_space<vmem>>, vector<1x16xf32>,
    %swap3A_559 = vector.shape_cast %swap3A_558 : vector<1x16xf32> to vector<16xf32>
    %swap3A_560 = vector.shape_cast %broadcast_in_dim3A_3 : vector<16xf32> to vector<1x16xf32>
    tpu.vector_store %arg8[%swap3A_556, %swap3A_557], %swap3A_560 {strides = array<i32>} : memref<125x16xf32, #tpu.memory_space<vmem>>, vector<1x16xf32>,
    %swap3A_561 = arith.constant 77 : i32
    %swap3A_562 = arith.index_cast %swap3A_561 : i32 to index
    %swap3A_563 = arith.constant 0 : index
    %swap3A_564 = tpu.vector_load %arg8[%swap3A_562, %swap3A_563] {strides = array<i32>} : memref<125x16xf32, #tpu.memory_space<vmem>>, vector<1x16xf32>,
    %swap3A_565 = vector.shape_cast %swap3A_564 : vector<1x16xf32> to vector<16xf32>
    %swap3A_566 = vector.shape_cast %broadcast_in_dim3A_3 : vector<16xf32> to vector<1x16xf32>
    tpu.vector_store %arg8[%swap3A_562, %swap3A_563], %swap3A_566 {strides = array<i32>} : memref<125x16xf32, #tpu.memory_space<vmem>>, vector<1x16xf32>,
    %swap3A_567 = arith.constant 78 : i32
    %swap3A_568 = arith.index_cast %swap3A_567 : i32 to index
    %swap3A_569 = arith.constant 0 : index
    %swap3A_570 = tpu.vector_load %arg8[%swap3A_568, %swap3A_569] {strides = array<i32>} : memref<125x16xf32, #tpu.memory_space<vmem>>, vector<1x16xf32>,
    %swap3A_571 = vector.shape_cast %swap3A_570 : vector<1x16xf32> to vector<16xf32>
    %swap3A_572 = vector.shape_cast %broadcast_in_dim3A_3 : vector<16xf32> to vector<1x16xf32>
    tpu.vector_store %arg8[%swap3A_568, %swap3A_569], %swap3A_572 {strides = array<i32>} : memref<125x16xf32, #tpu.memory_space<vmem>>, vector<1x16xf32>,
    %swap3A_573 = arith.constant 79 : i32
    %swap3A_574 = arith.index_cast %swap3A_573 : i32 to index
    %swap3A_575 = arith.constant 0 : index
    %swap3A_576 = tpu.vector_load %arg8[%swap3A_574, %swap3A_575] {strides = array<i32>} : memref<125x16xf32, #tpu.memory_space<vmem>>, vector<1x16xf32>,
    %swap3A_577 = vector.shape_cast %swap3A_576 : vector<1x16xf32> to vector<16xf32>
    %swap3A_578 = vector.shape_cast %broadcast_in_dim3A_3 : vector<16xf32> to vector<1x16xf32>
    tpu.vector_store %arg8[%swap3A_574, %swap3A_575], %swap3A_578 {strides = array<i32>} : memref<125x16xf32, #tpu.memory_space<vmem>>, vector<1x16xf32>,
    %swap3A_579 = arith.constant 80 : i32
    %swap3A_580 = arith.index_cast %swap3A_579 : i32 to index
    %swap3A_581 = arith.constant 0 : index
    %swap3A_582 = tpu.vector_load %arg8[%swap3A_580, %swap3A_581] {strides = array<i32>} : memref<125x16xf32, #tpu.memory_space<vmem>>, vector<1x16xf32>,
    %swap3A_583 = vector.shape_cast %swap3A_582 : vector<1x16xf32> to vector<16xf32>
    %swap3A_584 = vector.shape_cast %broadcast_in_dim3A_3 : vector<16xf32> to vector<1x16xf32>
    tpu.vector_store %arg8[%swap3A_580, %swap3A_581], %swap3A_584 {strides = array<i32>} : memref<125x16xf32, #tpu.memory_space<vmem>>, vector<1x16xf32>,
    %swap3A_585 = arith.constant 81 : i32
    %swap3A_586 = arith.index_cast %swap3A_585 : i32 to index
    %swap3A_587 = arith.constant 0 : index
    %swap3A_588 = tpu.vector_load %arg8[%swap3A_586, %swap3A_587] {strides = array<i32>} : memref<125x16xf32, #tpu.memory_space<vmem>>, vector<1x16xf32>,
    %swap3A_589 = vector.shape_cast %swap3A_588 : vector<1x16xf32> to vector<16xf32>
    %swap3A_590 = vector.shape_cast %broadcast_in_dim3A_3 : vector<16xf32> to vector<1x16xf32>
    tpu.vector_store %arg8[%swap3A_586, %swap3A_587], %swap3A_590 {strides = array<i32>} : memref<125x16xf32, #tpu.memory_space<vmem>>, vector<1x16xf32>,
    %swap3A_591 = arith.constant 82 : i32
    %swap3A_592 = arith.index_cast %swap3A_591 : i32 to index
    %swap3A_593 = arith.constant 0 : index
    %swap3A_594 = tpu.vector_load %arg8[%swap3A_592, %swap3A_593] {strides = array<i32>} : memref<125x16xf32, #tpu.memory_space<vmem>>, vector<1x16xf32>,
    %swap3A_595 = vector.shape_cast %swap3A_594 : vector<1x16xf32> to vector<16xf32>
    %swap3A_596 = vector.shape_cast %broadcast_in_dim3A_3 : vector<16xf32> to vector<1x16xf32>
    tpu.vector_store %arg8[%swap3A_592, %swap3A_593], %swap3A_596 {strides = array<i32>} : memref<125x16xf32, #tpu.memory_space<vmem>>, vector<1x16xf32>,
    %swap3A_597 = arith.constant 83 : i32
    %swap3A_598 = arith.index_cast %swap3A_597 : i32 to index
    %swap3A_599 = arith.constant 0 : index
    %swap3A_600 = tpu.vector_load %arg8[%swap3A_598, %swap3A_599] {strides = array<i32>} : memref<125x16xf32, #tpu.memory_space<vmem>>, vector<1x16xf32>,
    %swap3A_601 = vector.shape_cast %swap3A_600 : vector<1x16xf32> to vector<16xf32>
    %swap3A_602 = vector.shape_cast %broadcast_in_dim3A_3 : vector<16xf32> to vector<1x16xf32>
    tpu.vector_store %arg8[%swap3A_598, %swap3A_599], %swap3A_602 {strides = array<i32>} : memref<125x16xf32, #tpu.memory_space<vmem>>, vector<1x16xf32>,
    %swap3A_603 = arith.constant 84 : i32
    %swap3A_604 = arith.index_cast %swap3A_603 : i32 to index
    %swap3A_605 = arith.constant 0 : index
    %swap3A_606 = tpu.vector_load %arg8[%swap3A_604, %swap3A_605] {strides = array<i32>} : memref<125x16xf32, #tpu.memory_space<vmem>>, vector<1x16xf32>,
    %swap3A_607 = vector.shape_cast %swap3A_606 : vector<1x16xf32> to vector<16xf32>
    %swap3A_608 = vector.shape_cast %broadcast_in_dim3A_3 : vector<16xf32> to vector<1x16xf32>
    tpu.vector_store %arg8[%swap3A_604, %swap3A_605], %swap3A_608 {strides = array<i32>} : memref<125x16xf32, #tpu.memory_space<vmem>>, vector<1x16xf32>,
    %swap3A_609 = arith.constant 85 : i32
    %swap3A_610 = arith.index_cast %swap3A_609 : i32 to index
    %swap3A_611 = arith.constant 0 : index
    %swap3A_612 = tpu.vector_load %arg8[%swap3A_610, %swap3A_611] {strides = array<i32>} : memref<125x16xf32, #tpu.memory_space<vmem>>, vector<1x16xf32>,
    %swap3A_613 = vector.shape_cast %swap3A_612 : vector<1x16xf32> to vector<16xf32>
    %swap3A_614 = vector.shape_cast %broadcast_in_dim3A_3 : vector<16xf32> to vector<1x16xf32>
    tpu.vector_store %arg8[%swap3A_610, %swap3A_611], %swap3A_614 {strides = array<i32>} : memref<125x16xf32, #tpu.memory_space<vmem>>, vector<1x16xf32>,
    %swap3A_615 = arith.constant 86 : i32
    %swap3A_616 = arith.index_cast %swap3A_615 : i32 to index
    %swap3A_617 = arith.constant 0 : index
    %swap3A_618 = tpu.vector_load %arg8[%swap3A_616, %swap3A_617] {strides = array<i32>} : memref<125x16xf32, #tpu.memory_space<vmem>>, vector<1x16xf32>,
    %swap3A_619 = vector.shape_cast %swap3A_618 : vector<1x16xf32> to vector<16xf32>
    %swap3A_620 = vector.shape_cast %broadcast_in_dim3A_3 : vector<16xf32> to vector<1x16xf32>
    tpu.vector_store %arg8[%swap3A_616, %swap3A_617], %swap3A_620 {strides = array<i32>} : memref<125x16xf32, #tpu.memory_space<vmem>>, vector<1x16xf32>,
    %swap3A_621 = arith.constant 87 : i32
    %swap3A_622 = arith.index_cast %swap3A_621 : i32 to index
    %swap3A_623 = arith.constant 0 : index
    %swap3A_624 = tpu.vector_load %arg8[%swap3A_622, %swap3A_623] {strides = array<i32>} : memref<125x16xf32, #tpu.memory_space<vmem>>, vector<1x16xf32>,
    %swap3A_625 = vector.shape_cast %swap3A_624 : vector<1x16xf32> to vector<16xf32>
    %swap3A_626 = vector.shape_cast %broadcast_in_dim3A_3 : vector<16xf32> to vector<1x16xf32>
    tpu.vector_store %arg8[%swap3A_622, %swap3A_623], %swap3A_626 {strides = array<i32>} : memref<125x16xf32, #tpu.memory_space<vmem>>, vector<1x16xf32>,
    %swap3A_627 = arith.constant 88 : i32
    %swap3A_628 = arith.index_cast %swap3A_627 : i32 to index
    %swap3A_629 = arith.constant 0 : index
    %swap3A_630 = tpu.vector_load %arg8[%swap3A_628, %swap3A_629] {strides = array<i32>} : memref<125x16xf32, #tpu.memory_space<vmem>>, vector<1x16xf32>,
    %swap3A_631 = vector.shape_cast %swap3A_630 : vector<1x16xf32> to vector<16xf32>
    %swap3A_632 = vector.shape_cast %broadcast_in_dim3A_3 : vector<16xf32> to vector<1x16xf32>
    tpu.vector_store %arg8[%swap3A_628, %swap3A_629], %swap3A_632 {strides = array<i32>} : memref<125x16xf32, #tpu.memory_space<vmem>>, vector<1x16xf32>,
    %swap3A_633 = arith.constant 89 : i32
    %swap3A_634 = arith.index_cast %swap3A_633 : i32 to index
    %swap3A_635 = arith.constant 0 : index
    %swap3A_636 = tpu.vector_load %arg8[%swap3A_634, %swap3A_635] {strides = array<i32>} : memref<125x16xf32, #tpu.memory_space<vmem>>, vector<1x16xf32>,
    %swap3A_637 = vector.shape_cast %swap3A_636 : vector<1x16xf32> to vector<16xf32>
    %swap3A_638 = vector.shape_cast %broadcast_in_dim3A_3 : vector<16xf32> to vector<1x16xf32>
    tpu.vector_store %arg8[%swap3A_634, %swap3A_635], %swap3A_638 {strides = array<i32>} : memref<125x16xf32, #tpu.memory_space<vmem>>, vector<1x16xf32>,
    %swap3A_639 = arith.constant 90 : i32
    %swap3A_640 = arith.index_cast %swap3A_639 : i32 to index
    %swap3A_641 = arith.constant 0 : index
    %swap3A_642 = tpu.vector_load %arg8[%swap3A_640, %swap3A_641] {strides = array<i32>} : memref<125x16xf32, #tpu.memory_space<vmem>>, vector<1x16xf32>,
    %swap3A_643 = vector.shape_cast %swap3A_642 : vector<1x16xf32> to vector<16xf32>
    %swap3A_644 = vector.shape_cast %broadcast_in_dim3A_3 : vector<16xf32> to vector<1x16xf32>
    tpu.vector_store %arg8[%swap3A_640, %swap3A_641], %swap3A_644 {strides = array<i32>} : memref<125x16xf32, #tpu.memory_space<vmem>>, vector<1x16xf32>,
    %swap3A_645 = arith.constant 91 : i32
    %swap3A_646 = arith.index_cast %swap3A_645 : i32 to index
    %swap3A_647 = arith.constant 0 : index
    %swap3A_648 = tpu.vector_load %arg8[%swap3A_646, %swap3A_647] {strides = array<i32>} : memref<125x16xf32, #tpu.memory_space<vmem>>, vector<1x16xf32>,
    %swap3A_649 = vector.shape_cast %swap3A_648 : vector<1x16xf32> to vector<16xf32>
    %swap3A_650 = vector.shape_cast %broadcast_in_dim3A_3 : vector<16xf32> to vector<1x16xf32>
    tpu.vector_store %arg8[%swap3A_646, %swap3A_647], %swap3A_650 {strides = array<i32>} : memref<125x16xf32, #tpu.memory_space<vmem>>, vector<1x16xf32>,
    %swap3A_651 = arith.constant 92 : i32
    %swap3A_652 = arith.index_cast %swap3A_651 : i32 to index
    %swap3A_653 = arith.constant 0 : index
    %swap3A_654 = tpu.vector_load %arg8[%swap3A_652, %swap3A_653] {strides = array<i32>} : memref<125x16xf32, #tpu.memory_space<vmem>>, vector<1x16xf32>,
    %swap3A_655 = vector.shape_cast %swap3A_654 : vector<1x16xf32> to vector<16xf32>
    %swap3A_656 = vector.shape_cast %broadcast_in_dim3A_3 : vector<16xf32> to vector<1x16xf32>
    tpu.vector_store %arg8[%swap3A_652, %swap3A_653], %swap3A_656 {strides = array<i32>} : memref<125x16xf32, #tpu.memory_space<vmem>>, vector<1x16xf32>,
    %swap3A_657 = arith.constant 93 : i32
    %swap3A_658 = arith.index_cast %swap3A_657 : i32 to index
    %swap3A_659 = arith.constant 0 : index
    %swap3A_660 = tpu.vector_load %arg8[%swap3A_658, %swap3A_659] {strides = array<i32>} : memref<125x16xf32, #tpu.memory_space<vmem>>, vector<1x16xf32>,
    %swap3A_661 = vector.shape_cast %swap3A_660 : vector<1x16xf32> to vector<16xf32>
    %swap3A_662 = vector.shape_cast %broadcast_in_dim3A_3 : vector<16xf32> to vector<1x16xf32>
    tpu.vector_store %arg8[%swap3A_658, %swap3A_659], %swap3A_662 {strides = array<i32>} : memref<125x16xf32, #tpu.memory_space<vmem>>, vector<1x16xf32>,
    %swap3A_663 = arith.constant 94 : i32
    %swap3A_664 = arith.index_cast %swap3A_663 : i32 to index
    %swap3A_665 = arith.constant 0 : index
    %swap3A_666 = tpu.vector_load %arg8[%swap3A_664, %swap3A_665] {strides = array<i32>} : memref<125x16xf32, #tpu.memory_space<vmem>>, vector<1x16xf32>,
    %swap3A_667 = vector.shape_cast %swap3A_666 : vector<1x16xf32> to vector<16xf32>
    %swap3A_668 = vector.shape_cast %broadcast_in_dim3A_3 : vector<16xf32> to vector<1x16xf32>
    tpu.vector_store %arg8[%swap3A_664, %swap3A_665], %swap3A_668 {strides = array<i32>} : memref<125x16xf32, #tpu.memory_space<vmem>>, vector<1x16xf32>,
    %swap3A_669 = arith.constant 95 : i32
    %swap3A_670 = arith.index_cast %swap3A_669 : i32 to index
    %swap3A_671 = arith.constant 0 : index
    %swap3A_672 = tpu.vector_load %arg8[%swap3A_670, %swap3A_671] {strides = array<i32>} : memref<125x16xf32, #tpu.memory_space<vmem>>, vector<1x16xf32>,
    %swap3A_673 = vector.shape_cast %swap3A_672 : vector<1x16xf32> to vector<16xf32>
    %swap3A_674 = vector.shape_cast %broadcast_in_dim3A_3 : vector<16xf32> to vector<1x16xf32>
    tpu.vector_store %arg8[%swap3A_670, %swap3A_671], %swap3A_674 {strides = array<i32>} : memref<125x16xf32, #tpu.memory_space<vmem>>, vector<1x16xf32>,
    %swap3A_675 = arith.constant 96 : i32
    %swap3A_676 = arith.index_cast %swap3A_675 : i32 to index
    %swap3A_677 = arith.constant 0 : index
    %swap3A_678 = tpu.vector_load %arg8[%swap3A_676, %swap3A_677] {strides = array<i32>} : memref<125x16xf32, #tpu.memory_space<vmem>>, vector<1x16xf32>,
    %swap3A_679 = vector.shape_cast %swap3A_678 : vector<1x16xf32> to vector<16xf32>
    %swap3A_680 = vector.shape_cast %broadcast_in_dim3A_3 : vector<16xf32> to vector<1x16xf32>
    tpu.vector_store %arg8[%swap3A_676, %swap3A_677], %swap3A_680 {strides = array<i32>} : memref<125x16xf32, #tpu.memory_space<vmem>>, vector<1x16xf32>,
    %swap3A_681 = arith.constant 97 : i32
    %swap3A_682 = arith.index_cast %swap3A_681 : i32 to index
    %swap3A_683 = arith.constant 0 : index
    %swap3A_684 = tpu.vector_load %arg8[%swap3A_682, %swap3A_683] {strides = array<i32>} : memref<125x16xf32, #tpu.memory_space<vmem>>, vector<1x16xf32>,
    %swap3A_685 = vector.shape_cast %swap3A_684 : vector<1x16xf32> to vector<16xf32>
    %swap3A_686 = vector.shape_cast %broadcast_in_dim3A_3 : vector<16xf32> to vector<1x16xf32>
    tpu.vector_store %arg8[%swap3A_682, %swap3A_683], %swap3A_686 {strides = array<i32>} : memref<125x16xf32, #tpu.memory_space<vmem>>, vector<1x16xf32>,
    %swap3A_687 = arith.constant 98 : i32
    %swap3A_688 = arith.index_cast %swap3A_687 : i32 to index
    %swap3A_689 = arith.constant 0 : index
    %swap3A_690 = tpu.vector_load %arg8[%swap3A_688, %swap3A_689] {strides = array<i32>} : memref<125x16xf32, #tpu.memory_space<vmem>>, vector<1x16xf32>,
    %swap3A_691 = vector.shape_cast %swap3A_690 : vector<1x16xf32> to vector<16xf32>
    %swap3A_692 = vector.shape_cast %broadcast_in_dim3A_3 : vector<16xf32> to vector<1x16xf32>
    tpu.vector_store %arg8[%swap3A_688, %swap3A_689], %swap3A_692 {strides = array<i32>} : memref<125x16xf32, #tpu.memory_space<vmem>>, vector<1x16xf32>,
    %swap3A_693 = arith.constant 99 : i32
    %swap3A_694 = arith.index_cast %swap3A_693 : i32 to index
    %swap3A_695 = arith.constant 0 : index
    %swap3A_696 = tpu.vector_load %arg8[%swap3A_694, %swap3A_695] {strides = array<i32>} : memref<125x16xf32, #tpu.memory_space<vmem>>, vector<1x16xf32>,
    %swap3A_697 = vector.shape_cast %swap3A_696 : vector<1x16xf32> to vector<16xf32>
    %swap3A_698 = vector.shape_cast %broadcast_in_dim3A_3 : vector<16xf32> to vector<1x16xf32>
    tpu.vector_store %arg8[%swap3A_694, %swap3A_695], %swap3A_698 {strides = array<i32>} : memref<125x16xf32, #tpu.memory_space<vmem>>, vector<1x16xf32>,
    %swap3A_699 = arith.constant 100 : i32
    %swap3A_700 = arith.index_cast %swap3A_699 : i32 to index
    %swap3A_701 = arith.constant 0 : index
    %swap3A_702 = tpu.vector_load %arg8[%swap3A_700, %swap3A_701] {strides = array<i32>} : memref<125x16xf32, #tpu.memory_space<vmem>>, vector<1x16xf32>,
    %swap3A_703 = vector.shape_cast %swap3A_702 : vector<1x16xf32> to vector<16xf32>
    %swap3A_704 = vector.shape_cast %broadcast_in_dim3A_3 : vector<16xf32> to vector<1x16xf32>
    tpu.vector_store %arg8[%swap3A_700, %swap3A_701], %swap3A_704 {strides = array<i32>} : memref<125x16xf32, #tpu.memory_space<vmem>>, vector<1x16xf32>,
    %swap3A_705 = arith.constant 101 : i32
    %swap3A_706 = arith.index_cast %swap3A_705 : i32 to index
    %swap3A_707 = arith.constant 0 : index
    %swap3A_708 = tpu.vector_load %arg8[%swap3A_706, %swap3A_707] {strides = array<i32>} : memref<125x16xf32, #tpu.memory_space<vmem>>, vector<1x16xf32>,
    %swap3A_709 = vector.shape_cast %swap3A_708 : vector<1x16xf32> to vector<16xf32>
    %swap3A_710 = vector.shape_cast %broadcast_in_dim3A_3 : vector<16xf32> to vector<1x16xf32>
    tpu.vector_store %arg8[%swap3A_706, %swap3A_707], %swap3A_710 {strides = array<i32>} : memref<125x16xf32, #tpu.memory_space<vmem>>, vector<1x16xf32>,
    %swap3A_711 = arith.constant 102 : i32
    %swap3A_712 = arith.index_cast %swap3A_711 : i32 to index
    %swap3A_713 = arith.constant 0 : index
    %swap3A_714 = tpu.vector_load %arg8[%swap3A_712, %swap3A_713] {strides = array<i32>} : memref<125x16xf32, #tpu.memory_space<vmem>>, vector<1x16xf32>,
    %swap3A_715 = vector.shape_cast %swap3A_714 : vector<1x16xf32> to vector<16xf32>
    %swap3A_716 = vector.shape_cast %broadcast_in_dim3A_3 : vector<16xf32> to vector<1x16xf32>
    tpu.vector_store %arg8[%swap3A_712, %swap3A_713], %swap3A_716 {strides = array<i32>} : memref<125x16xf32, #tpu.memory_space<vmem>>, vector<1x16xf32>,
    %swap3A_717 = arith.constant 103 : i32
    %swap3A_718 = arith.index_cast %swap3A_717 : i32 to index
    %swap3A_719 = arith.constant 0 : index
    %swap3A_720 = tpu.vector_load %arg8[%swap3A_718, %swap3A_719] {strides = array<i32>} : memref<125x16xf32, #tpu.memory_space<vmem>>, vector<1x16xf32>,
    %swap3A_721 = vector.shape_cast %swap3A_720 : vector<1x16xf32> to vector<16xf32>
    %swap3A_722 = vector.shape_cast %broadcast_in_dim3A_3 : vector<16xf32> to vector<1x16xf32>
    tpu.vector_store %arg8[%swap3A_718, %swap3A_719], %swap3A_722 {strides = array<i32>} : memref<125x16xf32, #tpu.memory_space<vmem>>, vector<1x16xf32>,
    %swap3A_723 = arith.constant 104 : i32
    %swap3A_724 = arith.index_cast %swap3A_723 : i32 to index
    %swap3A_725 = arith.constant 0 : index
    %swap3A_726 = tpu.vector_load %arg8[%swap3A_724, %swap3A_725] {strides = array<i32>} : memref<125x16xf32, #tpu.memory_space<vmem>>, vector<1x16xf32>,
    %swap3A_727 = vector.shape_cast %swap3A_726 : vector<1x16xf32> to vector<16xf32>
    %swap3A_728 = vector.shape_cast %broadcast_in_dim3A_3 : vector<16xf32> to vector<1x16xf32>
    tpu.vector_store %arg8[%swap3A_724, %swap3A_725], %swap3A_728 {strides = array<i32>} : memref<125x16xf32, #tpu.memory_space<vmem>>, vector<1x16xf32>,
    %swap3A_729 = arith.constant 105 : i32
    %swap3A_730 = arith.index_cast %swap3A_729 : i32 to index
    %swap3A_731 = arith.constant 0 : index
    %swap3A_732 = tpu.vector_load %arg8[%swap3A_730, %swap3A_731] {strides = array<i32>} : memref<125x16xf32, #tpu.memory_space<vmem>>, vector<1x16xf32>,
    %swap3A_733 = vector.shape_cast %swap3A_732 : vector<1x16xf32> to vector<16xf32>
    %swap3A_734 = vector.shape_cast %broadcast_in_dim3A_3 : vector<16xf32> to vector<1x16xf32>
    tpu.vector_store %arg8[%swap3A_730, %swap3A_731], %swap3A_734 {strides = array<i32>} : memref<125x16xf32, #tpu.memory_space<vmem>>, vector<1x16xf32>,
    %swap3A_735 = arith.constant 106 : i32
    %swap3A_736 = arith.index_cast %swap3A_735 : i32 to index
    %swap3A_737 = arith.constant 0 : index
    %swap3A_738 = tpu.vector_load %arg8[%swap3A_736, %swap3A_737] {strides = array<i32>} : memref<125x16xf32, #tpu.memory_space<vmem>>, vector<1x16xf32>,
    %swap3A_739 = vector.shape_cast %swap3A_738 : vector<1x16xf32> to vector<16xf32>
    %swap3A_740 = vector.shape_cast %broadcast_in_dim3A_3 : vector<16xf32> to vector<1x16xf32>
    tpu.vector_store %arg8[%swap3A_736, %swap3A_737], %swap3A_740 {strides = array<i32>} : memref<125x16xf32, #tpu.memory_space<vmem>>, vector<1x16xf32>,
    %swap3A_741 = arith.constant 107 : i32
    %swap3A_742 = arith.index_cast %swap3A_741 : i32 to index
    %swap3A_743 = arith.constant 0 : index
    %swap3A_744 = tpu.vector_load %arg8[%swap3A_742, %swap3A_743] {strides = array<i32>} : memref<125x16xf32, #tpu.memory_space<vmem>>, vector<1x16xf32>,
    %swap3A_745 = vector.shape_cast %swap3A_744 : vector<1x16xf32> to vector<16xf32>
    %swap3A_746 = vector.shape_cast %broadcast_in_dim3A_3 : vector<16xf32> to vector<1x16xf32>
    tpu.vector_store %arg8[%swap3A_742, %swap3A_743], %swap3A_746 {strides = array<i32>} : memref<125x16xf32, #tpu.memory_space<vmem>>, vector<1x16xf32>,
    %swap3A_747 = arith.constant 108 : i32
    %swap3A_748 = arith.index_cast %swap3A_747 : i32 to index
    %swap3A_749 = arith.constant 0 : index
    %swap3A_750 = tpu.vector_load %arg8[%swap3A_748, %swap3A_749] {strides = array<i32>} : memref<125x16xf32, #tpu.memory_space<vmem>>, vector<1x16xf32>,
    %swap3A_751 = vector.shape_cast %swap3A_750 : vector<1x16xf32> to vector<16xf32>
    %swap3A_752 = vector.shape_cast %broadcast_in_dim3A_3 : vector<16xf32> to vector<1x16xf32>
    tpu.vector_store %arg8[%swap3A_748, %swap3A_749], %swap3A_752 {strides = array<i32>} : memref<125x16xf32, #tpu.memory_space<vmem>>, vector<1x16xf32>,
    %swap3A_753 = arith.constant 109 : i32
    %swap3A_754 = arith.index_cast %swap3A_753 : i32 to index
    %swap3A_755 = arith.constant 0 : index
    %swap3A_756 = tpu.vector_load %arg8[%swap3A_754, %swap3A_755] {strides = array<i32>} : memref<125x16xf32, #tpu.memory_space<vmem>>, vector<1x16xf32>,
    %swap3A_757 = vector.shape_cast %swap3A_756 : vector<1x16xf32> to vector<16xf32>
    %swap3A_758 = vector.shape_cast %broadcast_in_dim3A_3 : vector<16xf32> to vector<1x16xf32>
    tpu.vector_store %arg8[%swap3A_754, %swap3A_755], %swap3A_758 {strides = array<i32>} : memref<125x16xf32, #tpu.memory_space<vmem>>, vector<1x16xf32>,
    %swap3A_759 = arith.constant 110 : i32
    %swap3A_760 = arith.index_cast %swap3A_759 : i32 to index
    %swap3A_761 = arith.constant 0 : index
    %swap3A_762 = tpu.vector_load %arg8[%swap3A_760, %swap3A_761] {strides = array<i32>} : memref<125x16xf32, #tpu.memory_space<vmem>>, vector<1x16xf32>,
    %swap3A_763 = vector.shape_cast %swap3A_762 : vector<1x16xf32> to vector<16xf32>
    %swap3A_764 = vector.shape_cast %broadcast_in_dim3A_3 : vector<16xf32> to vector<1x16xf32>
    tpu.vector_store %arg8[%swap3A_760, %swap3A_761], %swap3A_764 {strides = array<i32>} : memref<125x16xf32, #tpu.memory_space<vmem>>, vector<1x16xf32>,
    %swap3A_765 = arith.constant 111 : i32
    %swap3A_766 = arith.index_cast %swap3A_765 : i32 to index
    %swap3A_767 = arith.constant 0 : index
    %swap3A_768 = tpu.vector_load %arg8[%swap3A_766, %swap3A_767] {strides = array<i32>} : memref<125x16xf32, #tpu.memory_space<vmem>>, vector<1x16xf32>,
    %swap3A_769 = vector.shape_cast %swap3A_768 : vector<1x16xf32> to vector<16xf32>
    %swap3A_770 = vector.shape_cast %broadcast_in_dim3A_3 : vector<16xf32> to vector<1x16xf32>
    tpu.vector_store %arg8[%swap3A_766, %swap3A_767], %swap3A_770 {strides = array<i32>} : memref<125x16xf32, #tpu.memory_space<vmem>>, vector<1x16xf32>,
    %swap3A_771 = arith.constant 112 : i32
    %swap3A_772 = arith.index_cast %swap3A_771 : i32 to index
    %swap3A_773 = arith.constant 0 : index
    %swap3A_774 = tpu.vector_load %arg8[%swap3A_772, %swap3A_773] {strides = array<i32>} : memref<125x16xf32, #tpu.memory_space<vmem>>, vector<1x16xf32>,
    %swap3A_775 = vector.shape_cast %swap3A_774 : vector<1x16xf32> to vector<16xf32>
    %swap3A_776 = vector.shape_cast %broadcast_in_dim3A_3 : vector<16xf32> to vector<1x16xf32>
    tpu.vector_store %arg8[%swap3A_772, %swap3A_773], %swap3A_776 {strides = array<i32>} : memref<125x16xf32, #tpu.memory_space<vmem>>, vector<1x16xf32>,
    %swap3A_777 = arith.constant 113 : i32
    %swap3A_778 = arith.index_cast %swap3A_777 : i32 to index
    %swap3A_779 = arith.constant 0 : index
    %swap3A_780 = tpu.vector_load %arg8[%swap3A_778, %swap3A_779] {strides = array<i32>} : memref<125x16xf32, #tpu.memory_space<vmem>>, vector<1x16xf32>,
    %swap3A_781 = vector.shape_cast %swap3A_780 : vector<1x16xf32> to vector<16xf32>
    %swap3A_782 = vector.shape_cast %broadcast_in_dim3A_3 : vector<16xf32> to vector<1x16xf32>
    tpu.vector_store %arg8[%swap3A_778, %swap3A_779], %swap3A_782 {strides = array<i32>} : memref<125x16xf32, #tpu.memory_space<vmem>>, vector<1x16xf32>,
    %swap3A_783 = arith.constant 114 : i32
    %swap3A_784 = arith.index_cast %swap3A_783 : i32 to index
    %swap3A_785 = arith.constant 0 : index
    %swap3A_786 = tpu.vector_load %arg8[%swap3A_784, %swap3A_785] {strides = array<i32>} : memref<125x16xf32, #tpu.memory_space<vmem>>, vector<1x16xf32>,
    %swap3A_787 = vector.shape_cast %swap3A_786 : vector<1x16xf32> to vector<16xf32>
    %swap3A_788 = vector.shape_cast %broadcast_in_dim3A_3 : vector<16xf32> to vector<1x16xf32>
    tpu.vector_store %arg8[%swap3A_784, %swap3A_785], %swap3A_788 {strides = array<i32>} : memref<125x16xf32, #tpu.memory_space<vmem>>, vector<1x16xf32>,
    %swap3A_789 = arith.constant 115 : i32
    %swap3A_790 = arith.index_cast %swap3A_789 : i32 to index
    %swap3A_791 = arith.constant 0 : index
    %swap3A_792 = tpu.vector_load %arg8[%swap3A_790, %swap3A_791] {strides = array<i32>} : memref<125x16xf32, #tpu.memory_space<vmem>>, vector<1x16xf32>,
    %swap3A_793 = vector.shape_cast %swap3A_792 : vector<1x16xf32> to vector<16xf32>
    %swap3A_794 = vector.shape_cast %broadcast_in_dim3A_3 : vector<16xf32> to vector<1x16xf32>
    tpu.vector_store %arg8[%swap3A_790, %swap3A_791], %swap3A_794 {strides = array<i32>} : memref<125x16xf32, #tpu.memory_space<vmem>>, vector<1x16xf32>,
    %swap3A_795 = arith.constant 116 : i32
    %swap3A_796 = arith.index_cast %swap3A_795 : i32 to index
    %swap3A_797 = arith.constant 0 : index
    %swap3A_798 = tpu.vector_load %arg8[%swap3A_796, %swap3A_797] {strides = array<i32>} : memref<125x16xf32, #tpu.memory_space<vmem>>, vector<1x16xf32>,
    %swap3A_799 = vector.shape_cast %swap3A_798 : vector<1x16xf32> to vector<16xf32>
    %swap3A_800 = vector.shape_cast %broadcast_in_dim3A_3 : vector<16xf32> to vector<1x16xf32>
    tpu.vector_store %arg8[%swap3A_796, %swap3A_797], %swap3A_800 {strides = array<i32>} : memref<125x16xf32, #tpu.memory_space<vmem>>, vector<1x16xf32>,
    %swap3A_801 = arith.constant 117 : i32
    %swap3A_802 = arith.index_cast %swap3A_801 : i32 to index
    %swap3A_803 = arith.constant 0 : index
    %swap3A_804 = tpu.vector_load %arg8[%swap3A_802, %swap3A_803] {strides = array<i32>} : memref<125x16xf32, #tpu.memory_space<vmem>>, vector<1x16xf32>,
    %swap3A_805 = vector.shape_cast %swap3A_804 : vector<1x16xf32> to vector<16xf32>
    %swap3A_806 = vector.shape_cast %broadcast_in_dim3A_3 : vector<16xf32> to vector<1x16xf32>
    tpu.vector_store %arg8[%swap3A_802, %swap3A_803], %swap3A_806 {strides = array<i32>} : memref<125x16xf32, #tpu.memory_space<vmem>>, vector<1x16xf32>,
    %swap3A_807 = arith.constant 118 : i32
    %swap3A_808 = arith.index_cast %swap3A_807 : i32 to index
    %swap3A_809 = arith.constant 0 : index
    %swap3A_810 = tpu.vector_load %arg8[%swap3A_808, %swap3A_809] {strides = array<i32>} : memref<125x16xf32, #tpu.memory_space<vmem>>, vector<1x16xf32>,
    %swap3A_811 = vector.shape_cast %swap3A_810 : vector<1x16xf32> to vector<16xf32>
    %swap3A_812 = vector.shape_cast %broadcast_in_dim3A_3 : vector<16xf32> to vector<1x16xf32>
    tpu.vector_store %arg8[%swap3A_808, %swap3A_809], %swap3A_812 {strides = array<i32>} : memref<125x16xf32, #tpu.memory_space<vmem>>, vector<1x16xf32>,
    %swap3A_813 = arith.constant 119 : i32
    %swap3A_814 = arith.index_cast %swap3A_813 : i32 to index
    %swap3A_815 = arith.constant 0 : index
    %swap3A_816 = tpu.vector_load %arg8[%swap3A_814, %swap3A_815] {strides = array<i32>} : memref<125x16xf32, #tpu.memory_space<vmem>>, vector<1x16xf32>,
    %swap3A_817 = vector.shape_cast %swap3A_816 : vector<1x16xf32> to vector<16xf32>
    %swap3A_818 = vector.shape_cast %broadcast_in_dim3A_3 : vector<16xf32> to vector<1x16xf32>
    tpu.vector_store %arg8[%swap3A_814, %swap3A_815], %swap3A_818 {strides = array<i32>} : memref<125x16xf32, #tpu.memory_space<vmem>>, vector<1x16xf32>,
    %swap3A_819 = arith.constant 120 : i32
    %swap3A_820 = arith.index_cast %swap3A_819 : i32 to index
    %swap3A_821 = arith.constant 0 : index
    %swap3A_822 = tpu.vector_load %arg8[%swap3A_820, %swap3A_821] {strides = array<i32>} : memref<125x16xf32, #tpu.memory_space<vmem>>, vector<1x16xf32>,
    %swap3A_823 = vector.shape_cast %swap3A_822 : vector<1x16xf32> to vector<16xf32>
    %swap3A_824 = vector.shape_cast %broadcast_in_dim3A_3 : vector<16xf32> to vector<1x16xf32>
    tpu.vector_store %arg8[%swap3A_820, %swap3A_821], %swap3A_824 {strides = array<i32>} : memref<125x16xf32, #tpu.memory_space<vmem>>, vector<1x16xf32>,
    %swap3A_825 = arith.constant 121 : i32
    %swap3A_826 = arith.index_cast %swap3A_825 : i32 to index
    %swap3A_827 = arith.constant 0 : index
    %swap3A_828 = tpu.vector_load %arg8[%swap3A_826, %swap3A_827] {strides = array<i32>} : memref<125x16xf32, #tpu.memory_space<vmem>>, vector<1x16xf32>,
    %swap3A_829 = vector.shape_cast %swap3A_828 : vector<1x16xf32> to vector<16xf32>
    %swap3A_830 = vector.shape_cast %broadcast_in_dim3A_3 : vector<16xf32> to vector<1x16xf32>
    tpu.vector_store %arg8[%swap3A_826, %swap3A_827], %swap3A_830 {strides = array<i32>} : memref<125x16xf32, #tpu.memory_space<vmem>>, vector<1x16xf32>,
    %swap3A_831 = arith.constant 122 : i32
    %swap3A_832 = arith.index_cast %swap3A_831 : i32 to index
    %swap3A_833 = arith.constant 0 : index
    %swap3A_834 = tpu.vector_load %arg8[%swap3A_832, %swap3A_833] {strides = array<i32>} : memref<125x16xf32, #tpu.memory_space<vmem>>, vector<1x16xf32>,
    %swap3A_835 = vector.shape_cast %swap3A_834 : vector<1x16xf32> to vector<16xf32>
    %swap3A_836 = vector.shape_cast %broadcast_in_dim3A_3 : vector<16xf32> to vector<1x16xf32>
    tpu.vector_store %arg8[%swap3A_832, %swap3A_833], %swap3A_836 {strides = array<i32>} : memref<125x16xf32, #tpu.memory_space<vmem>>, vector<1x16xf32>,
    %swap3A_837 = arith.constant 123 : i32
    %swap3A_838 = arith.index_cast %swap3A_837 : i32 to index
    %swap3A_839 = arith.constant 0 : index
    %swap3A_840 = tpu.vector_load %arg8[%swap3A_838, %swap3A_839] {strides = array<i32>} : memref<125x16xf32, #tpu.memory_space<vmem>>, vector<1x16xf32>,
    %swap3A_841 = vector.shape_cast %swap3A_840 : vector<1x16xf32> to vector<16xf32>
    %swap3A_842 = vector.shape_cast %broadcast_in_dim3A_3 : vector<16xf32> to vector<1x16xf32>
    tpu.vector_store %arg8[%swap3A_838, %swap3A_839], %swap3A_842 {strides = array<i32>} : memref<125x16xf32, #tpu.memory_space<vmem>>, vector<1x16xf32>,
    %swap3A_843 = arith.constant 124 : i32
    %swap3A_844 = arith.index_cast %swap3A_843 : i32 to index
    %swap3A_845 = arith.constant 0 : index
    %swap3A_846 = tpu.vector_load %arg8[%swap3A_844, %swap3A_845] {strides = array<i32>} : memref<125x16xf32, #tpu.memory_space<vmem>>, vector<1x16xf32>,
    %swap3A_847 = vector.shape_cast %swap3A_846 : vector<1x16xf32> to vector<16xf32>
    %swap3A_848 = vector.shape_cast %broadcast_in_dim3A_3 : vector<16xf32> to vector<1x16xf32>
    tpu.vector_store %arg8[%swap3A_844, %swap3A_845], %swap3A_848 {strides = array<i32>} : memref<125x16xf32, #tpu.memory_space<vmem>>, vector<1x16xf32>,
    %mul3A_849 = arith.constant 624 : i32
    %mul3A_850 = arith.muli %arg1, %mul3A_849 : i32
    %scan3A = arith.constant 0 : i32
    %scan3A_851 = arith.constant 39 : i32
    %scan3A_852 = arith.addi %scan3A, %scan3A_851 : i32
    %scan3A_853 = arith.constant 1 : i32
    scf.for %scan3A_890 = %scan3A to %scan3A_852 step %scan3A_853  : i32 {
      %mul3A_891 = arith.constant 16 : i32
      %mul3A_892 = arith.muli %scan3A_890, %mul3A_891 : i32
      %add3A_893 = arith.addi %mul3A_850, %mul3A_892 : i32
      %multiple_of3A_894 = tpu.assume_multiple %add3A_893, 8 : i32
      "tpu.region"() ({
        %run_scoped3A = tpu.sem_alloc : memref<!tpu.dma_semaphore, #tpu.memory_space<semaphore_mem>>
        %dma_start3A_895 = arith.constant 0 : i32
        %dma_start3A_896 = tpu.memref_slice %arg10[%multiple_of3A_894, %dma_start3A_895] : memref<10000x16xf32, #tpu.memory_space<vmem_shared>> -> memref<16x16xf32, #tpu.memory_space<vmem_shared>>
        %dma_start3A_897 = arith.constant 0 : i32
        %dma_start3A_898 = tpu.memref_slice %arg10[%multiple_of3A_894, %dma_start3A_897] : memref<10000x16xf32, #tpu.memory_space<vmem_shared>> -> memref<16x16xf32, #tpu.memory_space<vmem_shared>>
        tpu.enqueue_dma source(%arg9 : memref<16x16xf32, #tpu.memory_space<vmem>>) target(%dma_start3A_898 : memref<16x16xf32, #tpu.memory_space<vmem_shared>>) target_semaphore(%run_scoped3A : memref<!tpu.dma_semaphore, #tpu.memory_space<semaphore_mem>>)
        %dma_wait3A = arith.constant 0 : i32
        %dma_wait3A_899 = tpu.memref_slice %arg10[%multiple_of3A_894, %dma_wait3A] : memref<10000x16xf32, #tpu.memory_space<vmem_shared>> -> memref<16x16xf32, #tpu.memory_space<vmem_shared>>
        %dma_wait3A_900 = arith.constant 0 : i32
        %dma_wait3A_901 = tpu.memref_slice %arg10[%multiple_of3A_894, %dma_wait3A_900] : memref<10000x16xf32, #tpu.memory_space<vmem_shared>> -> memref<16x16xf32, #tpu.memory_space<vmem_shared>>
        tpu.wait_dma2 semaphore(%run_scoped3A : memref<!tpu.dma_semaphore, #tpu.memory_space<semaphore_mem>>) src(%arg9 : memref<16x16xf32, #tpu.memory_space<vmem>>) dst(%dma_wait3A_901 : memref<16x16xf32, #tpu.memory_space<vmem_shared>>)
        tpu.yield
      }) : () -> ()
      "tpu.region"() ({
        %run_scoped3A = tpu.sem_alloc : memref<!tpu.dma_semaphore, #tpu.memory_space<semaphore_mem>>
        %dma_start3A_895 = arith.constant 0 : i32
        %dma_start3A_896 = tpu.memref_slice %arg11[%multiple_of3A_894, %dma_start3A_895] : memref<10000x16xf32, #tpu.memory_space<vmem_shared>> -> memref<16x16xf32, #tpu.memory_space<vmem_shared>>
        %dma_start3A_897 = arith.constant 0 : i32
        %dma_start3A_898 = tpu.memref_slice %arg11[%multiple_of3A_894, %dma_start3A_897] : memref<10000x16xf32, #tpu.memory_space<vmem_shared>> -> memref<16x16xf32, #tpu.memory_space<vmem_shared>>
        tpu.enqueue_dma source(%arg9 : memref<16x16xf32, #tpu.memory_space<vmem>>) target(%dma_start3A_898 : memref<16x16xf32, #tpu.memory_space<vmem_shared>>) target_semaphore(%run_scoped3A : memref<!tpu.dma_semaphore, #tpu.memory_space<semaphore_mem>>)
        %dma_wait3A = arith.constant 0 : i32
        %dma_wait3A_899 = tpu.memref_slice %arg11[%multiple_of3A_894, %dma_wait3A] : memref<10000x16xf32, #tpu.memory_space<vmem_shared>> -> memref<16x16xf32, #tpu.memory_space<vmem_shared>>
        %dma_wait3A_900 = arith.constant 0 : i32
        %dma_wait3A_901 = tpu.memref_slice %arg11[%multiple_of3A_894, %dma_wait3A_900] : memref<10000x16xf32, #tpu.memory_space<vmem_shared>> -> memref<16x16xf32, #tpu.memory_space<vmem_shared>>
        tpu.wait_dma2 semaphore(%run_scoped3A : memref<!tpu.dma_semaphore, #tpu.memory_space<semaphore_mem>>) src(%arg9 : memref<16x16xf32, #tpu.memory_space<vmem>>) dst(%dma_wait3A_901 : memref<16x16xf32, #tpu.memory_space<vmem_shared>>)
        tpu.yield
      }) : () -> ()
    }
    %scan3A_854 = arith.constant 39 : i32
    %eq3A = arith.constant 15 : i32
    %eq3A_855 = arith.cmpi eq, %arg1, %eq3A : i32
    %convert_element_type3A = arith.extui %eq3A_855 : i1 to i32
    %cond3A = arith.constant 0 : i32
    %cond3A_856 = arith.cmpi ne, %convert_element_type3A, %cond3A : i32
    scf.if %cond3A_856 {
      "tpu.region"() ({
        %run_scoped3A = tpu.sem_alloc : memref<!tpu.dma_semaphore, #tpu.memory_space<semaphore_mem>>
        %dma_start3A_890 = arith.constant 9984 : i32
        %dma_start3A_891 = arith.constant 0 : i32
        %dma_start3A_892 = tpu.memref_slice %arg10[%dma_start3A_890, %dma_start3A_891] : memref<10000x16xf32, #tpu.memory_space<vmem_shared>> -> memref<16x16xf32, #tpu.memory_space<vmem_shared>>
        %dma_start3A_893 = arith.constant 9984 : i32
        %dma_start3A_894 = arith.constant 0 : i32
        %dma_start3A_895 = tpu.memref_slice %arg10[%dma_start3A_893, %dma_start3A_894] : memref<10000x16xf32, #tpu.memory_space<vmem_shared>> -> memref<16x16xf32, #tpu.memory_space<vmem_shared>>
        tpu.enqueue_dma source(%arg9 : memref<16x16xf32, #tpu.memory_space<vmem>>) target(%dma_start3A_895 : memref<16x16xf32, #tpu.memory_space<vmem_shared>>) target_semaphore(%run_scoped3A : memref<!tpu.dma_semaphore, #tpu.memory_space<semaphore_mem>>)
        %dma_wait3A = arith.constant 9984 : i32
        %dma_wait3A_896 = arith.constant 0 : i32
        %dma_wait3A_897 = tpu.memref_slice %arg10[%dma_wait3A, %dma_wait3A_896] : memref<10000x16xf32, #tpu.memory_space<vmem_shared>> -> memref<16x16xf32, #tpu.memory_space<vmem_shared>>
        %dma_wait3A_898 = arith.constant 9984 : i32
        %dma_wait3A_899 = arith.constant 0 : i32
        %dma_wait3A_900 = tpu.memref_slice %arg10[%dma_wait3A_898, %dma_wait3A_899] : memref<10000x16xf32, #tpu.memory_space<vmem_shared>> -> memref<16x16xf32, #tpu.memory_space<vmem_shared>>
        tpu.wait_dma2 semaphore(%run_scoped3A : memref<!tpu.dma_semaphore, #tpu.memory_space<semaphore_mem>>) src(%arg9 : memref<16x16xf32, #tpu.memory_space<vmem>>) dst(%dma_wait3A_900 : memref<16x16xf32, #tpu.memory_space<vmem_shared>>)
        tpu.yield
      }) : () -> ()
      "tpu.region"() ({
        %run_scoped3A = tpu.sem_alloc : memref<!tpu.dma_semaphore, #tpu.memory_space<semaphore_mem>>
        %dma_start3A_890 = arith.constant 9984 : i32
        %dma_start3A_891 = arith.constant 0 : i32
        %dma_start3A_892 = tpu.memref_slice %arg11[%dma_start3A_890, %dma_start3A_891] : memref<10000x16xf32, #tpu.memory_space<vmem_shared>> -> memref<16x16xf32, #tpu.memory_space<vmem_shared>>
        %dma_start3A_893 = arith.constant 9984 : i32
        %dma_start3A_894 = arith.constant 0 : i32
        %dma_start3A_895 = tpu.memref_slice %arg11[%dma_start3A_893, %dma_start3A_894] : memref<10000x16xf32, #tpu.memory_space<vmem_shared>> -> memref<16x16xf32, #tpu.memory_space<vmem_shared>>
        tpu.enqueue_dma source(%arg9 : memref<16x16xf32, #tpu.memory_space<vmem>>) target(%dma_start3A_895 : memref<16x16xf32, #tpu.memory_space<vmem_shared>>) target_semaphore(%run_scoped3A : memref<!tpu.dma_semaphore, #tpu.memory_space<semaphore_mem>>)
        %dma_wait3A = arith.constant 9984 : i32
        %dma_wait3A_896 = arith.constant 0 : i32
        %dma_wait3A_897 = tpu.memref_slice %arg11[%dma_wait3A, %dma_wait3A_896] : memref<10000x16xf32, #tpu.memory_space<vmem_shared>> -> memref<16x16xf32, #tpu.memory_space<vmem_shared>>
        %dma_wait3A_898 = arith.constant 9984 : i32
        %dma_wait3A_899 = arith.constant 0 : i32
        %dma_wait3A_900 = tpu.memref_slice %arg11[%dma_wait3A_898, %dma_wait3A_899] : memref<10000x16xf32, #tpu.memory_space<vmem_shared>> -> memref<16x16xf32, #tpu.memory_space<vmem_shared>>
        tpu.wait_dma2 semaphore(%run_scoped3A : memref<!tpu.dma_semaphore, #tpu.memory_space<semaphore_mem>>) src(%arg9 : memref<16x16xf32, #tpu.memory_space<vmem>>) dst(%dma_wait3A_900 : memref<16x16xf32, #tpu.memory_space<vmem_shared>>)
        tpu.yield
      }) : () -> ()
    } else {
    }
    %barrier3A = arith.constant 0 : index
    tpu.barrier barrier_id(%barrier3A)
    %mul3A_857 = arith.constant 80 : i32
    %mul3A_858 = arith.muli %add3A, %mul3A_857 : i32
    %mul3A_859 = arith.constant 10000 : i32
    %mul3A_860 = arith.muli %add3A, %mul3A_859 : i32
    %rem3A = arith.constant 0 : i32
    %rem3A_861 = arith.constant 2 : i32
    %rem3A_862 = arith.remsi %rem3A, %rem3A_861 : i32
    %add3A_863 = arith.constant 0 : i32
    %add3A_864 = arith.addi %mul3A_858, %add3A_863 : i32
    %add3A_865 = arith.constant 0 : i32
    %add3A_866 = arith.addi %mul3A_860, %add3A_865 : i32
    "tpu.region"() ({
      %run_scoped3A = tpu.sem_alloc : memref<!tpu.dma_semaphore, #tpu.memory_space<semaphore_mem>>
      %dma_start3A_890 = arith.constant 0 : i32
      %dma_start3A_891 = tpu.memref_slice %arg6[%rem3A_862, %dma_start3A_890] : memref<2x125xi32, #tpu.memory_space<vmem>> -> memref<1x125xi32, #tpu.memory_space<vmem>>
      %dma_start3A_892 = arith.constant 0 : i32
      %dma_start3A_893 = tpu.memref_slice %arg2[%add3A_864, %dma_start3A_892] : memref<2560x125xi32, #tpu.memory_space<hbm>> -> memref<1x125xi32, #tpu.memory_space<hbm>>
      %dma_start3A_894 = arith.constant 0 : i32
      %dma_start3A_895 = tpu.memref_slice %arg6[%rem3A_862, %dma_start3A_894] : memref<2x125xi32, #tpu.memory_space<vmem>> -> memref<1x125xi32, #tpu.memory_space<vmem>>
      %dma_start3A_896 = arith.constant 0 : i32
      %dma_start3A_897 = tpu.memref_slice %arg2[%add3A_864, %dma_start3A_896] : memref<2560x125xi32, #tpu.memory_space<hbm>> -> memref<1x125xi32, #tpu.memory_space<hbm>>
      tpu.enqueue_dma source(%dma_start3A_897 : memref<1x125xi32, #tpu.memory_space<hbm>>) target(%dma_start3A_895 : memref<1x125xi32, #tpu.memory_space<vmem>>) target_semaphore(%run_scoped3A : memref<!tpu.dma_semaphore, #tpu.memory_space<semaphore_mem>>)
      %dma_wait3A = arith.constant 0 : i32
      %dma_wait3A_898 = tpu.memref_slice %arg6[%rem3A_862, %dma_wait3A] : memref<2x125xi32, #tpu.memory_space<vmem>> -> memref<1x125xi32, #tpu.memory_space<vmem>>
      %dma_wait3A_899 = arith.constant 0 : i32
      %dma_wait3A_900 = tpu.memref_slice %arg2[%add3A_864, %dma_wait3A_899] : memref<2560x125xi32, #tpu.memory_space<hbm>> -> memref<1x125xi32, #tpu.memory_space<hbm>>
      %dma_wait3A_901 = arith.constant 0 : i32
      %dma_wait3A_902 = tpu.memref_slice %arg6[%rem3A_862, %dma_wait3A_901] : memref<2x125xi32, #tpu.memory_space<vmem>> -> memref<1x125xi32, #tpu.memory_space<vmem>>
      %dma_wait3A_903 = arith.constant 0 : i32
      %dma_wait3A_904 = tpu.memref_slice %arg2[%add3A_864, %dma_wait3A_903] : memref<2560x125xi32, #tpu.memory_space<hbm>> -> memref<1x125xi32, #tpu.memory_space<hbm>>
      tpu.wait_dma2 semaphore(%run_scoped3A : memref<!tpu.dma_semaphore, #tpu.memory_space<semaphore_mem>>) src(%dma_wait3A_904 : memref<1x125xi32, #tpu.memory_space<hbm>>) dst(%dma_wait3A_902 : memref<1x125xi32, #tpu.memory_space<vmem>>)
      tpu.yield
    }) : () -> ()
    %mul3A_867 = arith.constant 125 : i32
    %mul3A_868 = arith.muli %rem3A_862, %mul3A_867 : i32
    %dma_start3A = arith.constant 0 : i32
    %dma_start3A_869 = tpu.memref_slice %arg7[%mul3A_868, %dma_start3A] : memref<250x16xf32, #tpu.memory_space<vmem>> -> memref<125x16xf32, #tpu.memory_space<vmem>>
    %dma_start3A_870 = arith.constant 0 : i32
    %dma_start3A_871 = tpu.memref_slice %arg3[%add3A_866, %dma_start3A_870] : memref<320000x16xf32, #tpu.memory_space<hbm>> -> memref<125x16xf32, #tpu.memory_space<hbm>>
    %dma_start3A_872 = arith.constant 0 : i32
    %dma_start3A_873 = tpu.memref_slice %arg7[%mul3A_868, %dma_start3A_872] : memref<250x16xf32, #tpu.memory_space<vmem>> -> memref<125x16xf32, #tpu.memory_space<vmem>>
    %dma_start3A_874 = arith.constant 0 : i32
    %dma_start3A_875 = tpu.memref_slice %arg3[%add3A_866, %dma_start3A_874] : memref<320000x16xf32, #tpu.memory_space<hbm>> -> memref<125x16xf32, #tpu.memory_space<hbm>>
    tpu.enqueue_dma source(%dma_start3A_875 : memref<125x16xf32, #tpu.memory_space<hbm>>) target(%dma_start3A_873 : memref<125x16xf32, #tpu.memory_space<vmem>>) target_semaphore(%arg12 : memref<!tpu.dma_semaphore, #tpu.memory_space<semaphore_mem>>)
    %scan3A_876 = arith.constant 0 : i32
    %scan3A_877 = arith.constant 80 : i32
    %scan3A_878 = arith.addi %scan3A_876, %scan3A_877 : i32
    %scan3A_879 = arith.constant 1 : i32
    scf.for %scan3A_890 = %scan3A_876 to %scan3A_878 step %scan3A_879  : i32 {
      %add3A_891 = arith.constant 1 : i32
      %add3A_892 = arith.addi %scan3A_890, %add3A_891 : i32
      %lt3A = arith.constant 80 : i32
      %lt3A_893 = arith.cmpi slt, %add3A_892, %lt3A : i32
      %convert_element_type3A_894 = arith.extui %lt3A_893 : i1 to i32
      %cond3A_895 = arith.constant 0 : i32
      %cond3A_896 = arith.cmpi ne, %convert_element_type3A_894, %cond3A_895 : i32
      scf.if %cond3A_896 {
        %add3A_913 = arith.constant 1 : i32
        %add3A_914 = arith.addi %scan3A_890, %add3A_913 : i32
        %rem3A_915 = arith.constant 2 : i32
        %rem3A_916 = arith.remsi %add3A_914, %rem3A_915 : i32
        %add3A_917 = arith.addi %mul3A_858, %add3A_914 : i32
        %mul3A_918 = arith.constant 125 : i32
        %mul3A_919 = arith.muli %add3A_914, %mul3A_918 : i32
        %add3A_920 = arith.addi %mul3A_860, %mul3A_919 : i32
        "tpu.region"() ({
          %run_scoped3A = tpu.sem_alloc : memref<!tpu.dma_semaphore, #tpu.memory_space<semaphore_mem>>
          %dma_start3A_931 = arith.constant 0 : i32
          %dma_start3A_932 = tpu.memref_slice %arg6[%rem3A_916, %dma_start3A_931] : memref<2x125xi32, #tpu.memory_space<vmem>> -> memref<1x125xi32, #tpu.memory_space<vmem>>
          %dma_start3A_933 = arith.constant 0 : i32
          %dma_start3A_934 = tpu.memref_slice %arg2[%add3A_917, %dma_start3A_933] : memref<2560x125xi32, #tpu.memory_space<hbm>> -> memref<1x125xi32, #tpu.memory_space<hbm>>
          %dma_start3A_935 = arith.constant 0 : i32
          %dma_start3A_936 = tpu.memref_slice %arg6[%rem3A_916, %dma_start3A_935] : memref<2x125xi32, #tpu.memory_space<vmem>> -> memref<1x125xi32, #tpu.memory_space<vmem>>
          %dma_start3A_937 = arith.constant 0 : i32
          %dma_start3A_938 = tpu.memref_slice %arg2[%add3A_917, %dma_start3A_937] : memref<2560x125xi32, #tpu.memory_space<hbm>> -> memref<1x125xi32, #tpu.memory_space<hbm>>
          tpu.enqueue_dma source(%dma_start3A_938 : memref<1x125xi32, #tpu.memory_space<hbm>>) target(%dma_start3A_936 : memref<1x125xi32, #tpu.memory_space<vmem>>) target_semaphore(%run_scoped3A : memref<!tpu.dma_semaphore, #tpu.memory_space<semaphore_mem>>)
          %dma_wait3A_939 = arith.constant 0 : i32
          %dma_wait3A_940 = tpu.memref_slice %arg6[%rem3A_916, %dma_wait3A_939] : memref<2x125xi32, #tpu.memory_space<vmem>> -> memref<1x125xi32, #tpu.memory_space<vmem>>
          %dma_wait3A_941 = arith.constant 0 : i32
          %dma_wait3A_942 = tpu.memref_slice %arg2[%add3A_917, %dma_wait3A_941] : memref<2560x125xi32, #tpu.memory_space<hbm>> -> memref<1x125xi32, #tpu.memory_space<hbm>>
          %dma_wait3A_943 = arith.constant 0 : i32
          %dma_wait3A_944 = tpu.memref_slice %arg6[%rem3A_916, %dma_wait3A_943] : memref<2x125xi32, #tpu.memory_space<vmem>> -> memref<1x125xi32, #tpu.memory_space<vmem>>
          %dma_wait3A_945 = arith.constant 0 : i32
          %dma_wait3A_946 = tpu.memref_slice %arg2[%add3A_917, %dma_wait3A_945] : memref<2560x125xi32, #tpu.memory_space<hbm>> -> memref<1x125xi32, #tpu.memory_space<hbm>>
          tpu.wait_dma2 semaphore(%run_scoped3A : memref<!tpu.dma_semaphore, #tpu.memory_space<semaphore_mem>>) src(%dma_wait3A_946 : memref<1x125xi32, #tpu.memory_space<hbm>>) dst(%dma_wait3A_944 : memref<1x125xi32, #tpu.memory_space<vmem>>)
          tpu.yield
        }) : () -> ()
        %mul3A_921 = arith.constant 125 : i32
        %mul3A_922 = arith.muli %rem3A_916, %mul3A_921 : i32
        %dma_start3A_923 = arith.constant 0 : i32
        %dma_start3A_924 = tpu.memref_slice %arg7[%mul3A_922, %dma_start3A_923] : memref<250x16xf32, #tpu.memory_space<vmem>> -> memref<125x16xf32, #tpu.memory_space<vmem>>
        %dma_start3A_925 = arith.constant 0 : i32
        %dma_start3A_926 = tpu.memref_slice %arg3[%add3A_920, %dma_start3A_925] : memref<320000x16xf32, #tpu.memory_space<hbm>> -> memref<125x16xf32, #tpu.memory_space<hbm>>
        %dma_start3A_927 = arith.constant 0 : i32
        %dma_start3A_928 = tpu.memref_slice %arg7[%mul3A_922, %dma_start3A_927] : memref<250x16xf32, #tpu.memory_space<vmem>> -> memref<125x16xf32, #tpu.memory_space<vmem>>
        %dma_start3A_929 = arith.constant 0 : i32
        %dma_start3A_930 = tpu.memref_slice %arg3[%add3A_920, %dma_start3A_929] : memref<320000x16xf32, #tpu.memory_space<hbm>> -> memref<125x16xf32, #tpu.memory_space<hbm>>
        tpu.enqueue_dma source(%dma_start3A_930 : memref<125x16xf32, #tpu.memory_space<hbm>>) target(%dma_start3A_928 : memref<125x16xf32, #tpu.memory_space<vmem>>) target_semaphore(%arg12 : memref<!tpu.dma_semaphore, #tpu.memory_space<semaphore_mem>>)
      } else {
      }
      %rem3A_897 = arith.constant 2 : i32
      %rem3A_898 = arith.remsi %scan3A_890, %rem3A_897 : i32
      %mul3A_899 = arith.constant 125 : i32
      %mul3A_900 = arith.muli %scan3A_890, %mul3A_899 : i32
      %add3A_901 = arith.addi %mul3A_860, %mul3A_900 : i32
      %mul3A_902 = arith.constant 125 : i32
      %mul3A_903 = arith.muli %rem3A_898, %mul3A_902 : i32
      %dma_wait3A = arith.constant 0 : i32
      %dma_wait3A_904 = tpu.memref_slice %arg7[%mul3A_903, %dma_wait3A] : memref<250x16xf32, #tpu.memory_space<vmem>> -> memref<125x16xf32, #tpu.memory_space<vmem>>
      %dma_wait3A_905 = arith.constant 0 : i32
      %dma_wait3A_906 = tpu.memref_slice %arg3[%add3A_901, %dma_wait3A_905] : memref<320000x16xf32, #tpu.memory_space<hbm>> -> memref<125x16xf32, #tpu.memory_space<hbm>>
      %dma_wait3A_907 = arith.constant 0 : i32
      %dma_wait3A_908 = tpu.memref_slice %arg7[%mul3A_903, %dma_wait3A_907] : memref<250x16xf32, #tpu.memory_space<vmem>> -> memref<125x16xf32, #tpu.memory_space<vmem>>
      %dma_wait3A_909 = arith.constant 0 : i32
      %dma_wait3A_910 = tpu.memref_slice %arg3[%add3A_901, %dma_wait3A_909] : memref<320000x16xf32, #tpu.memory_space<hbm>> -> memref<125x16xf32, #tpu.memory_space<hbm>>
      tpu.wait_dma2 semaphore(%arg12 : memref<!tpu.dma_semaphore, #tpu.memory_space<semaphore_mem>>) src(%dma_wait3A_910 : memref<125x16xf32, #tpu.memory_space<hbm>>) dst(%dma_wait3A_908 : memref<125x16xf32, #tpu.memory_space<vmem>>)
      %mul3A_911 = arith.constant 125 : i32
      %mul3A_912 = arith.muli %rem3A_898, %mul3A_911 : i32
      "tpu.region"() ({
        %run_scoped3A = tpu.sem_alloc : memref<!tpu.dma_semaphore, #tpu.memory_space<semaphore_mem>>
        %dma_start3A_913 = arith.constant 0 : i32
        %dma_start3A_914 = tpu.memref_slice %arg7[%mul3A_912, %dma_start3A_913] : memref<250x16xf32, #tpu.memory_space<vmem>> -> memref<125x16xf32, #tpu.memory_space<vmem>>
        %dma_start3A_915 = arith.constant 0 : i32
        %dma_start3A_916 = tpu.memref_slice %arg6[%rem3A_898, %dma_start3A_915] : memref<2x125xi32, #tpu.memory_space<vmem>> -> memref<1x125xi32, #tpu.memory_space<vmem>>
        %dma_start3A_917 = tpu.memref_squeeze %dma_start3A_916 : memref<1x125xi32, #tpu.memory_space<vmem>> -> memref<125xi32, #tpu.memory_space<vmem>>
        %dma_start3A_918 = arith.constant 0 : i32
        %dma_start3A_919 = arith.constant 0 : i32
        %dma_start3A_920 = tpu.memref_slice %arg10[%dma_start3A_918, %dma_start3A_919] : memref<10000x16xf32, #tpu.memory_space<vmem_shared>> -> memref<10000x16xf32, #tpu.memory_space<vmem_shared>>
        tpu.enqueue_indirect_dma source(%dma_start3A_914 : memref<125x16xf32, #tpu.memory_space<vmem>>) target(%dma_start3A_920 : memref<10000x16xf32, #tpu.memory_space<vmem_shared>>) offsets(%dma_start3A_917 : memref<125xi32, #tpu.memory_space<vmem>>) semaphore(%run_scoped3A : memref<!tpu.dma_semaphore, #tpu.memory_space<semaphore_mem>>) {add = true}
        %dma_wait3A_921 = arith.constant 0 : i32
        %dma_wait3A_922 = tpu.memref_slice %arg7[%mul3A_912, %dma_wait3A_921] : memref<250x16xf32, #tpu.memory_space<vmem>> -> memref<125x16xf32, #tpu.memory_space<vmem>>
        %dma_wait3A_923 = arith.constant 0 : i32
        %dma_wait3A_924 = tpu.memref_slice %arg6[%rem3A_898, %dma_wait3A_923] : memref<2x125xi32, #tpu.memory_space<vmem>> -> memref<1x125xi32, #tpu.memory_space<vmem>>
        %dma_wait3A_925 = tpu.memref_squeeze %dma_wait3A_924 : memref<1x125xi32, #tpu.memory_space<vmem>> -> memref<125xi32, #tpu.memory_space<vmem>>
        %dma_wait3A_926 = arith.constant 0 : i32
        %dma_wait3A_927 = arith.constant 0 : i32
        %dma_wait3A_928 = tpu.memref_slice %arg10[%dma_wait3A_926, %dma_wait3A_927] : memref<10000x16xf32, #tpu.memory_space<vmem_shared>> -> memref<10000x16xf32, #tpu.memory_space<vmem_shared>>
        tpu.wait_indirect_dma semaphore(%run_scoped3A : memref<!tpu.dma_semaphore, #tpu.memory_space<semaphore_mem>>) src(%dma_wait3A_922 : memref<125x16xf32, #tpu.memory_space<vmem>>) dst(%dma_wait3A_928 : memref<10000x16xf32, #tpu.memory_space<vmem_shared>>)
        tpu.yield
      }) : () -> ()
      "tpu.region"() ({
        %run_scoped3A = tpu.sem_alloc : memref<!tpu.dma_semaphore, #tpu.memory_space<semaphore_mem>>
        %dma_start3A_913 = arith.constant 0 : i32
        %dma_start3A_914 = tpu.memref_slice %arg6[%rem3A_898, %dma_start3A_913] : memref<2x125xi32, #tpu.memory_space<vmem>> -> memref<1x125xi32, #tpu.memory_space<vmem>>
        %dma_start3A_915 = tpu.memref_squeeze %dma_start3A_914 : memref<1x125xi32, #tpu.memory_space<vmem>> -> memref<125xi32, #tpu.memory_space<vmem>>
        %dma_start3A_916 = arith.constant 0 : i32
        %dma_start3A_917 = arith.constant 0 : i32
        %dma_start3A_918 = tpu.memref_slice %arg11[%dma_start3A_916, %dma_start3A_917] : memref<10000x16xf32, #tpu.memory_space<vmem_shared>> -> memref<10000x16xf32, #tpu.memory_space<vmem_shared>>
        tpu.enqueue_indirect_dma source(%arg8 : memref<125x16xf32, #tpu.memory_space<vmem>>) target(%dma_start3A_918 : memref<10000x16xf32, #tpu.memory_space<vmem_shared>>) offsets(%dma_start3A_915 : memref<125xi32, #tpu.memory_space<vmem>>) semaphore(%run_scoped3A : memref<!tpu.dma_semaphore, #tpu.memory_space<semaphore_mem>>) {add = true}
        %dma_wait3A_919 = arith.constant 0 : i32
        %dma_wait3A_920 = tpu.memref_slice %arg6[%rem3A_898, %dma_wait3A_919] : memref<2x125xi32, #tpu.memory_space<vmem>> -> memref<1x125xi32, #tpu.memory_space<vmem>>
        %dma_wait3A_921 = tpu.memref_squeeze %dma_wait3A_920 : memref<1x125xi32, #tpu.memory_space<vmem>> -> memref<125xi32, #tpu.memory_space<vmem>>
        %dma_wait3A_922 = arith.constant 0 : i32
        %dma_wait3A_923 = arith.constant 0 : i32
        %dma_wait3A_924 = tpu.memref_slice %arg11[%dma_wait3A_922, %dma_wait3A_923] : memref<10000x16xf32, #tpu.memory_space<vmem_shared>> -> memref<10000x16xf32, #tpu.memory_space<vmem_shared>>
        tpu.wait_indirect_dma semaphore(%run_scoped3A : memref<!tpu.dma_semaphore, #tpu.memory_space<semaphore_mem>>) src(%arg8 : memref<125x16xf32, #tpu.memory_space<vmem>>) dst(%dma_wait3A_924 : memref<10000x16xf32, #tpu.memory_space<vmem_shared>>)
        tpu.yield
      }) : () -> ()
    }
    %scan3A_880 = arith.constant 80 : i32
    %barrier3A_881 = arith.constant 0 : index
    tpu.barrier barrier_id(%barrier3A_881)
    %mul3A_882 = arith.constant 10000 : i32
    %mul3A_883 = arith.muli %arg0, %mul3A_882 : i32
    %add3A_884 = arith.addi %mul3A_883, %mul3A_850 : i32
    %multiple_of3A = tpu.assume_multiple %add3A_884, 8 : i32
    "tpu.region"() ({
      %run_scoped3A = tpu.sem_alloc : memref<!tpu.dma_semaphore, #tpu.memory_space<semaphore_mem>>
      %dma_start3A_890 = arith.constant 0 : i32
      %dma_start3A_891 = tpu.memref_slice %arg4[%multiple_of3A, %dma_start3A_890] : memref<20000x16xf32, #tpu.memory_space<hbm>> -> memref<624x16xf32, #tpu.memory_space<hbm>>
      %dma_start3A_892 = arith.constant 0 : i32
      %dma_start3A_893 = tpu.memref_slice %arg10[%mul3A_850, %dma_start3A_892] : memref<10000x16xf32, #tpu.memory_space<vmem_shared>> -> memref<624x16xf32, #tpu.memory_space<vmem_shared>>
      tpu.enqueue_dma source(%dma_start3A_893 : memref<624x16xf32, #tpu.memory_space<vmem_shared>>) target(%dma_start3A_891 : memref<624x16xf32, #tpu.memory_space<hbm>>) target_semaphore(%run_scoped3A : memref<!tpu.dma_semaphore, #tpu.memory_space<semaphore_mem>>)
      %dma_wait3A = arith.constant 0 : i32
      %dma_wait3A_894 = tpu.memref_slice %arg4[%multiple_of3A, %dma_wait3A] : memref<20000x16xf32, #tpu.memory_space<hbm>> -> memref<624x16xf32, #tpu.memory_space<hbm>>
      %dma_wait3A_895 = arith.constant 0 : i32
      %dma_wait3A_896 = tpu.memref_slice %arg10[%mul3A_850, %dma_wait3A_895] : memref<10000x16xf32, #tpu.memory_space<vmem_shared>> -> memref<624x16xf32, #tpu.memory_space<vmem_shared>>
      tpu.wait_dma2 semaphore(%run_scoped3A : memref<!tpu.dma_semaphore, #tpu.memory_space<semaphore_mem>>) src(%dma_wait3A_896 : memref<624x16xf32, #tpu.memory_space<vmem_shared>>) dst(%dma_wait3A_894 : memref<624x16xf32, #tpu.memory_space<hbm>>)
      tpu.yield
    }) : () -> ()
    "tpu.region"() ({
      %run_scoped3A = tpu.sem_alloc : memref<!tpu.dma_semaphore, #tpu.memory_space<semaphore_mem>>
      %dma_start3A_890 = arith.constant 0 : i32
      %dma_start3A_891 = tpu.memref_slice %arg5[%multiple_of3A, %dma_start3A_890] : memref<20000x16xf32, #tpu.memory_space<hbm>> -> memref<624x16xf32, #tpu.memory_space<hbm>>
      %dma_start3A_892 = arith.constant 0 : i32
      %dma_start3A_893 = tpu.memref_slice %arg11[%mul3A_850, %dma_start3A_892] : memref<10000x16xf32, #tpu.memory_space<vmem_shared>> -> memref<624x16xf32, #tpu.memory_space<vmem_shared>>
      tpu.enqueue_dma source(%dma_start3A_893 : memref<624x16xf32, #tpu.memory_space<vmem_shared>>) target(%dma_start3A_891 : memref<624x16xf32, #tpu.memory_space<hbm>>) target_semaphore(%run_scoped3A : memref<!tpu.dma_semaphore, #tpu.memory_space<semaphore_mem>>)
      %dma_wait3A = arith.constant 0 : i32
      %dma_wait3A_894 = tpu.memref_slice %arg5[%multiple_of3A, %dma_wait3A] : memref<20000x16xf32, #tpu.memory_space<hbm>> -> memref<624x16xf32, #tpu.memory_space<hbm>>
      %dma_wait3A_895 = arith.constant 0 : i32
      %dma_wait3A_896 = tpu.memref_slice %arg11[%mul3A_850, %dma_wait3A_895] : memref<10000x16xf32, #tpu.memory_space<vmem_shared>> -> memref<624x16xf32, #tpu.memory_space<vmem_shared>>
      tpu.wait_dma2 semaphore(%run_scoped3A : memref<!tpu.dma_semaphore, #tpu.memory_space<semaphore_mem>>) src(%dma_wait3A_896 : memref<624x16xf32, #tpu.memory_space<vmem_shared>>) dst(%dma_wait3A_894 : memref<624x16xf32, #tpu.memory_space<hbm>>)
      tpu.yield
    }) : () -> ()
    %eq3A_885 = arith.constant 15 : i32
    %eq3A_886 = arith.cmpi eq, %arg1, %eq3A_885 : i32
    %convert_element_type3A_887 = arith.extui %eq3A_886 : i1 to i32
    %cond3A_888 = arith.constant 0 : i32
    %cond3A_889 = arith.cmpi ne, %convert_element_type3A_887, %cond3A_888 : i32
    scf.if %cond3A_889 {
      %mul3A_890 = arith.constant 10000 : i32
      %mul3A_891 = arith.muli %arg0, %mul3A_890 : i32
      %add3A_892 = arith.constant 9984 : i32
      %add3A_893 = arith.addi %mul3A_891, %add3A_892 : i32
      %multiple_of3A_894 = tpu.assume_multiple %add3A_893, 8 : i32
      "tpu.region"() ({
        %run_scoped3A = tpu.sem_alloc : memref<!tpu.dma_semaphore, #tpu.memory_space<semaphore_mem>>
        %dma_start3A_895 = arith.constant 0 : i32
        %dma_start3A_896 = tpu.memref_slice %arg4[%multiple_of3A_894, %dma_start3A_895] : memref<20000x16xf32, #tpu.memory_space<hbm>> -> memref<16x16xf32, #tpu.memory_space<hbm>>
        %dma_start3A_897 = arith.constant 9984 : i32
        %dma_start3A_898 = arith.constant 0 : i32
        %dma_start3A_899 = tpu.memref_slice %arg10[%dma_start3A_897, %dma_start3A_898] : memref<10000x16xf32, #tpu.memory_space<vmem_shared>> -> memref<16x16xf32, #tpu.memory_space<vmem_shared>>
        tpu.enqueue_dma source(%dma_start3A_899 : memref<16x16xf32, #tpu.memory_space<vmem_shared>>) target(%dma_start3A_896 : memref<16x16xf32, #tpu.memory_space<hbm>>) target_semaphore(%run_scoped3A : memref<!tpu.dma_semaphore, #tpu.memory_space<semaphore_mem>>)
        %dma_wait3A = arith.constant 0 : i32
        %dma_wait3A_900 = tpu.memref_slice %arg4[%multiple_of3A_894, %dma_wait3A] : memref<20000x16xf32, #tpu.memory_space<hbm>> -> memref<16x16xf32, #tpu.memory_space<hbm>>
        %dma_wait3A_901 = arith.constant 9984 : i32
        %dma_wait3A_902 = arith.constant 0 : i32
        %dma_wait3A_903 = tpu.memref_slice %arg10[%dma_wait3A_901, %dma_wait3A_902] : memref<10000x16xf32, #tpu.memory_space<vmem_shared>> -> memref<16x16xf32, #tpu.memory_space<vmem_shared>>
        tpu.wait_dma2 semaphore(%run_scoped3A : memref<!tpu.dma_semaphore, #tpu.memory_space<semaphore_mem>>) src(%dma_wait3A_903 : memref<16x16xf32, #tpu.memory_space<vmem_shared>>) dst(%dma_wait3A_900 : memref<16x16xf32, #tpu.memory_space<hbm>>)
        tpu.yield
      }) : () -> ()
      "tpu.region"() ({
        %run_scoped3A = tpu.sem_alloc : memref<!tpu.dma_semaphore, #tpu.memory_space<semaphore_mem>>
        %dma_start3A_895 = arith.constant 0 : i32
        %dma_start3A_896 = tpu.memref_slice %arg5[%multiple_of3A_894, %dma_start3A_895] : memref<20000x16xf32, #tpu.memory_space<hbm>> -> memref<16x16xf32, #tpu.memory_space<hbm>>
        %dma_start3A_897 = arith.constant 9984 : i32
        %dma_start3A_898 = arith.constant 0 : i32
        %dma_start3A_899 = tpu.memref_slice %arg11[%dma_start3A_897, %dma_start3A_898] : memref<10000x16xf32, #tpu.memory_space<vmem_shared>> -> memref<16x16xf32, #tpu.memory_space<vmem_shared>>
        tpu.enqueue_dma source(%dma_start3A_899 : memref<16x16xf32, #tpu.memory_space<vmem_shared>>) target(%dma_start3A_896 : memref<16x16xf32, #tpu.memory_space<hbm>>) target_semaphore(%run_scoped3A : memref<!tpu.dma_semaphore, #tpu.memory_space<semaphore_mem>>)
        %dma_wait3A = arith.constant 0 : i32
        %dma_wait3A_900 = tpu.memref_slice %arg5[%multiple_of3A_894, %dma_wait3A] : memref<20000x16xf32, #tpu.memory_space<hbm>> -> memref<16x16xf32, #tpu.memory_space<hbm>>
        %dma_wait3A_901 = arith.constant 9984 : i32
        %dma_wait3A_902 = arith.constant 0 : i32
        %dma_wait3A_903 = tpu.memref_slice %arg11[%dma_wait3A_901, %dma_wait3A_902] : memref<10000x16xf32, #tpu.memory_space<vmem_shared>> -> memref<16x16xf32, #tpu.memory_space<vmem_shared>>
        tpu.wait_dma2 semaphore(%run_scoped3A : memref<!tpu.dma_semaphore, #tpu.memory_space<semaphore_mem>>) src(%dma_wait3A_903 : memref<16x16xf32, #tpu.memory_space<vmem_shared>>) dst(%dma_wait3A_900 : memref<16x16xf32, #tpu.memory_space<hbm>>)
        tpu.yield
      }) : () -> ()
    } else {
    }
    return
  }
}

module attributes {stable_mosaic.version = 14 : i64} {
  func.func @_dense_body(%arg0: memref<2x10000x128xf32, #tpu.memory_space<vmem>>, %arg1: memref<2x10000x32xf32, #tpu.memory_space<vmem>>, %arg2: memref<10000x128xf32, #tpu.memory_space<vmem>>, %arg3: memref<32x128xf32, #tpu.memory_space<vmem>>, %arg4: memref<128x128xf32, #tpu.memory_space<vmem>>, %arg5: memref<128xf32, #tpu.memory_space<vmem>>, %arg6: memref<128x128xf32, #tpu.memory_space<vmem>>, %arg7: memref<128xf32, #tpu.memory_space<vmem>>, %arg8: memref<128xf32, #tpu.memory_space<vmem>>, %arg9: memref<128xf32, #tpu.memory_space<vmem>>, %arg10: memref<128xf32, #tpu.memory_space<vmem>>, %arg11: memref<128xf32, #tpu.memory_space<vmem>>, %arg12: memref<10000x128xf32, #tpu.memory_space<vmem>>) attributes {dimension_semantics = [], scalar_prefetch = 0 : i64, scratch_operands = 0 : i64, tpu.core_type = #tpu.core_type<tc>} {
    %get3A = arith.constant 0 : index
    %get3A_0 = arith.constant 0 : index
    %get3A_1 = arith.constant 0 : index
    %get3A_2 = vector.load %arg0[%get3A, %get3A_0, %get3A_1] : memref<2x10000x128xf32, #tpu.memory_space<vmem>>, vector<1x10000x128xf32>
    %get3A_3 = vector.shape_cast %get3A_2 : vector<1x10000x128xf32> to vector<10000x128xf32>
    %get3A_4 = arith.constant 1 : index
    %get3A_5 = arith.constant 0 : index
    %get3A_6 = arith.constant 0 : index
    %get3A_7 = vector.load %arg0[%get3A_4, %get3A_5, %get3A_6] : memref<2x10000x128xf32, #tpu.memory_space<vmem>>, vector<1x10000x128xf32>
    %get3A_8 = vector.shape_cast %get3A_7 : vector<1x10000x128xf32> to vector<10000x128xf32>
    %add3A = arith.addf %get3A_3, %get3A_8 : vector<10000x128xf32>
    %get3A_9 = arith.constant 0 : index
    %get3A_10 = arith.constant 0 : index
    %get3A_11 = arith.constant 0 : index
    %get3A_12 = vector.load %arg1[%get3A_9, %get3A_10, %get3A_11] : memref<2x10000x32xf32, #tpu.memory_space<vmem>>, vector<1x10000x32xf32>
    %get3A_13 = vector.shape_cast %get3A_12 : vector<1x10000x32xf32> to vector<10000x32xf32>
    %get3A_14 = arith.constant 1 : index
    %get3A_15 = arith.constant 0 : index
    %get3A_16 = arith.constant 0 : index
    %get3A_17 = vector.load %arg1[%get3A_14, %get3A_15, %get3A_16] : memref<2x10000x32xf32, #tpu.memory_space<vmem>>, vector<1x10000x32xf32>
    %get3A_18 = vector.shape_cast %get3A_17 : vector<1x10000x32xf32> to vector<10000x32xf32>
    %add3A_19 = arith.addf %get3A_13, %get3A_18 : vector<10000x32xf32>
    %get3A_20 = arith.constant 0 : index
    %get3A_21 = arith.constant 0 : index
    %get3A_22 = vector.load %arg3[%get3A_20, %get3A_21] : memref<32x128xf32, #tpu.memory_space<vmem>>, vector<32x128xf32>
    %dot_general3A = arith.constant dense<0.000000e+00> : vector<10000x128xf32>
    %dot_general3A_23 = tpu.matmul %add3A_19, %get3A_22, %dot_general3A {dimension_numbers = #tpu.dot_dimension_numbers<[1], [0], [0], [1], [0, 0, 1, 1], [], []>, transpose_lhs_hint = false} : vector<10000x32xf32>, vector<32x128xf32>, vector<10000x128xf32> -> vector<10000x128xf32>
    %get3A_24 = arith.constant 0 : index
    %get3A_25 = arith.constant 0 : index
    %get3A_26 = vector.load %arg4[%get3A_24, %get3A_25] : memref<128x128xf32, #tpu.memory_space<vmem>>, vector<128x128xf32>
    %dot_general3A_27 = arith.constant dense<0.000000e+00> : vector<10000x128xf32>
    %dot_general3A_28 = tpu.matmul %add3A, %get3A_26, %dot_general3A_27 {dimension_numbers = #tpu.dot_dimension_numbers<[1], [1], [0], [0], [0, 0, 1, 0], [], []>, transpose_lhs_hint = false} : vector<10000x128xf32>, vector<128x128xf32>, vector<10000x128xf32> -> vector<10000x128xf32>
    %get3A_29 = arith.constant 0 : index
    %get3A_30 = vector.load %arg5[%get3A_29] : memref<128xf32, #tpu.memory_space<vmem>>, vector<128xf32>
    %broadcast_in_dim3A = vector.shape_cast %get3A_30 : vector<128xf32> to vector<1x128xf32>
    %add3A_31 = vector.broadcast %broadcast_in_dim3A : vector<1x128xf32> to vector<10000x128xf32>
    %add3A_32 = arith.addf %dot_general3A_28, %add3A_31 : vector<10000x128xf32>
    %add3A_33 = arith.addf %add3A_32, %dot_general3A_23 : vector<10000x128xf32>
    %reduce_sum3A = arith.constant dense<0.000000e+00> : vector<128xf32>
    %reduce_sum3A_34 = vector.multi_reduction <add>, %add3A_33, %reduce_sum3A [0] : vector<10000x128xf32> to vector<128xf32>
    %div3A = arith.constant 1.000000e+04 : f32
    %div3A_35 = vector.broadcast %div3A : f32 to vector<128xf32>
    %div3A_36 = arith.divf %reduce_sum3A_34, %div3A_35 : vector<128xf32>
    %broadcast_in_dim3A_37 = vector.shape_cast %div3A_36 : vector<128xf32> to vector<1x128xf32>
    %sub3A = vector.broadcast %broadcast_in_dim3A_37 : vector<1x128xf32> to vector<10000x128xf32>
    %sub3A_38 = arith.subf %add3A_33, %sub3A : vector<10000x128xf32>
    %integer_pow3A = arith.mulf %sub3A_38, %sub3A_38 : vector<10000x128xf32>
    %reduce_sum3A_39 = arith.constant dense<0.000000e+00> : vector<128xf32>
    %reduce_sum3A_40 = vector.multi_reduction <add>, %integer_pow3A, %reduce_sum3A_39 [0] : vector<10000x128xf32> to vector<128xf32>
    %div3A_41 = arith.constant 1.000000e+04 : f32
    %div3A_42 = vector.broadcast %div3A_41 : f32 to vector<128xf32>
    %div3A_43 = arith.divf %reduce_sum3A_40, %div3A_42 : vector<128xf32>
    %broadcast_in_dim3A_44 = vector.shape_cast %div3A_36 : vector<128xf32> to vector<1x128xf32>
    %sub3A_45 = vector.broadcast %broadcast_in_dim3A_44 : vector<1x128xf32> to vector<10000x128xf32>
    %sub3A_46 = arith.subf %add3A_33, %sub3A_45 : vector<10000x128xf32>
    %add3A_47 = arith.constant 9.99999974E-6 : f32
    %add3A_48 = vector.broadcast %add3A_47 : f32 to vector<128xf32>
    %add3A_49 = arith.addf %div3A_43, %add3A_48 : vector<128xf32>
    %rsqrt3A = math.rsqrt %add3A_49 : vector<128xf32>
    %broadcast_in_dim3A_50 = vector.shape_cast %rsqrt3A : vector<128xf32> to vector<1x128xf32>
    %mul3A = vector.broadcast %broadcast_in_dim3A_50 : vector<1x128xf32> to vector<10000x128xf32>
    %mul3A_51 = arith.mulf %sub3A_46, %mul3A : vector<10000x128xf32>
    %get3A_52 = arith.constant 0 : index
    %get3A_53 = vector.load %arg8[%get3A_52] : memref<128xf32, #tpu.memory_space<vmem>>, vector<128xf32>
    %broadcast_in_dim3A_54 = vector.shape_cast %get3A_53 : vector<128xf32> to vector<1x128xf32>
    %mul3A_55 = vector.broadcast %broadcast_in_dim3A_54 : vector<1x128xf32> to vector<10000x128xf32>
    %mul3A_56 = arith.mulf %mul3A_51, %mul3A_55 : vector<10000x128xf32>
    %get3A_57 = arith.constant 0 : index
    %get3A_58 = vector.load %arg9[%get3A_57] : memref<128xf32, #tpu.memory_space<vmem>>, vector<128xf32>
    %broadcast_in_dim3A_59 = vector.shape_cast %get3A_58 : vector<128xf32> to vector<1x128xf32>
    %add3A_60 = vector.broadcast %broadcast_in_dim3A_59 : vector<1x128xf32> to vector<10000x128xf32>
    %add3A_61 = arith.addf %mul3A_56, %add3A_60 : vector<10000x128xf32>
    %max3A = arith.constant 0.000000e+00 : f32
    %max3A_62 = vector.broadcast %max3A : f32 to vector<10000x128xf32>
    %max3A_63 = arith.maximumf %add3A_61, %max3A_62 : vector<10000x128xf32>
    %get3A_64 = arith.constant 0 : index
    %get3A_65 = arith.constant 0 : index
    %get3A_66 = vector.load %arg6[%get3A_64, %get3A_65] : memref<128x128xf32, #tpu.memory_space<vmem>>, vector<128x128xf32>
    %dot_general3A_67 = arith.constant dense<0.000000e+00> : vector<10000x128xf32>
    %dot_general3A_68 = tpu.matmul %max3A_63, %get3A_66, %dot_general3A_67 {dimension_numbers = #tpu.dot_dimension_numbers<[1], [1], [0], [0], [0, 0, 1, 0], [], []>, transpose_lhs_hint = false} : vector<10000x128xf32>, vector<128x128xf32>, vector<10000x128xf32> -> vector<10000x128xf32>
    %get3A_69 = arith.constant 0 : index
    %get3A_70 = vector.load %arg7[%get3A_69] : memref<128xf32, #tpu.memory_space<vmem>>, vector<128xf32>
    %broadcast_in_dim3A_71 = vector.shape_cast %get3A_70 : vector<128xf32> to vector<1x128xf32>
    %add3A_72 = vector.broadcast %broadcast_in_dim3A_71 : vector<1x128xf32> to vector<10000x128xf32>
    %add3A_73 = arith.addf %dot_general3A_68, %add3A_72 : vector<10000x128xf32>
    %get3A_74 = arith.constant 0 : index
    %get3A_75 = arith.constant 0 : index
    %get3A_76 = vector.load %arg2[%get3A_74, %get3A_75] : memref<10000x128xf32, #tpu.memory_space<vmem>>, vector<10000x128xf32>
    %add3A_77 = arith.addf %add3A_73, %get3A_76 : vector<10000x128xf32>
    %reduce_sum3A_78 = arith.constant dense<0.000000e+00> : vector<128xf32>
    %reduce_sum3A_79 = vector.multi_reduction <add>, %add3A_77, %reduce_sum3A_78 [0] : vector<10000x128xf32> to vector<128xf32>
    %div3A_80 = arith.constant 1.000000e+04 : f32
    %div3A_81 = vector.broadcast %div3A_80 : f32 to vector<128xf32>
    %div3A_82 = arith.divf %reduce_sum3A_79, %div3A_81 : vector<128xf32>
    %broadcast_in_dim3A_83 = vector.shape_cast %div3A_82 : vector<128xf32> to vector<1x128xf32>
    %sub3A_84 = vector.broadcast %broadcast_in_dim3A_83 : vector<1x128xf32> to vector<10000x128xf32>
    %sub3A_85 = arith.subf %add3A_77, %sub3A_84 : vector<10000x128xf32>
    %integer_pow3A_86 = arith.mulf %sub3A_85, %sub3A_85 : vector<10000x128xf32>
    %reduce_sum3A_87 = arith.constant dense<0.000000e+00> : vector<128xf32>
    %reduce_sum3A_88 = vector.multi_reduction <add>, %integer_pow3A_86, %reduce_sum3A_87 [0] : vector<10000x128xf32> to vector<128xf32>
    %div3A_89 = arith.constant 1.000000e+04 : f32
    %div3A_90 = vector.broadcast %div3A_89 : f32 to vector<128xf32>
    %div3A_91 = arith.divf %reduce_sum3A_88, %div3A_90 : vector<128xf32>
    %broadcast_in_dim3A_92 = vector.shape_cast %div3A_82 : vector<128xf32> to vector<1x128xf32>
    %sub3A_93 = vector.broadcast %broadcast_in_dim3A_92 : vector<1x128xf32> to vector<10000x128xf32>
    %sub3A_94 = arith.subf %add3A_77, %sub3A_93 : vector<10000x128xf32>
    %add3A_95 = arith.constant 9.99999974E-6 : f32
    %add3A_96 = vector.broadcast %add3A_95 : f32 to vector<128xf32>
    %add3A_97 = arith.addf %div3A_91, %add3A_96 : vector<128xf32>
    %rsqrt3A_98 = math.rsqrt %add3A_97 : vector<128xf32>
    %broadcast_in_dim3A_99 = vector.shape_cast %rsqrt3A_98 : vector<128xf32> to vector<1x128xf32>
    %mul3A_100 = vector.broadcast %broadcast_in_dim3A_99 : vector<1x128xf32> to vector<10000x128xf32>
    %mul3A_101 = arith.mulf %sub3A_94, %mul3A_100 : vector<10000x128xf32>
    %get3A_102 = arith.constant 0 : index
    %get3A_103 = vector.load %arg10[%get3A_102] : memref<128xf32, #tpu.memory_space<vmem>>, vector<128xf32>
    %broadcast_in_dim3A_104 = vector.shape_cast %get3A_103 : vector<128xf32> to vector<1x128xf32>
    %mul3A_105 = vector.broadcast %broadcast_in_dim3A_104 : vector<1x128xf32> to vector<10000x128xf32>
    %mul3A_106 = arith.mulf %mul3A_101, %mul3A_105 : vector<10000x128xf32>
    %get3A_107 = arith.constant 0 : index
    %get3A_108 = vector.load %arg11[%get3A_107] : memref<128xf32, #tpu.memory_space<vmem>>, vector<128xf32>
    %broadcast_in_dim3A_109 = vector.shape_cast %get3A_108 : vector<128xf32> to vector<1x128xf32>
    %add3A_110 = vector.broadcast %broadcast_in_dim3A_109 : vector<1x128xf32> to vector<10000x128xf32>
    %add3A_111 = arith.addf %mul3A_106, %add3A_110 : vector<10000x128xf32>
    %max3A_112 = arith.constant 0.000000e+00 : f32
    %max3A_113 = vector.broadcast %max3A_112 : f32 to vector<10000x128xf32>
    %max3A_114 = arith.maximumf %add3A_111, %max3A_113 : vector<10000x128xf32>
    %swap3A = arith.constant 0 : index
    %swap3A_115 = arith.constant 0 : index
    %swap3A_116 = vector.load %arg12[%swap3A, %swap3A_115] : memref<10000x128xf32, #tpu.memory_space<vmem>>, vector<10000x128xf32>
    tpu.vector_store %arg12[%swap3A, %swap3A_115], %max3A_114 {strides = array<i32>} : memref<10000x128xf32, #tpu.memory_space<vmem>>, vector<10000x128xf32>,
    return
  }
}

</mosaic_0001>

<sc_bundles>
// kernel: kernel.5.cloned.1.call-start
scs
__scs_entry_jumppad:
0x0: {  	(pc) =	sbr.rel $0x88, $3  }
0x1: {  	(tag) =	ssettag $0x0;
	lr =	simm.s32 $0x1  }
0x2: {  	[smem:$0x3F94] =	sst lr;
	_ =	strace $0xD0000000  }
0x3: {  	_ = 	snop  }
0x4: {  	_ = 	snop  }
0x5: {  	_ = 	snop  }
0x6: {  	_ = 	snop  }
0x7: {  	_ = 	snop  }
__scs_overlays_trampoline_lowered:
0x8: {  	[smem:$0x3FA3] =	sst s0  }
0x9: {  	[smem:$0x3FA4] =	sst s1  }
0xa: {  	[smem:$0x3FA5] =	sst s2  }
0xb: {  	[smem:$0x3FA6] =	sst s3  }
0xc: {  	[smem:$0x3FA7] =	sst s4  }
0xd: {  	[smem:$0x3FA8] =	sst s5  }
0xe: {  	[smem:$0x3FA9] =	sst s6  }
0xf: {  	[smem:$0x3FAA] =	sst s7  }
0x10: {  	[smem:$0x3FAB] =	sst s8  }
0x11: {  	[smem:$0x3FAC] =	sst s9;
	s0 =	simm.s32 @!p0 $0x0  }
0x12: {  	s1 =	sld [smem:$0x3F92];
	s0 =	simm.s32 @p0 $0x1  }
0x13: {  	[smem:$0x3FAD] =	sst s0;
	s0 =	simm.s32 @!p1 $0x0  }
0x14: {  	s2 =	sld [smem:$0x3F91];
	s0 =	simm.s32 @p1 $0x1  }
0x15: {  	[smem:$0x3FAE] =	sst s0;
	s0 =	simm.s32 @!p2 $0x0  }
0x16: {  	s3 =	sld [smem:$0x3FDB];
	s0 =	simm.s32 @p2 $0x1  }
0x17: {  	s4 =	simm.s32 $0x1BF5;
	[smem:$0x3FB0] =	sst s0  }
0x18: {  	s0 =	sld [smem:$0x3F93];
	_ =	swait.ge [sflag:s4], $0x0  }
0x19: {  	s7 =	sld [smem:$0x3F94]  }
0x1a: {  	s8 =	sadd.s32 $0xFFFFE003, lr  }
0x1b: {  	s9 =	sadd.s32 $0xFFFFFEF7, lr;
	s5 =	simm.s32 $0xFFFFFFFF;
	p2 =	slt.u32 s8, $0xFFFFF086  }
0x1c: {  	p1 =	slt.u32 s9, $0xF7A;
	s5 =	simm.s32 @!p2 $0x0  }
0x1d: {  	s5 =	simm.s32 @p1 $0x1;
	p0 =	seq.s32 s7, s2  }
0x1e: {  	s7 =	smul.u32 @!p0 $0xF7A, s2;
	p2 =	seq.s32 @!p0 s5, $0x0  }
0x1f: {  	s9 =	smul.u32 $0xF7A, s1;
	s8 =	simm.s32 @!p0 $0x1BF5;
	p2 =	por !p2, p0  }
0x20: {  	[sflag:s8] =	ssyncset.s32 @!p0 $0xFFFFF086;
	s6 =	sadd.s32 @!p0 s3, s7;
	s7 =	simm.s32 @!p0 $0x108  }
0x21: {  	s3 =	sadd.s32 s3, s9;
	s6 =	sadd.s32 @!p0 $0x88, s6;
	s7 =	simm.s32 @p2 $0x1082  }
0x22: {  	[simem:s7], [sflag:s8] =	dma.local @!p0 [hbm:s6], $0xF7A  }
0x23: {  	s9 =	sor.u32 $0xD0000000, s2;
	s6 =	simm.s32 $0x108;
	_ =	swait.ge @!p0 [sflag:s8], $0x0  }
0x24: {  	s3 =	sadd.s32 $0x88, s3;
	s6 =	simm.s32 @!p1 $0x1082;
	[sflag:s4] =	ssyncset.s32 $0xFFFFF086  }
0x25: {  	[simem:s6], [sflag:s4] =	dma.local [hbm:s3], $0xF7A  }
0x26: {  	[smem:$0x3F94] =	sst s1;
	(tag) =	ssettag s2;
	_ =	strace s9  }
0x27: {  	s1 =	sld [smem:$0x3FA4]  }
0x28: {  	s2 =	sld [smem:$0x3FA5]  }
0x29: {  	s4 =	sld [smem:$0x3FA7]  }
0x2a: {  	p0 =	seq.s32 s5, $0x0;
	s5 =	sld [smem:$0x3FA8]  }
0x2b: {  	s6 =	sld [smem:$0x3FA9]  }
0x2c: {  	s7 =	sld [smem:$0x3FAA]  }
0x2d: {  	s3 =	simm.s32 $0x108;
	s8 =	sld [smem:$0x3FAB]  }
0x2e: {  	s3 =	simm.s32 @!p0 $0x1082;
	s9 =	sld [smem:$0x3FAC]  }
0x2f: {  	lr =	sadd.s32 s0, s3;
	s0 =	sld [smem:$0x3FA3]  }
0x30: {  	s3 =	sld [smem:$0x3FA6]  }
0x31: {  	[smem:$0x3FAF] =	sst s10  }
0x32: {  	s10 =	sld [smem:$0x3FAD];
	_ =	sdelay $0x3  }
0x33: {  	p0 =	seq.s32 s10, $0x1;
	s10 =	sld [smem:$0x3FAF];
	_ =	sdelay $0x3  }
0x34: {  	[smem:$0x3FAF] =	sst s10  }
0x35: {  	s10 =	sld [smem:$0x3FAE];
	_ =	sdelay $0x3  }
0x36: {  	p1 =	seq.s32 s10, $0x1;
	s10 =	sld [smem:$0x3FAF];
	_ =	sdelay $0x3  }
0x37: {  	[smem:$0x3FAF] =	sst s10  }
0x38: {  	s10 =	sld [smem:$0x3FB0]  }
0x39: {  	_ = 	snop;
	(pc) =	sbr.ind lr, $3  }
0x3a: {  	_ = 	snop  }
0x3b: {  	_ = 	snop  }
0x3c: {  	p2 =	seq.s32 s10, $0x1;
	s10 =	sld [smem:$0x3FAF]  }
0x3d: {  	_ =	shalt  }
0x3e: {  	_ =	shalt  }
0x3f: {  	_ =	shalt  }
0x40: {  	_ =	shalt  }
0x41: {  	_ =	shalt  }
0x42: {  	_ =	shalt  }
0x43: {  	_ =	shalt  }
0x44: {  	_ =	shalt  }
0x45: {  	_ =	shalt  }
0x46: {  	_ =	shalt  }
0x47: {  	_ =	shalt  }
0x48: {  	_ =	shalt  }
0x49: {  	_ =	shalt  }
0x4a: {  	_ =	shalt  }
0x4b: {  	_ =	shalt  }
0x4c: {  	_ =	shalt  }
0x4d: {  	_ =	shalt  }
0x4e: {  	_ =	shalt  }
0x4f: {  	_ =	shalt  }
0x50: {  	_ =	shalt  }
0x51: {  	_ =	shalt  }
0x52: {  	_ =	shalt  }
0x53: {  	_ =	shalt  }
0x54: {  	_ =	shalt  }
0x55: {  	_ =	shalt  }
0x56: {  	_ =	shalt  }
0x57: {  	_ =	shalt  }
0x58: {  	_ =	shalt  }
0x59: {  	_ =	shalt  }
0x5a: {  	_ =	shalt  }
0x5b: {  	_ =	shalt  }
0x5c: {  	_ =	shalt  }
0x5d: {  	_ =	shalt  }
0x5e: {  	_ =	shalt  }
0x5f: {  	_ =	shalt  }
0x60: {  	_ =	shalt  }
0x61: {  	_ =	shalt  }
0x62: {  	_ =	shalt  }
0x63: {  	_ =	shalt  }
0x64: {  	_ =	shalt  }
0x65: {  	_ =	shalt  }
0x66: {  	_ =	shalt  }
0x67: {  	_ =	shalt  }
0x68: {  	_ =	shalt  }
0x69: {  	_ =	shalt  }
0x6a: {  	_ =	shalt  }
0x6b: {  	_ =	shalt  }
0x6c: {  	_ =	shalt  }
0x6d: {  	_ =	shalt  }
0x6e: {  	_ =	shalt  }
0x6f: {  	_ =	shalt  }
0x70: {  	_ =	shalt  }
0x71: {  	_ =	shalt  }
0x72: {  	_ =	shalt  }
0x73: {  	_ =	shalt  }
0x74: {  	_ =	shalt  }
0x75: {  	_ =	shalt  }
0x76: {  	_ =	shalt  }
0x77: {  	_ =	shalt  }
0x78: {  	_ =	shalt  }
0x79: {  	_ =	shalt  }
0x7a: {  	_ =	shalt  }
0x7b: {  	_ =	shalt  }
0x7c: {  	_ =	shalt  }
0x7d: {  	_ =	shalt  }
0x7e: {  	_ =	shalt  }
0x7f: {  	_ =	shalt  }
0x80: {  	_ =	shalt  }
0x81: {  	_ =	shalt  }
0x82: {  	_ =	shalt  }
0x83: {  	_ =	shalt  }
0x84: {  	_ =	shalt  }
0x85: {  	_ =	shalt  }
0x86: {  	_ =	shalt  }
0x87: {  	_ =	shalt  }
.Lfunc_end0:
.L_simem_size_0:
called_computation_lowered:
.L_overlay_start_0:
0x88: {  	s2 =	sld [smem:$0x3FD9]  }
0x89: {  	s3 =	sld [smem:$0x3FFE];
	_ =	sdelay $0x1  }
0x8a: {  	s1 =	srdreg.scid  }
0x8b: {  	s0 =	sand.u32 $0x1, s1  }
0x8c: {  	s17 =	sshll.u32 s0, $0xA;
	s2 =	sadd.s32 s3, s2  }
0x8d: {  	s2 =	sadd.s32 s2, s17  }
0x8e: {  	[smem:$0x3FBB] =	sst s2  }
0x8f: {  	_ = 	snop  }
0x90: {  	s18 =	sld [smem:$0x3FC9]  }
0x91: {  	s4 =	sld [smem:$0x3FD0];
	(tm) =	ssettm $0x1  }
0x92: {  	s19 =	sld [smem:$0x3FFB];
	_ =	sdelay $0x3  }
0x93: {  	_ =	strace s19  }
0x94: {  	s2 =	sld [smem:$0x3FFC];
	_ =	sdelay $0x3  }
0x95: {  	_ =	strace s2  }
0x96: {  	s2 =	sld [smem:$0x3FFD];
	_ =	sdelay $0x3  }
0x97: {  	_ =	strace s2  }
0x98: {  	_ =	strace $0x8FFFFFFF  }
0x99: {  	s20 =	sld [smem:$0x3FDB];
	_ =	sdelay $0x1  }
0x9a: {  	s5 =	simm.s32 $_scs_section_size  }
0x9b: {  	s6 =	simm.s32 $_size__tile_overlayer_lowered;
	s7 =	simm.s32 $_tile_overlayer_lowered  }
0x9c: {  	s8 =	simm.s32 $0x1BFF;
	s21 =	sshll.u32 s7, $0x1;
	s5 =	sadd.s32 s5, s20  }
0x9d: {  	s22 =	simm.s32 $0x0;
	s6 =	sshll.u32 s6, $0x1;
	s7 =	sadd.s32 s21, s5  }
0x9e: {  	[timem:s22], [sflag:s8] =	dma.local [hbm:s7], s6  }
0x9f: {  	_ =	swait.ge [sflag:s8], s6  }
0xa0: {  	s6 =	ssub.s32 $0x0, s6;
	[sflag:s8] =	ssyncset.done $0x0  }
0xa1: {  	[sflag:s8] =	ssyncadd.s32 s6;
	_ =	sdelay $0x1  }
0xa2: {  	s23 =	simm.s32 $0x1B8B  }
0xa3: {  	_ =	swait.ge [sflag:s23], $0x1  }
0xa4: {  	[sflag:s23] =	ssyncset.done $0x0  }
0xa5: {  	[sflag:s23] =	ssyncadd.s32 $0xFFFFFFFF  }
0xa6: {  	s6 =	sld [smem:$0x0]  }
0xa7: {  	s7 =	sand.u32 $0xFFFFFFFE, s1  }
0xa8: {  	p0 =	sne.s32 s1, s7  }
0xa9: {  	s7 =	sshll.u32 @p0 s7, $0xE  }
0xaa: {  	s7 =	sadd.s32 @p0 $0x11B8D, s7;
	s8 =	sshll.u32 @p0 s6, $0x11  }
0xab: {  	s7 =	sor.u32 @p0 s8, s7  }
0xac: {  	[sflag:s7] =	ssyncadd.remote.s32 @p0 $0x1;
	_ =	sdelay $0x1  }
0xad: {  	s7 =	simm.s32 @p0 $0x1B8D  }
0xae: {  	_ =	swait.eq @p0 [sflag:s7], $0x1  }
0xaf: {  	[sflag:s7] =	ssyncadd.s32 @p0 $0xFFFFFFFF  }
0xb0: {  	s8 =	sshll.u32 @!p0 s1, $0xE  }
0xb1: {  	s8 =	sor.u32 @!p0 $0x4000, s8;
	s7 =	simm.s32 @!p0 $0x1B8D  }
0xb2: {  	s6 =	sshll.u32 @!p0 s6, $0x11;
	s8 =	sadd.s32 @!p0 $0x11B8D, s8;
	_ =	swait.eq @!p0 [sflag:s7], $0x1  }
0xb3: {  	s6 =	sor.u32 @!p0 s6, s8;
	[sflag:s7] =	ssyncadd.s32 @!p0 $0xFFFFFFFF  }
0xb4: {  	s25 =	simm.s32 $0x1B8E;
	s24 =	sld [smem:$0x3FFE];
	[sflag:s6] =	ssyncadd.remote.s32 @!p0 $0x1  }
0xb5: {  	s26 =	simm.s32 $execute0_lowered;
	[smem:$0x3FD2] =	sst s25  }
0xb6: {  	s7 =	sshll.u32 s26, $0x1;
	_ =	strace $0x80000049;
	[dreg:$0x1] =	wrdreg $0xFFFFFFFF  }
0xb7: {  	s28 =	simm.s32 $_size_execute0_lowered;
	s5 =	sadd.s32 s5, s7;
	[dreg:$0x0] =	wrdreg $0x0  }
0xb8: {  	s7 =	sshll.u32 s28, $0x1;
	[dreg:$0x2] =	wrdreg s5  }
0xb9: {  	[dreg:$0x3] =	wrdreg s7  }
0xba: {  	[dreg:$0x4] =	wrdreg $0xC0  }
0xbb: {  	_ =	task [dreg:s22], $0x5FFFF  }
0xbc: {  	[dreg:$0x1] =	wrdreg $0xFFFFFFFF  }
0xbd: {  	[dreg:$0x0] =	wrdreg $0x60  }
0xbe: {  	[dreg:$0x2] =	wrdreg s18  }
0xbf: {  	[dreg:$0x3] =	wrdreg s4  }
0xc0: {  	[dreg:$0x4] =	wrdreg s24  }
0xc1: {  	[dreg:$0x5] =	wrdreg $0x87000  }
0xc2: {  	[dreg:$0x6] =	wrdreg $0x9  }
0xc3: {  	_ =	task.clear_ibuf [dreg:s22], $0x7FFFF;
	_ =	strace $0x90000049  }
0xc4: {  	s29 =	simm.s32 $0x9;
	_ =	strace $0x8000004B  }
0xc5: {  	_ =	swait.ge [sflag:s29], $0x1  }
0xc6: {  	[sflag:s29] =	ssyncadd.s32 $0xFFFFFFFF  }
0xc7: {  	_ =	strace $0x9000004B  }
0xc8: {  	_ =	sfence  }
0xc9: {  	s30 =	sld [smem:$0x0];
	_ =	sdelay $0x2  }
0xca: {  	s31 =	sshll.u32 s1, $0xD;
	s1 =	sshrl.u32 s1, $0x2  }
0xcb: {  	s4 =	sand.u32 $0x4000, s31;
	s1 =	sadd.s32 s1, s30  }
0xcc: {  	s0 =	sor.u32 s4, s0;
	s1 =	sshll.u32 s1, $0x11  }
0xcd: {  	s0 =	sor.u32 s1, s0  }
0xce: {  	s0 =	sadd.s32 $0x8F2B, s0  }
0xcf: {  	[sflag:s0] =	ssyncadd.remote.s32 $0x1  }
0xd0: {  	_ =	sfence.sel $0xFFFF  }
0xd1: {  	[dreg:$0x0] =	wrdreg $0xFFFFFFFF;
	(pc) =	sbr.abs _section_cstart, $3  }
0xd2: {  	[dreg:$0x1] =	wrdreg $0xFFFFFFFF  }
0xd3: {  	_ =	task.clear_ibuf [dreg:s22], $0x2FFFF;
	_ =	strace $0x9FFFFFFF  }
0xd4: {  	(tm) =	ssettm $0x7FFFFFFF  }
0xd5: {  	_ =	shalt  }
tec
execute0_lowered:
.L_overlay_start_1:
0x0: {  	(tag) =	ssettag $0x1  }
0x1: {  	s1 =	rddreg [dreg:$0x0]  }
0x2: {  	s12 =	rddreg [dreg:$0x1]  }
0x3: {  	s5 =	rddreg [dreg:$0x2]  }
0x4: {  	s3 =	rddreg [dreg:$0x3]  }
0x5: {  	s0 =	rddreg [dreg:$0x4];
	s4 =	simm.s32 $0x0;
	s2 =	stileid.u32  }
0x6: {  	s6 =	srdreg.scid;
	s19 =	simm.s32 $0x1;
	s9 =	smul.u32 $0x2700, s2  }
0x7: {  	s20 =	simm.s32 $0x180;
	s21 =	simm.s32 $0x4080;
	s8 =	smul.u32 $0x4E000, s2  }
0x8: {  	s22 =	simm.s32 $0x0;
	s7 =	sand.u32 $0x1, s6;
	s17 =	smul.u32 $0xA0, s2  }
0x9: {  	s24 =	sshll.u32 s2, $0x1;
	[smem:$0x7FF] =	sst s4;
	s11 =	smul.u32 $0x27100, s7  }
0xa: {  	s13 =	sadd.s32 $0x2400, s5;
	s14 =	sadd.s32 $0x20000, s5;
	s15 =	smul.u32 $0x138800, s7  }
0xb: {  	p0 =	sne.s32 s2, $0xF;
	s6 =	sor.u32 s7, s24;
	s18 =	smul.u32 $0x50, s7  }
0xc: {  	_ =	strace $0x8000004A;
	s25 =	ssub.s32 $0x2, s7;
	s10 =	smul.u32 $0x500, s6  }
0xd: {  	s26 =	sshrl.u32 s25, $0x1;
	s28 =	sshrl.u32 s8, $0x2;
	s6 =	sadd.s32 $0x138000, s3  }
0xe: {  	s16 =	ssub.s32 s25, s26;
	s5 =	sadd.s32 s28, s3;
	s29 =	sshrl.u32 s15, $0x3  }
0xf: {  	s9 =	sadd.s32 s9, s11;
	s30 =	sadd.s32 s18, s17;
	s15 =	simm.s32 $0x2  }
0x10: {  	s17 =	simm.s32 $0x7D;
	s18 =	simm.s32 $0x200;
	s7 =	sadd.s32 s12, s10  }
0x11: {  	s8 =	sadd.s32 s13, s10;
	s10 =	sadd.s32 s14, s29;
	s9 =	sadd.s32 s14, s9  }
0x12: {  	s31 =	sshll.u32 s30, $0x4;
	s11 =	smax.u32 s16, $0x1;
	s14 =	simm.s32 $0x7F00  }
0x13: {  	s16 =	simm.s32 $0x100;
	s12 =	sadd.s32 s31, s12;
	s13 =	sadd.s32 s31, s13  }
0x14: {  	v0 =	vimm.f32 $0.0e+00;
	s10 =	sadd.s32 $0x27000, s10;
	s12 =	sadd.s32 $0x10, s12;
	s13 =	sadd.s32 $0x10, s13  }
.LBB2_1:
0x15: {  	[tilespmem:$0x7F00] =	vst v0  }
0x16: {  	[tilespmem:$0x7F10] =	vst v0  }
0x17: {  	[tilespmem:$0x7F20] =	vst v0  }
0x18: {  	[tilespmem:$0x7F30] =	vst v0  }
0x19: {  	[tilespmem:$0x7F40] =	vst v0  }
0x1a: {  	[tilespmem:$0x7F50] =	vst v0  }
0x1b: {  	[tilespmem:$0x7F60] =	vst v0  }
0x1c: {  	[tilespmem:$0x7F70] =	vst v0  }
0x1d: {  	[tilespmem:$0x7F80] =	vst v0  }
0x1e: {  	[tilespmem:$0x7F90] =	vst v0  }
0x1f: {  	[tilespmem:$0x7FA0] =	vst v0  }
0x20: {  	[tilespmem:$0x7FB0] =	vst v0  }
0x21: {  	[tilespmem:$0x7FC0] =	vst v0  }
0x22: {  	[tilespmem:$0x7FD0] =	vst v0  }
0x23: {  	[tilespmem:$0x7FE0] =	vst v0  }
0x24: {  	[tilespmem:$0x7FF0] =	vst v0  }
0x25: {  	[tilespmem:$0x8000] =	vst v0  }
0x26: {  	[tilespmem:$0x8010] =	vst v0  }
0x27: {  	[tilespmem:$0x8020] =	vst v0  }
0x28: {  	[tilespmem:$0x8030] =	vst v0  }
0x29: {  	[tilespmem:$0x8040] =	vst v0  }
0x2a: {  	[tilespmem:$0x8050] =	vst v0  }
0x2b: {  	[tilespmem:$0x8060] =	vst v0  }
0x2c: {  	[tilespmem:$0x8070] =	vst v0  }
0x2d: {  	[tilespmem:$0x8080] =	vst v0  }
0x2e: {  	[tilespmem:$0x8090] =	vst v0  }
0x2f: {  	[tilespmem:$0x80A0] =	vst v0  }
0x30: {  	[tilespmem:$0x80B0] =	vst v0  }
0x31: {  	[tilespmem:$0x80C0] =	vst v0  }
0x32: {  	[tilespmem:$0x80D0] =	vst v0  }
0x33: {  	[tilespmem:$0x80E0] =	vst v0  }
0x34: {  	[tilespmem:$0x80F0] =	vst v0  }
0x35: {  	[tilespmem:$0x8100] =	vst v0  }
0x36: {  	[tilespmem:$0x8110] =	vst v0  }
0x37: {  	[tilespmem:$0x8120] =	vst v0  }
0x38: {  	[tilespmem:$0x8130] =	vst v0  }
0x39: {  	[tilespmem:$0x8140] =	vst v0  }
0x3a: {  	[tilespmem:$0x8150] =	vst v0  }
0x3b: {  	[tilespmem:$0x8160] =	vst v0  }
0x3c: {  	[tilespmem:$0x8170] =	vst v0  }
0x3d: {  	[tilespmem:$0x8180] =	vst v0  }
0x3e: {  	[tilespmem:$0x8190] =	vst v0  }
0x3f: {  	[tilespmem:$0x81A0] =	vst v0  }
0x40: {  	[tilespmem:$0x81B0] =	vst v0  }
0x41: {  	[tilespmem:$0x81C0] =	vst v0  }
0x42: {  	[tilespmem:$0x81D0] =	vst v0  }
0x43: {  	[tilespmem:$0x81E0] =	vst v0  }
0x44: {  	[tilespmem:$0x81F0] =	vst v0  }
0x45: {  	[tilespmem:$0x8200] =	vst v0  }
0x46: {  	[tilespmem:$0x8210] =	vst v0  }
0x47: {  	[tilespmem:$0x8220] =	vst v0  }
0x48: {  	[tilespmem:$0x8230] =	vst v0  }
0x49: {  	[tilespmem:$0x8240] =	vst v0  }
0x4a: {  	[tilespmem:$0x8250] =	vst v0  }
0x4b: {  	[tilespmem:$0x8260] =	vst v0  }
0x4c: {  	[tilespmem:$0x8270] =	vst v0  }
0x4d: {  	[tilespmem:$0x8280] =	vst v0  }
0x4e: {  	[tilespmem:$0x8290] =	vst v0  }
0x4f: {  	[tilespmem:$0x82A0] =	vst v0  }
0x50: {  	[tilespmem:$0x82B0] =	vst v0  }
0x51: {  	[tilespmem:$0x82C0] =	vst v0  }
0x52: {  	[tilespmem:$0x82D0] =	vst v0  }
0x53: {  	[tilespmem:$0x82E0] =	vst v0  }
0x54: {  	[tilespmem:$0x82F0] =	vst v0  }
0x55: {  	[tilespmem:$0x8300] =	vst v0  }
0x56: {  	[tilespmem:$0x8310] =	vst v0  }
0x57: {  	[tilespmem:$0x8320] =	vst v0  }
0x58: {  	[tilespmem:$0x8330] =	vst v0  }
0x59: {  	[tilespmem:$0x8340] =	vst v0  }
0x5a: {  	[tilespmem:$0x8350] =	vst v0  }
0x5b: {  	[tilespmem:$0x8360] =	vst v0  }
0x5c: {  	[tilespmem:$0x8370] =	vst v0  }
0x5d: {  	[tilespmem:$0x8380] =	vst v0  }
0x5e: {  	[tilespmem:$0x8390] =	vst v0  }
0x5f: {  	[tilespmem:$0x83A0] =	vst v0  }
0x60: {  	[tilespmem:$0x83B0] =	vst v0  }
0x61: {  	[tilespmem:$0x83C0] =	vst v0  }
0x62: {  	[tilespmem:$0x83D0] =	vst v0  }
0x63: {  	[tilespmem:$0x83E0] =	vst v0  }
0x64: {  	[tilespmem:$0x83F0] =	vst v0  }
0x65: {  	[tilespmem:$0x8400] =	vst v0  }
0x66: {  	[tilespmem:$0x8410] =	vst v0  }
0x67: {  	[tilespmem:$0x8420] =	vst v0  }
0x68: {  	[tilespmem:$0x8430] =	vst v0  }
0x69: {  	[tilespmem:$0x8440] =	vst v0  }
0x6a: {  	[tilespmem:$0x8450] =	vst v0  }
0x6b: {  	[tilespmem:$0x8460] =	vst v0  }
0x6c: {  	[tilespmem:$0x8470] =	vst v0  }
0x6d: {  	[tilespmem:$0x8480] =	vst v0  }
0x6e: {  	[tilespmem:$0x8490] =	vst v0  }
0x6f: {  	[tilespmem:$0x84A0] =	vst v0  }
0x70: {  	[tilespmem:$0x84B0] =	vst v0  }
0x71: {  	[tilespmem:$0x84C0] =	vst v0  }
0x72: {  	[tilespmem:$0x84D0] =	vst v0  }
0x73: {  	[tilespmem:$0x84E0] =	vst v0  }
0x74: {  	[tilespmem:$0x84F0] =	vst v0  }
0x75: {  	[tilespmem:$0x8500] =	vst v0  }
0x76: {  	[tilespmem:$0x8510] =	vst v0  }
0x77: {  	[tilespmem:$0x8520] =	vst v0  }
0x78: {  	[tilespmem:$0x8530] =	vst v0  }
0x79: {  	[tilespmem:$0x8540] =	vst v0  }
0x7a: {  	[tilespmem:$0x8550] =	vst v0  }
0x7b: {  	[tilespmem:$0x8560] =	vst v0  }
0x7c: {  	[tilespmem:$0x8570] =	vst v0  }
0x7d: {  	[tilespmem:$0x8580] =	vst v0  }
0x7e: {  	[tilespmem:$0x8590] =	vst v0  }
0x7f: {  	[tilespmem:$0x85A0] =	vst v0  }
0x80: {  	[tilespmem:$0x85B0] =	vst v0  }
0x81: {  	[tilespmem:$0x85C0] =	vst v0  }
0x82: {  	[tilespmem:$0x85D0] =	vst v0  }
0x83: {  	[tilespmem:$0x85E0] =	vst v0  }
0x84: {  	[tilespmem:$0x85F0] =	vst v0  }
0x85: {  	[tilespmem:$0x8600] =	vst v0  }
0x86: {  	[tilespmem:$0x8610] =	vst v0  }
0x87: {  	[tilespmem:$0x8620] =	vst v0  }
0x88: {  	[tilespmem:$0x8630] =	vst v0  }
0x89: {  	[tilespmem:$0x8640] =	vst v0  }
0x8a: {  	[tilespmem:$0x8650] =	vst v0  }
0x8b: {  	[tilespmem:$0x8660] =	vst v0  }
0x8c: {  	[tilespmem:$0x8670] =	vst v0  }
0x8d: {  	[tilespmem:$0x8680] =	vst v0  }
0x8e: {  	[tilespmem:$0x8690] =	vst v0  }
0x8f: {  	[tilespmem:$0x86A0] =	vst v0  }
0x90: {  	[tilespmem:$0x86B0] =	vst v0  }
0x91: {  	[tilespmem:$0x86C0] =	vst v0  }
0x92: {  	[tilespmem:$0x86D0] =	vst v0  }
0x93: {  	[tilespmem:$0x86E0] =	vst v0  }
0x94: {  	[tilespmem:$0x86F0] =	vst v0;
	s23 =	sadd.s32 $0x0, s5  }
0x95: {  	[spmem:s23] =	stream.linear.scatter [tilespmem:s14], [sflag:$0x2], $0x800, $0x38;
	[tilespmem:$0x1BF80] =	vst v63  }
0x96: {  	s23 =	simm.s32 $0x2000;
	_ =	swait.ge [sflag:s15], $0x800  }
.LBB2_2:
0x97: {  	s24 =	sshra.s32 s23, $0x2;
	[sflag:s15] =	ssyncset.done $0x0;
	p1 =	sne.s32 s23, $0x4C000  }
.Ltmp0:
0x98: {  	s24 =	sadd.s32 s24, s5;
	[sflag:s15] =	ssyncadd.s32 $0xFFFFF800;
	(pc) =	sbr.rel @p1 .LBB2_2-.Ltmp0, $3  }
0x99: {  	[spmem:s24] =	stream.linear.scatter [tilespmem:s14], [sflag:$0x2], $0x800, $0x38;
	[tilespmem:$0x1BF80] =	vst v63  }
0x9a: {  	s23 =	sadd.s32 $0x2000, s23;
	_ =	sdelay $0x1  }
0x9b: {  	_ =	swait.ge [sflag:s15], $0x800  }
0x9c: {  	[sflag:s15] =	ssyncset.done $0x0  }
0x9d: {  	s23 =	simm.s32 @!p0 $0x7F00;
	[sflag:s15] =	ssyncadd.s32 $0xFFFFF800  }
0x9e: {  	[spmem:s6] =	stream.linear.scatter @!p0 [tilespmem:s23], [sflag:$0x2], $0x800, $0x38;
	[tilespmem:$0x1BF80] =	vst v63  }
0x9f: {  	s23 =	simm.s32 @!p0 $0x2  }
0xa0: {  	_ =	swait.ge @!p0 [sflag:s23], $0x800  }
0xa1: {  	[sflag:s23] =	ssyncset.done @!p0 $0x0  }
0xa2: {  	[sflag:s23] =	ssyncadd.s32 @!p0 $0xFFFFF800  }
0xa3: {  	[bflag:$0x0] =	sbarrier.arrive $0xFFFF  }
0xa4: {  	[tilespmem:s4], [sflag:$0x2] =	stream.linear.gather [hbm4b:s7+s4], $0x80, $0x38;
	[tilespmem:$0x1BF80] =	vst v63  }
0xa5: {  	_ =	swait.ge [sflag:s15], $0x80  }
0xa6: {  	[sflag:s15] =	ssyncset.done $0x0  }
0xa7: {  	[sflag:s15] =	ssyncadd.s32 $0xFFFFFF80  }
0xa8: {  	[tilespmem:s16], [sflag:$0x2] =	stream.linear.gather [hbm4b:s8+s4], $0x80, $0x38;
	[tilespmem:$0x1BF80] =	vst v63  }
0xa9: {  	_ =	swait.ge [sflag:s15], $0x80  }
0xaa: {  	s26 =	simm.s32 $0x1;
	[sflag:s15] =	ssyncset.done $0x0  }
0xab: {  	s23 =	sand.u32 $0x1, s26;
	[sflag:s15] =	ssyncadd.s32 $0xFFFFFF80  }
0xac: {  	[tilespmem:s18], [sflag:$0x1] =	stream.indirect.gather [hbm4b:s1+s17], $0x80, s4, s17, $0xb8;
	[tilespmem:$0x1BF80] =	vst v63  }
0xad: {  	s24 =	sshll.u32 s23, $0x7  }
0xae: {  	[tilespmem:s24], [sflag:$0x2] =	stream.linear.gather [hbm4b:s12+s4], $0x80, $0x38;
	[tilespmem:$0x1BF80] =	vst v63  }
0xaf: {  	_ =	swait.ge [sflag:s15], $0x80  }
0xb0: {  	[sflag:s15] =	ssyncset.done $0x0  }
0xb1: {  	s23 =	smul.u32 $0xFA00, s23;
	s25 =	sor.u32 $0x100, s24;
	[sflag:s15] =	ssyncadd.s32 $0xFFFFFF80  }
0xb2: {  	[tilespmem:s25], [sflag:$0x2] =	stream.linear.gather [hbm4b:s13+s4], $0x80, $0x38;
	[tilespmem:$0x1BF80] =	vst v63  }
0xb3: {  	s29 =	simm.s32 $0x0;
	s23 =	sshrl.u32 s23, $0x2;
	_ =	swait.ge [sflag:s15], $0x80  }
0xb4: {  	s23 =	sadd.s32 $0x200, s23;
	s25 =	sand.u32 $0x1, s29;
	[sflag:s15] =	ssyncset.done $0x0  }
0xb5: {  	s26 =	smul.u32 $0xFA00, s25;
	s30 =	sshll.u32 s25, $0x7;
	[sflag:s15] =	ssyncadd.s32 $0xFFFFFF80  }
0xb6: {  	[tilespmem:s23], [sflag:$0x1] =	stream.indirect.gather [hbm4b:s1+s17], $0x80, s24, s17, $0xb8;
	[tilespmem:$0x1BF80] =	vst v63  }
0xb7: {  	s25 =	simm.s32 $0x3;
	s31 =	sshrl.u32 s26, $0x2;
	_ =	swait.ge [sflag:s19], $0x3E80  }
0xb8: {  	s26 =	simm.s32 $0x2;
	s24 =	sadd.s32 $0x200, s31;
	[sflag:s19] =	ssyncset.done $0x0  }
0xb9: {  	s23 =	sor.u32 $0x100, s30;
	s28 =	sand.u32 $0x1, s26;
	[sflag:s19] =	ssyncadd.s32 $0xFFFFC180  }
0xba: {  	[spmem:s3] =	stream.indirect.scatter.add.f32 [tilespmem:s24], [sflag:$0x2], $0x80, s23, s17, $0xb8;
	[tilespmem:$0x1BF80] =	vst v63  }
0xbb: {  	s23 =	sadd.s32 $0x10, s13;
	s24 =	sadd.s32 $0x10, s12;
	_ =	swait.ge [sflag:s15], $0x3E80  }
.LBB2_4:
0xbc: {  	s29 =	sshll.u32 s28, $0x7  }
0xbd: {  	s28 =	smul.u32 $0xFA00, s28;
	[sflag:s15] =	ssyncset.done $0x0;
	s30 =	smov.u32 s25  }
0xbe: {  	p1 =	sne.s32 s25, $0x4F;
	s25 =	sadd.s32 $0x1, s25;
	[sflag:s15] =	ssyncadd.s32 $0xFFFFC180  }
0xbf: {  	[tilespmem:s29], [sflag:$0x2] =	stream.linear.gather [hbm4b:s24+s4], $0x80, $0x38;
	[tilespmem:$0x1BF80] =	vst v63  }
0xc0: {  	_ =	swait.ge [sflag:s15], $0x80  }
0xc1: {  	s31 =	sor.u32 $0x100, s29;
	[sflag:s15] =	ssyncset.done $0x0  }
0xc2: {  	[sflag:s15] =	ssyncadd.s32 $0xFFFFFF80  }
0xc3: {  	[tilespmem:s31], [sflag:$0x2] =	stream.linear.gather [hbm4b:s23+s4], $0x80, $0x38;
	[tilespmem:$0x1BF80] =	vst v63  }
0xc4: {  	s26 =	sadd.s32 $0xFFFFFFFF, s26;
	s28 =	sshrl.u32 s28, $0x2;
	_ =	swait.ge [sflag:s15], $0x80  }
0xc5: {  	s26 =	sand.u32 $0x1, s26;
	s28 =	sadd.s32 $0x200, s28;
	[sflag:s15] =	ssyncset.done $0x0  }
0xc6: {  	s31 =	smul.u32 $0xFA00, s26;
	s26 =	sshll.u32 s26, $0x7;
	[sflag:s15] =	ssyncadd.s32 $0xFFFFFF80  }
0xc7: {  	[tilespmem:s28], [sflag:$0x1] =	stream.indirect.gather [hbm4b:s1+s17], $0x80, s29, s17, $0xb8;
	[tilespmem:$0x1BF80] =	vst v63  }
.Ltmp1:
0xc8: {  	s28 =	sshrl.u32 s31, $0x2;
	_ =	swait.ge [sflag:s19], $0x3E80;
	(pc) =	sbr.rel @p1 .LBB2_4-.Ltmp1, $4  }
0xc9: {  	s29 =	sor.u32 $0x100, s26;
	s28 =	sadd.s32 $0x200, s28;
	[sflag:s19] =	ssyncset.done $0x0  }
0xca: {  	s23 =	sadd.s32 $0x10, s23;
	s26 =	smov.u32 s30;
	[sflag:s19] =	ssyncadd.s32 $0xFFFFC180  }
0xcb: {  	[spmem:s3] =	stream.indirect.scatter.add.f32 [tilespmem:s28], [sflag:$0x2], $0x80, s29, s17, $0xb8;
	[tilespmem:$0x1BF80] =	vst v63  }
0xcc: {  	s24 =	sadd.s32 $0x10, s24;
	s28 =	sand.u32 $0x1, s26;
	_ =	swait.ge [sflag:s15], $0x3E80  }
0xcd: {  	[sflag:s15] =	ssyncset.done $0x0  }
0xce: {  	s25 =	sshll.u32 s28, $0x7;
	[sflag:s15] =	ssyncadd.s32 $0xFFFFC180  }
0xcf: {  	[tilespmem:s25], [sflag:$0x2] =	stream.linear.gather [hbm4b:s24+s4], $0x80, $0x38;
	[tilespmem:$0x1BF80] =	vst v63  }
0xd0: {  	_ =	swait.ge [sflag:s15], $0x80  }
0xd1: {  	[sflag:s15] =	ssyncset.done $0x0  }
0xd2: {  	s30 =	smul.u32 $0xFA00, s28;
	s31 =	sor.u32 $0x100, s25;
	[sflag:s15] =	ssyncadd.s32 $0xFFFFFF80  }
0xd3: {  	[tilespmem:s31], [sflag:$0x2] =	stream.linear.gather [hbm4b:s23+s4], $0x80, $0x38;
	[tilespmem:$0x1BF80] =	vst v63  }
0xd4: {  	s26 =	sadd.s32 $0xFFFFFFFF, s26;
	_ =	swait.ge [sflag:s15], $0x80  }
0xd5: {  	s24 =	sshrl.u32 s30, $0x2;
	s23 =	sand.u32 $0x1, s26;
	[sflag:s15] =	ssyncset.done $0x0  }
0xd6: {  	s24 =	sadd.s32 $0x200, s24;
	s28 =	smul.u32 $0xFA00, s23;
	[sflag:s15] =	ssyncadd.s32 $0xFFFFFF80  }
0xd7: {  	[tilespmem:s24], [sflag:$0x1] =	stream.indirect.gather [hbm4b:s1+s17], $0x80, s25, s17, $0xb8;
	[tilespmem:$0x1BF80] =	vst v63  }
0xd8: {  	_ =	swait.ge [sflag:s19], $0x3E80  }
0xd9: {  	s23 =	sshll.u32 s23, $0x7;
	s29 =	sshrl.u32 s28, $0x2;
	[sflag:s19] =	ssyncset.done $0x0  }
0xda: {  	s23 =	sor.u32 $0x100, s23;
	s24 =	sadd.s32 $0x200, s29;
	[sflag:s19] =	ssyncadd.s32 $0xFFFFC180  }
0xdb: {  	[spmem:s3] =	stream.indirect.scatter.add.f32 [tilespmem:s24], [sflag:$0x2], $0x80, s23, s17, $0xb8;
	[tilespmem:$0x1BF80] =	vst v63  }
0xdc: {  	_ =	swait.ge [sflag:s15], $0x3E80  }
0xdd: {  	[sflag:s15] =	ssyncset.done $0x0  }
0xde: {  	[sflag:s15] =	ssyncadd.s32 $0xFFFFC180  }
0xdf: {  	_ =	swait.ge [sflag:s19], $0x3E80  }
0xe0: {  	[sflag:s19] =	ssyncset.done $0x0  }
0xe1: {  	[sflag:s19] =	ssyncadd.s32 $0xFFFFC180  }
0xe2: {  	[spmem:s3] =	stream.indirect.scatter.add.f32 [tilespmem:s21], [sflag:$0x2], $0x80, s20, s17, $0xb8;
	[tilespmem:$0x1BF80] =	vst v63  }
0xe3: {  	_ =	swait.ge [sflag:s15], $0x3E80  }
0xe4: {  	[sflag:s15] =	ssyncset.done $0x0  }
0xe5: {  	s30 =	sshll.u32 s2, $0x6;
	[sflag:s15] =	ssyncadd.s32 $0xFFFFC180  }
0xe6: {  	s31 =	sshrl.u32 s5, $0x3;
	s23 =	sor.u32 $0x1C02, s30;
	[bflag:$0x0] =	sbarrier.arrive $0xFFFF  }
0xe7: {  	[hbm:s9], [sflag:s23] =	dma.local [spmem:s31], $0x2700  }
0xe8: {  	_ =	swait.ge [sflag:s15], $0x2700  }
0xe9: {  	s22 =	sadd.s32 $0x1, s22;
	[sflag:s15] =	ssyncset.done $0x0  }
0xea: {  	p1 =	sne.s32 s22, s11;
	s24 =	sshrl.u32 @!p0 s6, $0x3;
	[sflag:s15] =	ssyncadd.s32 $0xFFFFD900  }
0xeb: {  	[hbm:s10], [sflag:s23] =	dma.local @!p0 [spmem:s24], $0x100  }
.Ltmp2:
0xec: {  	_ = 	snop;
	(pc) =	sbr.rel @p1 .LBB2_1-.Ltmp2, $4  }
0xed: {  	s23 =	simm.s32 @!p0 $0x2  }
0xee: {  	_ =	swait.ge @!p0 [sflag:s23], $0x100  }
0xef: {  	[sflag:s23] =	ssyncset.done @!p0 $0x0  }
0xf0: {  	[sflag:s23] =	ssyncadd.s32 @!p0 $0xFFFFFF00  }
0xf1: {  	_ =	sfence.sel $0x180000  }
0xf2: {  	[bflag:$0x0] =	sbarrier.arrive $0xFFFF  }
0xf3: {  	p0 =	sne.s32 s2, $0x0;
	_ =	strace $0x9000004A  }
0xf4: {  	s0 =	sadd.s32 @!p0 $0x100000, s0;
	[bflag:$0x2] =	sbarrier.arrive $0xFFFF  }
0xf5: {  	[sflag:s0] =	ssyncadd.tile.s32 @!p0 $0x1;
	_ =	shalt  }
.Lfunc_end2:
_tile_overlayer_lowered:
.L_overlay_start_2:
0xf6: {  	(tag) =	ssettag $0x2  }
0xf7: {  	s0 =	rddreg [dreg:$0x0];
	s2 =	stileid.u32  }
0xf8: {  	s1 =	rddreg [dreg:$0x1];
	p0 =	sne.s32 s2, $0x0  }
0xf9: {  	s3 =	rddreg [dreg:$0x2];
	[bflag:$0x3] =	sbarrier.arrive $0xFFFF;
	s2 =	simm.s32 @!p0 $0x1C02  }
0xfa: {  	[timem:s3], [sflag:s2] =	dma.local @!p0 [hbm:s0], s1  }
0xfb: {  	s0 =	simm.s32 @!p0 $0x2  }
0xfc: {  	_ =	swait.ge @!p0 [sflag:s0], s1  }
0xfd: {  	s1 =	ssub.s32 @!p0 $0x0, s1;
	[sflag:s0] =	ssyncset.done @!p0 $0x0  }
0xfe: {  	[sflag:s0] =	ssyncadd.s32 @!p0 s1  }
0xff: {  	[bflag:$0x3] =	sbarrier.arrive $0xFFFF  }
0x100: {  	_ =	shalt  }

// kernel: kernel.8.cloned.1.call-start
scs
__scs_entry_jumppad:
0x0: {  	(pc) =	sbr.rel $0x88, $3  }
0x1: {  	(tag) =	ssettag $0x0;
	lr =	simm.s32 $0x1  }
0x2: {  	[smem:$0x3F94] =	sst lr;
	_ =	strace $0xD0000000  }
0x3: {  	_ = 	snop  }
0x4: {  	_ = 	snop  }
0x5: {  	_ = 	snop  }
0x6: {  	_ = 	snop  }
0x7: {  	_ = 	snop  }
__scs_overlays_trampoline_lowered:
0x8: {  	[smem:$0x3FA3] =	sst s0  }
0x9: {  	[smem:$0x3FA4] =	sst s1  }
0xa: {  	[smem:$0x3FA5] =	sst s2  }
0xb: {  	[smem:$0x3FA6] =	sst s3  }
0xc: {  	[smem:$0x3FA7] =	sst s4  }
0xd: {  	[smem:$0x3FA8] =	sst s5  }
0xe: {  	[smem:$0x3FA9] =	sst s6  }
0xf: {  	[smem:$0x3FAA] =	sst s7  }
0x10: {  	[smem:$0x3FAB] =	sst s8  }
0x11: {  	[smem:$0x3FAC] =	sst s9;
	s0 =	simm.s32 @!p0 $0x0  }
0x12: {  	s1 =	sld [smem:$0x3F92];
	s0 =	simm.s32 @p0 $0x1  }
0x13: {  	[smem:$0x3FAD] =	sst s0;
	s0 =	simm.s32 @!p1 $0x0  }
0x14: {  	s2 =	sld [smem:$0x3F91];
	s0 =	simm.s32 @p1 $0x1  }
0x15: {  	[smem:$0x3FAE] =	sst s0;
	s0 =	simm.s32 @!p2 $0x0  }
0x16: {  	s3 =	sld [smem:$0x3FDB];
	s0 =	simm.s32 @p2 $0x1  }
0x17: {  	s4 =	simm.s32 $0x1BF5;
	[smem:$0x3FB0] =	sst s0  }
0x18: {  	s0 =	sld [smem:$0x3F93];
	_ =	swait.ge [sflag:s4], $0x0  }
0x19: {  	s7 =	sld [smem:$0x3F94]  }
0x1a: {  	s8 =	sadd.s32 $0xFFFFE003, lr  }
0x1b: {  	s9 =	sadd.s32 $0xFFFFFEF7, lr;
	s5 =	simm.s32 $0xFFFFFFFF;
	p2 =	slt.u32 s8, $0xFFFFF086  }
0x1c: {  	p1 =	slt.u32 s9, $0xF7A;
	s5 =	simm.s32 @!p2 $0x0  }
0x1d: {  	s5 =	simm.s32 @p1 $0x1;
	p0 =	seq.s32 s7, s2  }
0x1e: {  	s7 =	smul.u32 @!p0 $0xF7A, s2;
	p2 =	seq.s32 @!p0 s5, $0x0  }
0x1f: {  	s9 =	smul.u32 $0xF7A, s1;
	s8 =	simm.s32 @!p0 $0x1BF5;
	p2 =	por !p2, p0  }
0x20: {  	[sflag:s8] =	ssyncset.s32 @!p0 $0xFFFFF086;
	s6 =	sadd.s32 @!p0 s3, s7;
	s7 =	simm.s32 @!p0 $0x108  }
0x21: {  	s3 =	sadd.s32 s3, s9;
	s6 =	sadd.s32 @!p0 $0x88, s6;
	s7 =	simm.s32 @p2 $0x1082  }
0x22: {  	[simem:s7], [sflag:s8] =	dma.local @!p0 [hbm:s6], $0xF7A  }
0x23: {  	s9 =	sor.u32 $0xD0000000, s2;
	s6 =	simm.s32 $0x108;
	_ =	swait.ge @!p0 [sflag:s8], $0x0  }
0x24: {  	s3 =	sadd.s32 $0x88, s3;
	s6 =	simm.s32 @!p1 $0x1082;
	[sflag:s4] =	ssyncset.s32 $0xFFFFF086  }
0x25: {  	[simem:s6], [sflag:s4] =	dma.local [hbm:s3], $0xF7A  }
0x26: {  	[smem:$0x3F94] =	sst s1;
	(tag) =	ssettag s2;
	_ =	strace s9  }
0x27: {  	s1 =	sld [smem:$0x3FA4]  }
0x28: {  	s2 =	sld [smem:$0x3FA5]  }
0x29: {  	s4 =	sld [smem:$0x3FA7]  }
0x2a: {  	p0 =	seq.s32 s5, $0x0;
	s5 =	sld [smem:$0x3FA8]  }
0x2b: {  	s6 =	sld [smem:$0x3FA9]  }
0x2c: {  	s7 =	sld [smem:$0x3FAA]  }
0x2d: {  	s3 =	simm.s32 $0x108;
	s8 =	sld [smem:$0x3FAB]  }
0x2e: {  	s3 =	simm.s32 @!p0 $0x1082;
	s9 =	sld [smem:$0x3FAC]  }
0x2f: {  	lr =	sadd.s32 s0, s3;
	s0 =	sld [smem:$0x3FA3]  }
0x30: {  	s3 =	sld [smem:$0x3FA6]  }
0x31: {  	[smem:$0x3FAF] =	sst s10  }
0x32: {  	s10 =	sld [smem:$0x3FAD];
	_ =	sdelay $0x3  }
0x33: {  	p0 =	seq.s32 s10, $0x1;
	s10 =	sld [smem:$0x3FAF];
	_ =	sdelay $0x3  }
0x34: {  	[smem:$0x3FAF] =	sst s10  }
0x35: {  	s10 =	sld [smem:$0x3FAE];
	_ =	sdelay $0x3  }
0x36: {  	p1 =	seq.s32 s10, $0x1;
	s10 =	sld [smem:$0x3FAF];
	_ =	sdelay $0x3  }
0x37: {  	[smem:$0x3FAF] =	sst s10  }
0x38: {  	s10 =	sld [smem:$0x3FB0]  }
0x39: {  	_ = 	snop;
	(pc) =	sbr.ind lr, $3  }
0x3a: {  	_ = 	snop  }
0x3b: {  	_ = 	snop  }
0x3c: {  	p2 =	seq.s32 s10, $0x1;
	s10 =	sld [smem:$0x3FAF]  }
0x3d: {  	_ =	shalt  }
0x3e: {  	_ =	shalt  }
0x3f: {  	_ =	shalt  }
0x40: {  	_ =	shalt  }
0x41: {  	_ =	shalt  }
0x42: {  	_ =	shalt  }
0x43: {  	_ =	shalt  }
0x44: {  	_ =	shalt  }
0x45: {  	_ =	shalt  }
0x46: {  	_ =	shalt  }
0x47: {  	_ =	shalt  }
0x48: {  	_ =	shalt  }
0x49: {  	_ =	shalt  }
0x4a: {  	_ =	shalt  }
0x4b: {  	_ =	shalt  }
0x4c: {  	_ =	shalt  }
0x4d: {  	_ =	shalt  }
0x4e: {  	_ =	shalt  }
0x4f: {  	_ =	shalt  }
0x50: {  	_ =	shalt  }
0x51: {  	_ =	shalt  }
0x52: {  	_ =	shalt  }
0x53: {  	_ =	shalt  }
0x54: {  	_ =	shalt  }
0x55: {  	_ =	shalt  }
0x56: {  	_ =	shalt  }
0x57: {  	_ =	shalt  }
0x58: {  	_ =	shalt  }
0x59: {  	_ =	shalt  }
0x5a: {  	_ =	shalt  }
0x5b: {  	_ =	shalt  }
0x5c: {  	_ =	shalt  }
0x5d: {  	_ =	shalt  }
0x5e: {  	_ =	shalt  }
0x5f: {  	_ =	shalt  }
0x60: {  	_ =	shalt  }
0x61: {  	_ =	shalt  }
0x62: {  	_ =	shalt  }
0x63: {  	_ =	shalt  }
0x64: {  	_ =	shalt  }
0x65: {  	_ =	shalt  }
0x66: {  	_ =	shalt  }
0x67: {  	_ =	shalt  }
0x68: {  	_ =	shalt  }
0x69: {  	_ =	shalt  }
0x6a: {  	_ =	shalt  }
0x6b: {  	_ =	shalt  }
0x6c: {  	_ =	shalt  }
0x6d: {  	_ =	shalt  }
0x6e: {  	_ =	shalt  }
0x6f: {  	_ =	shalt  }
0x70: {  	_ =	shalt  }
0x71: {  	_ =	shalt  }
0x72: {  	_ =	shalt  }
0x73: {  	_ =	shalt  }
0x74: {  	_ =	shalt  }
0x75: {  	_ =	shalt  }
0x76: {  	_ =	shalt  }
0x77: {  	_ =	shalt  }
0x78: {  	_ =	shalt  }
0x79: {  	_ =	shalt  }
0x7a: {  	_ =	shalt  }
0x7b: {  	_ =	shalt  }
0x7c: {  	_ =	shalt  }
0x7d: {  	_ =	shalt  }
0x7e: {  	_ =	shalt  }
0x7f: {  	_ =	shalt  }
0x80: {  	_ =	shalt  }
0x81: {  	_ =	shalt  }
0x82: {  	_ =	shalt  }
0x83: {  	_ =	shalt  }
0x84: {  	_ =	shalt  }
0x85: {  	_ =	shalt  }
0x86: {  	_ =	shalt  }
0x87: {  	_ =	shalt  }
.Lfunc_end0:
.L_simem_size_0:
called_computation.1_lowered:
.L_overlay_start_0:
0x88: {  	s2 =	sld [smem:$0x3FD9]  }
0x89: {  	s3 =	sld [smem:$0x3FFE];
	_ =	sdelay $0x1  }
0x8a: {  	s1 =	srdreg.scid  }
0x8b: {  	s0 =	sand.u32 $0x1, s1  }
0x8c: {  	s16 =	sshll.u32 s0, $0xA;
	s2 =	sadd.s32 s3, s2  }
0x8d: {  	s2 =	sadd.s32 s2, s16  }
0x8e: {  	[smem:$0x3FBB] =	sst s2  }
0x8f: {  	_ = 	snop  }
0x90: {  	(tm) =	ssettm $0x1  }
0x91: {  	s17 =	sld [smem:$0x3FFB];
	_ =	sdelay $0x3  }
0x92: {  	_ =	strace s17  }
0x93: {  	s2 =	sld [smem:$0x3FFC];
	_ =	sdelay $0x3  }
0x94: {  	_ =	strace s2  }
0x95: {  	s2 =	sld [smem:$0x3FFD];
	_ =	sdelay $0x3  }
0x96: {  	_ =	strace s2  }
0x97: {  	_ =	strace $0x8FFFFFFF  }
0x98: {  	s18 =	sld [smem:$0x3FDB];
	_ =	sdelay $0x1  }
0x99: {  	s19 =	simm.s32 $_scs_section_size  }
0x9a: {  	s4 =	simm.s32 $_size__tile_overlayer_lowered;
	s5 =	simm.s32 $_tile_overlayer_lowered  }
0x9b: {  	s22 =	simm.s32 $0x1BFF;
	s21 =	sshll.u32 s5, $0x1;
	s2 =	sadd.s32 s19, s18  }
0x9c: {  	s6 =	simm.s32 $0x0;
	s20 =	sshll.u32 s4, $0x1;
	s4 =	sadd.s32 s21, s2  }
0x9d: {  	[timem:s6], [sflag:s22] =	dma.local [hbm:s4], s20  }
0x9e: {  	_ =	swait.ge [sflag:s22], s20  }
0x9f: {  	s3 =	ssub.s32 $0x0, s20;
	[sflag:s22] =	ssyncset.done $0x0  }
0xa0: {  	[sflag:s22] =	ssyncadd.s32 s3;
	_ =	sdelay $0x1  }
0xa1: {  	s23 =	simm.s32 $0x1B8B  }
0xa2: {  	_ =	swait.ge [sflag:s23], $0x1  }
0xa3: {  	[sflag:s23] =	ssyncset.done $0x0  }
0xa4: {  	s25 =	simm.s32 $0x1B8E;
	s24 =	sld [smem:$0x3FFE];
	[sflag:s23] =	ssyncadd.s32 $0xFFFFFFFF  }
0xa5: {  	s26 =	simm.s32 $execute0_lowered;
	[smem:$0x3FD2] =	sst s25  }
0xa6: {  	s4 =	sshll.u32 s26, $0x1;
	_ =	strace $0x80000046;
	[dreg:$0x1] =	wrdreg $0xFFFFFFFF  }
0xa7: {  	s28 =	simm.s32 $_size_execute0_lowered;
	s2 =	sadd.s32 s2, s4;
	[dreg:$0x0] =	wrdreg $0x0  }
0xa8: {  	s4 =	sshll.u32 s28, $0x1;
	[dreg:$0x2] =	wrdreg s2  }
0xa9: {  	[dreg:$0x3] =	wrdreg s4  }
0xaa: {  	[dreg:$0x4] =	wrdreg $0xC0  }
0xab: {  	_ =	task [dreg:s6], $0x5FFFF  }
0xac: {  	[dreg:$0x1] =	wrdreg $0xFFFFFFFF  }
0xad: {  	[dreg:$0x0] =	wrdreg $0x60  }
0xae: {  	[dreg:$0x2] =	wrdreg s24  }
0xaf: {  	[dreg:$0x3] =	wrdreg $0x19700  }
0xb0: {  	[dreg:$0x4] =	wrdreg $0x40800  }
0xb1: {  	[dreg:$0x5] =	wrdreg $0xA  }
0xb2: {  	_ =	task.clear_ibuf [dreg:s6], $0x6FFFF;
	_ =	strace $0x90000046  }
0xb3: {  	s29 =	simm.s32 $0xA;
	_ =	strace $0x80000048  }
0xb4: {  	_ =	swait.ge [sflag:s29], $0x1  }
0xb5: {  	[sflag:s29] =	ssyncadd.s32 $0xFFFFFFFF  }
0xb6: {  	_ =	strace $0x90000048  }
0xb7: {  	_ =	sfence  }
0xb8: {  	s30 =	sld [smem:$0x0];
	_ =	sdelay $0x2  }
0xb9: {  	s31 =	sshll.u32 s1, $0xD;
	s1 =	sshrl.u32 s1, $0x2  }
0xba: {  	s3 =	sand.u32 $0x4000, s31;
	s1 =	sadd.s32 s1, s30  }
0xbb: {  	s0 =	sor.u32 s3, s0;
	s1 =	sshll.u32 s1, $0x11  }
0xbc: {  	s0 =	sor.u32 s1, s0  }
0xbd: {  	s0 =	sadd.s32 $0x8F2B, s0  }
0xbe: {  	[sflag:s0] =	ssyncadd.remote.s32 $0x1  }
0xbf: {  	_ =	sfence.sel $0xFFFF  }
0xc0: {  	[dreg:$0x0] =	wrdreg $0xFFFFFFFF;
	(pc) =	sbr.abs _section_cstart, $3  }
0xc1: {  	[dreg:$0x1] =	wrdreg $0xFFFFFFFF  }
0xc2: {  	_ =	task.clear_ibuf [dreg:s6], $0x2FFFF;
	_ =	strace $0x9FFFFFFF  }
0xc3: {  	(tm) =	ssettm $0x7FFFFFFF  }
tec
execute0_lowered:
.L_overlay_start_1:
0x0: {  	(tag) =	ssettag $0x1  }
0x1: {  	s0 =	rddreg [dreg:$0x0]  }
0x2: {  	s1 =	rddreg [dreg:$0x1];
	s4 =	stileid.u32  }
0x3: {  	s2 =	rddreg [dreg:$0x2];
	s3 =	simm.s32 $0x0;
	s8 =	smul.u32 $0x270, s4  }
0x4: {  	s5 =	srdreg.scid;
	s29 =	simm.s32 $0x0;
	s12 =	smul.u32 $0x2700, s4  }
0x5: {  	[smem:$0x7FF] =	sst s3;
	s15 =	sadd.s32 $0x2400, s0;
	s19 =	smul.u32 $0xA0, s4  }
0x6: {  	s11 =	sand.u32 $0x1, s5;
	s22 =	sshll.u32 s4, $0x1;
	s28 =	smul.u32 $0x4E20, s4  }
0x7: {  	s16 =	sadd.s32 $0x4E4400, s0;
	s13 =	sadd.s32 $0xC400, s0;
	s30 =	smul.u32 $0x9C00, s4  }
0x8: {  	s0 =	sadd.s32 $0x16200, s0;
	s5 =	sadd.s32 $0x27000, s1;
	s14 =	smul.u32 $0x2710, s11  }
0x9: {  	p0 =	sne.s32 s4, $0xF;
	_ =	strace $0x80000047;
	s18 =	smul.u32 $0x27100, s11  }
0xa: {  	s6 =	sor.u32 s11, s22;
	s23 =	ssub.s32 $0x2, s11;
	s21 =	smul.u32 $0x50, s11  }
0xb: {  	s22 =	simm.s32 $0x7D;
	s7 =	smul.u32 $0x500, s6;
	s9 =	sshrl.u32 s23, $0x1  }
0xc: {  	s24 =	smul.u32 $0x4E20, s6;
	s6 =	sadd.s32 $0x27000, s2;
	s20 =	sadd.s32 s12, s1  }
0xd: {  	s17 =	ssub.s32 s23, s9;
	s10 =	sadd.s32 s8, s14;
	s18 =	sshrl.u32 s18, $0x3  }
0xe: {  	s31 =	sadd.s32 s21, s19;
	s14 =	sadd.s32 s14, s28;
	s19 =	simm.s32 $0x2  }
0xf: {  	s21 =	simm.s32 $0x1;
	s23 =	simm.s32 $0x10A0;
	s7 =	sadd.s32 s15, s7  }
0x10: {  	s25 =	sadd.s32 s16, s24;
	s10 =	sshll.u32 s10, $0x1;
	s26 =	sadd.s32 $0x4E00, s18  }
0x11: {  	s18 =	sshll.u32 s14, $0x1;
	s24 =	sshrl.u32 s20, $0x3;
	[dreg:$0x4] =	wrdreg s7  }
0x12: {  	[dreg:$0x5] =	wrdreg s25;
	s9 =	sadd.s32 s13, s10;
	s10 =	sadd.s32 s0, s10  }
0x13: {  	s25 =	sadd.s32 s12, s2;
	s11 =	sadd.s32 s13, s26;
	s12 =	sadd.s32 s0, s26  }
0x14: {  	s13 =	smax.u32 s17, $0x1;
	s0 =	sshrl.u32 s30, $0x2;
	s17 =	sshll.u32 s31, $0x4  }
0x15: {  	s18 =	sadd.s32 s18, s16;
	s26 =	simm.s32 $0x80;
	s14 =	sadd.s32 s0, s2  }
0x16: {  	s17 =	sadd.s32 s17, s15;
	s15 =	sadd.s32 s0, s1;
	s25 =	sshrl.u32 s25, $0x3  }
0x17: {  	v0 =	vimm.f32 $0.0e+00;
	v1 =	vimm.f32 $1.000000000e+00;
	s16 =	sadd.s32 $0x10, s17;
	s17 =	sadd.s32 $0xFA, s18;
	s18 =	simm.s32 $0x1870  }
.LBB2_1:
0x18: {  	[tilespmem:$0x1870] =	vst v0  }
0x19: {  	[tilespmem:$0x1880] =	vst v0  }
0x1a: {  	[tilespmem:$0x1890] =	vst v0  }
0x1b: {  	[tilespmem:$0x18A0] =	vst v0  }
0x1c: {  	[tilespmem:$0x18B0] =	vst v0  }
0x1d: {  	[tilespmem:$0x18C0] =	vst v0  }
0x1e: {  	[tilespmem:$0x18D0] =	vst v0  }
0x1f: {  	[tilespmem:$0x18E0] =	vst v0  }
0x20: {  	[tilespmem:$0x18F0] =	vst v0  }
0x21: {  	[tilespmem:$0x1900] =	vst v0  }
0x22: {  	[tilespmem:$0x1910] =	vst v0  }
0x23: {  	[tilespmem:$0x1920] =	vst v0  }
0x24: {  	[tilespmem:$0x1930] =	vst v0  }
0x25: {  	[tilespmem:$0x1940] =	vst v0  }
0x26: {  	[tilespmem:$0x1950] =	vst v0  }
0x27: {  	[tilespmem:$0x1960] =	vst v0  }
0x28: {  	[tilespmem:$0x10A0] =	vst v1  }
0x29: {  	[tilespmem:$0x10B0] =	vst v1  }
0x2a: {  	[tilespmem:$0x10C0] =	vst v1  }
0x2b: {  	[tilespmem:$0x10D0] =	vst v1  }
0x2c: {  	[tilespmem:$0x10E0] =	vst v1  }
0x2d: {  	[tilespmem:$0x10F0] =	vst v1  }
0x2e: {  	[tilespmem:$0x1100] =	vst v1  }
0x2f: {  	[tilespmem:$0x1110] =	vst v1  }
0x30: {  	[tilespmem:$0x1120] =	vst v1  }
0x31: {  	[tilespmem:$0x1130] =	vst v1  }
0x32: {  	[tilespmem:$0x1140] =	vst v1  }
0x33: {  	[tilespmem:$0x1150] =	vst v1  }
0x34: {  	[tilespmem:$0x1160] =	vst v1  }
0x35: {  	[tilespmem:$0x1170] =	vst v1  }
0x36: {  	[tilespmem:$0x1180] =	vst v1  }
0x37: {  	[tilespmem:$0x1190] =	vst v1  }
0x38: {  	[tilespmem:$0x11A0] =	vst v1  }
0x39: {  	[tilespmem:$0x11B0] =	vst v1  }
0x3a: {  	[tilespmem:$0x11C0] =	vst v1  }
0x3b: {  	[tilespmem:$0x11D0] =	vst v1  }
0x3c: {  	[tilespmem:$0x11E0] =	vst v1  }
0x3d: {  	[tilespmem:$0x11F0] =	vst v1  }
0x3e: {  	[tilespmem:$0x1200] =	vst v1  }
0x3f: {  	[tilespmem:$0x1210] =	vst v1  }
0x40: {  	[tilespmem:$0x1220] =	vst v1  }
0x41: {  	[tilespmem:$0x1230] =	vst v1  }
0x42: {  	[tilespmem:$0x1240] =	vst v1  }
0x43: {  	[tilespmem:$0x1250] =	vst v1  }
0x44: {  	[tilespmem:$0x1260] =	vst v1  }
0x45: {  	[tilespmem:$0x1270] =	vst v1  }
0x46: {  	[tilespmem:$0x1280] =	vst v1  }
0x47: {  	[tilespmem:$0x1290] =	vst v1  }
0x48: {  	[tilespmem:$0x12A0] =	vst v1  }
0x49: {  	[tilespmem:$0x12B0] =	vst v1  }
0x4a: {  	[tilespmem:$0x12C0] =	vst v1  }
0x4b: {  	[tilespmem:$0x12D0] =	vst v1  }
0x4c: {  	[tilespmem:$0x12E0] =	vst v1  }
0x4d: {  	[tilespmem:$0x12F0] =	vst v1  }
0x4e: {  	[tilespmem:$0x1300] =	vst v1  }
0x4f: {  	[tilespmem:$0x1310] =	vst v1  }
0x50: {  	[tilespmem:$0x1320] =	vst v1  }
0x51: {  	[tilespmem:$0x1330] =	vst v1  }
0x52: {  	[tilespmem:$0x1340] =	vst v1  }
0x53: {  	[tilespmem:$0x1350] =	vst v1  }
0x54: {  	[tilespmem:$0x1360] =	vst v1  }
0x55: {  	[tilespmem:$0x1370] =	vst v1  }
0x56: {  	[tilespmem:$0x1380] =	vst v1  }
0x57: {  	[tilespmem:$0x1390] =	vst v1  }
0x58: {  	[tilespmem:$0x13A0] =	vst v1  }
0x59: {  	[tilespmem:$0x13B0] =	vst v1  }
0x5a: {  	[tilespmem:$0x13C0] =	vst v1  }
0x5b: {  	[tilespmem:$0x13D0] =	vst v1  }
0x5c: {  	[tilespmem:$0x13E0] =	vst v1  }
0x5d: {  	[tilespmem:$0x13F0] =	vst v1  }
0x5e: {  	[tilespmem:$0x1400] =	vst v1  }
0x5f: {  	[tilespmem:$0x1410] =	vst v1  }
0x60: {  	[tilespmem:$0x1420] =	vst v1  }
0x61: {  	[tilespmem:$0x1430] =	vst v1  }
0x62: {  	[tilespmem:$0x1440] =	vst v1  }
0x63: {  	[tilespmem:$0x1450] =	vst v1  }
0x64: {  	[tilespmem:$0x1460] =	vst v1  }
0x65: {  	[tilespmem:$0x1470] =	vst v1  }
0x66: {  	[tilespmem:$0x1480] =	vst v1  }
0x67: {  	[tilespmem:$0x1490] =	vst v1  }
0x68: {  	[tilespmem:$0x14A0] =	vst v1  }
0x69: {  	[tilespmem:$0x14B0] =	vst v1  }
0x6a: {  	[tilespmem:$0x14C0] =	vst v1  }
0x6b: {  	[tilespmem:$0x14D0] =	vst v1  }
0x6c: {  	[tilespmem:$0x14E0] =	vst v1  }
0x6d: {  	[tilespmem:$0x14F0] =	vst v1  }
0x6e: {  	[tilespmem:$0x1500] =	vst v1  }
0x6f: {  	[tilespmem:$0x1510] =	vst v1  }
0x70: {  	[tilespmem:$0x1520] =	vst v1  }
0x71: {  	[tilespmem:$0x1530] =	vst v1  }
0x72: {  	[tilespmem:$0x1540] =	vst v1  }
0x73: {  	[tilespmem:$0x1550] =	vst v1  }
0x74: {  	[tilespmem:$0x1560] =	vst v1  }
0x75: {  	[tilespmem:$0x1570] =	vst v1  }
0x76: {  	[tilespmem:$0x1580] =	vst v1  }
0x77: {  	[tilespmem:$0x1590] =	vst v1  }
0x78: {  	[tilespmem:$0x15A0] =	vst v1  }
0x79: {  	[tilespmem:$0x15B0] =	vst v1  }
0x7a: {  	[tilespmem:$0x15C0] =	vst v1  }
0x7b: {  	[tilespmem:$0x15D0] =	vst v1  }
0x7c: {  	[tilespmem:$0x15E0] =	vst v1  }
0x7d: {  	[tilespmem:$0x15F0] =	vst v1  }
0x7e: {  	[tilespmem:$0x1600] =	vst v1  }
0x7f: {  	[tilespmem:$0x1610] =	vst v1  }
0x80: {  	[tilespmem:$0x1620] =	vst v1  }
0x81: {  	[tilespmem:$0x1630] =	vst v1  }
0x82: {  	[tilespmem:$0x1640] =	vst v1  }
0x83: {  	[tilespmem:$0x1650] =	vst v1  }
0x84: {  	[tilespmem:$0x1660] =	vst v1  }
0x85: {  	[tilespmem:$0x1670] =	vst v1  }
0x86: {  	[tilespmem:$0x1680] =	vst v1  }
0x87: {  	[tilespmem:$0x1690] =	vst v1  }
0x88: {  	[tilespmem:$0x16A0] =	vst v1  }
0x89: {  	[tilespmem:$0x16B0] =	vst v1  }
0x8a: {  	[tilespmem:$0x16C0] =	vst v1  }
0x8b: {  	[tilespmem:$0x16D0] =	vst v1  }
0x8c: {  	[tilespmem:$0x16E0] =	vst v1  }
0x8d: {  	[tilespmem:$0x16F0] =	vst v1  }
0x8e: {  	[tilespmem:$0x1700] =	vst v1  }
0x8f: {  	[tilespmem:$0x1710] =	vst v1  }
0x90: {  	[tilespmem:$0x1720] =	vst v1  }
0x91: {  	[tilespmem:$0x1730] =	vst v1  }
0x92: {  	[tilespmem:$0x1740] =	vst v1  }
0x93: {  	[tilespmem:$0x1750] =	vst v1  }
0x94: {  	[tilespmem:$0x1760] =	vst v1  }
0x95: {  	[tilespmem:$0x1770] =	vst v1  }
0x96: {  	[tilespmem:$0x1780] =	vst v1  }
0x97: {  	[tilespmem:$0x1790] =	vst v1  }
0x98: {  	[tilespmem:$0x17A0] =	vst v1  }
0x99: {  	[tilespmem:$0x17B0] =	vst v1  }
0x9a: {  	[tilespmem:$0x17C0] =	vst v1  }
0x9b: {  	[tilespmem:$0x17D0] =	vst v1  }
0x9c: {  	[tilespmem:$0x17E0] =	vst v1  }
0x9d: {  	[tilespmem:$0x17F0] =	vst v1  }
0x9e: {  	[tilespmem:$0x1800] =	vst v1  }
0x9f: {  	[tilespmem:$0x1810] =	vst v1  }
0xa0: {  	[tilespmem:$0x1820] =	vst v1  }
0xa1: {  	[tilespmem:$0x1830] =	vst v1  }
0xa2: {  	[tilespmem:$0x1840] =	vst v1  }
0xa3: {  	[tilespmem:$0x1850] =	vst v1  }
0xa4: {  	[tilespmem:$0x1860] =	vst v1;
	s0 =	sadd.s32 $0x0, s15  }
0xa5: {  	[spmem:s0] =	stream.linear.scatter [tilespmem:s18], [sflag:$0x2], $0x100, $0x38;
	[tilespmem:$0x6790] =	vst v63  }
0xa6: {  	_ =	swait.ge [sflag:s19], $0x100  }
0xa7: {  	[sflag:s19] =	ssyncset.done $0x0  }
0xa8: {  	s31 =	sadd.s32 $0x0, s14;
	[sflag:s19] =	ssyncadd.s32 $0xFFFFFF00  }
0xa9: {  	[spmem:s31] =	stream.linear.scatter [tilespmem:s18], [sflag:$0x2], $0x100, $0x38;
	[tilespmem:$0x6790] =	vst v63  }
0xaa: {  	_ =	swait.ge [sflag:s19], $0x100  }
0xab: {  	s20 =	simm.s32 $0x800;
	s0 =	simm.s32 $0x100;
	[sflag:s19] =	ssyncset.done $0x0  }
.LBB2_2:
0xac: {  	s28 =	sadd.s32 s0, s15  }
0xad: {  	[sflag:s19] =	ssyncadd.s32 $0xFFFFFF00;
	s30 =	smov.u32 s20;
	s31 =	sadd.s32 $0x400, s20  }
0xae: {  	[spmem:s28] =	stream.linear.scatter [tilespmem:s18], [sflag:$0x2], $0x100, $0x38;
	[tilespmem:$0x6790] =	vst v63  }
0xaf: {  	p1 =	sne.s32 s20, $0x9800;
	_ =	swait.ge [sflag:s19], $0x100  }
.Ltmp0:
0xb0: {  	[sflag:s19] =	ssyncset.done $0x0;
	(pc) =	sbr.rel @p1 .LBB2_2-.Ltmp0, $4  }
0xb1: {  	s0 =	sadd.s32 s0, s14;
	[sflag:s19] =	ssyncadd.s32 $0xFFFFFF00  }
0xb2: {  	[spmem:s0] =	stream.linear.scatter [tilespmem:s18], [sflag:$0x2], $0x100, $0x38;
	[tilespmem:$0x6790] =	vst v63  }
0xb3: {  	_ =	swait.ge [sflag:s19], $0x100  }
0xb4: {  	s20 =	smov.u32 s31;
	s0 =	sshra.s32 s30, $0x2;
	[sflag:s19] =	ssyncset.done $0x0  }
0xb5: {  	s20 =	sadd.s32 s0, s15;
	[sflag:s19] =	ssyncadd.s32 $0xFFFFFF00  }
0xb6: {  	[spmem:s20] =	stream.linear.scatter [tilespmem:s18], [sflag:$0x2], $0x100, $0x38;
	[tilespmem:$0x6790] =	vst v63  }
0xb7: {  	_ =	swait.ge [sflag:s19], $0x100  }
0xb8: {  	[sflag:s19] =	ssyncset.done $0x0  }
0xb9: {  	s4 =	sadd.s32 s0, s14;
	[sflag:s19] =	ssyncadd.s32 $0xFFFFFF00  }
0xba: {  	[spmem:s4] =	stream.linear.scatter [tilespmem:s18], [sflag:$0x2], $0x100, $0x38;
	[tilespmem:$0x6790] =	vst v63  }
0xbb: {  	_ =	swait.ge [sflag:s19], $0x100  }
0xbc: {  	[sflag:s19] =	ssyncset.done $0x0  }
0xbd: {  	s0 =	simm.s32 @!p0 $0x1870;
	s20 =	simm.s32 @!p0 $0x2;
	[sflag:s19] =	ssyncadd.s32 $0xFFFFFF00  }
0xbe: {  	[spmem:s5] =	stream.linear.scatter @!p0 [tilespmem:s0], [sflag:$0x2], $0x100, $0x38;
	[tilespmem:$0x6790] =	vst v63  }
0xbf: {  	_ =	swait.ge @!p0 [sflag:s20], $0x100  }
0xc0: {  	[sflag:s20] =	ssyncset.done @!p0 $0x0  }
0xc1: {  	[sflag:s20] =	ssyncadd.s32 @!p0 $0xFFFFFF00  }
0xc2: {  	[spmem:s6] =	stream.linear.scatter @!p0 [tilespmem:s0], [sflag:$0x2], $0x100, $0x38;
	[tilespmem:$0x6790] =	vst v63  }
0xc3: {  	_ =	swait.ge @!p0 [sflag:s20], $0x100  }
0xc4: {  	[sflag:s20] =	ssyncset.done @!p0 $0x0  }
0xc5: {  	[sflag:s20] =	ssyncadd.s32 @!p0 $0xFFFFFF00  }
0xc6: {  	[bflag:$0x0] =	sbarrier.arrive $0xFFFF  }
0xc7: {  	s7 =	rddreg [dreg:$0x4]  }
0xc8: {  	[tilespmem:s3], [sflag:$0x2] =	stream.linear.gather [hbm4b:s7+s3], $0x80, $0x38;
	[tilespmem:$0x6790] =	vst v63  }
0xc9: {  	_ =	swait.ge [sflag:s19], $0x80  }
0xca: {  	s4 =	simm.s32 $0x100;
	s20 =	simm.s32 $0x1;
	[sflag:s19] =	ssyncset.done $0x0  }
0xcb: {  	s0 =	sand.u32 $0x1, s20;
	s8 =	rddreg [dreg:$0x5];
	[sflag:s19] =	ssyncadd.s32 $0xFFFFFF80  }
0xcc: {  	[tilespmem:s4], [sflag:$0x1] =	stream.linear.gather [hbm4b:s8+s3], $0x7D0, $0x38;
	[tilespmem:$0x6790] =	vst v63  }
0xcd: {  	s4 =	sshll.u32 s0, $0x7;
	s0 =	smul.u32 $0x1F40, s0  }
0xce: {  	[tilespmem:s4], [sflag:$0x2] =	stream.linear.gather [hbm4b:s16+s3], $0x80, $0x38;
	[tilespmem:$0x6790] =	vst v63  }
0xcf: {  	s7 =	simm.s32 $0x0;
	_ =	swait.ge [sflag:s19], $0x80  }
0xd0: {  	s20 =	sand.u32 $0x1, s7;
	s0 =	sshrl.u32 s0, $0x2;
	[sflag:s19] =	ssyncset.done $0x0  }
0xd1: {  	s28 =	smul.u32 $0x1F40, s20;
	s0 =	sadd.s32 $0x100, s0;
	[sflag:s19] =	ssyncadd.s32 $0xFFFFFF80  }
0xd2: {  	[tilespmem:s0], [sflag:$0x1] =	stream.linear.gather [hbm4b:s17+s3], $0x7D0, $0x38;
	[tilespmem:$0x6790] =	vst v63  }
0xd3: {  	_ =	swait.ge [sflag:s21], $0x7D0  }
0xd4: {  	s8 =	sshrl.u32 s28, $0x2;
	[sflag:s21] =	ssyncset.done $0x0  }
0xd5: {  	s20 =	sshll.u32 s20, $0x7;
	s0 =	sadd.s32 $0x100, s8;
	[sflag:s21] =	ssyncadd.s32 $0xFFFFF830  }
0xd6: {  	[spmem:s1] =	stream.indirect.scatter.add.f32 [tilespmem:s0], [sflag:$0x2], $0x10, s20, s22, $0xb8;
	[tilespmem:$0x6790] =	vst v63  }
0xd7: {  	_ =	swait.ge [sflag:s19], $0x7D0  }
0xd8: {  	[sflag:s19] =	ssyncset.done $0x0  }
0xd9: {  	[sflag:s19] =	ssyncadd.s32 $0xFFFFF830  }
0xda: {  	[spmem:s2] =	stream.indirect.scatter.add.f32 [tilespmem:s23], [sflag:$0x2], $0x10, s20, s22, $0xb8;
	[tilespmem:$0x6790] =	vst v63  }
0xdb: {  	s30 =	sadd.s32 $0xFA, s17;
	s31 =	sadd.s32 $0x10, s16;
	s20 =	simm.s32 $0x2  }
0xdc: {  	s0 =	simm.s32 $0x3;
	s28 =	sand.u32 $0x1, s20;
	_ =	swait.ge [sflag:s19], $0x7D0  }
.LBB2_4:
0xdd: {  	s4 =	sshll.u32 s28, $0x7  }
0xde: {  	s28 =	smul.u32 $0x1F40, s28;
	[sflag:s19] =	ssyncset.done $0x0;
	s7 =	smov.u32 s0  }
0xdf: {  	p1 =	sne.s32 s0, $0x4F;
	s0 =	sadd.s32 $0x1, s0;
	[sflag:s19] =	ssyncadd.s32 $0xFFFFF830  }
0xe0: {  	[tilespmem:s4], [sflag:$0x2] =	stream.linear.gather [hbm4b:s31+s3], $0x80, $0x38;
	[tilespmem:$0x6790] =	vst v63  }
0xe1: {  	s4 =	sadd.s32 $0xFFFFFFFF, s20;
	s20 =	sshrl.u32 s28, $0x2;
	_ =	swait.ge [sflag:s19], $0x80  }
0xe2: {  	s28 =	sadd.s32 $0x100, s20;
	s4 =	sand.u32 $0x1, s4;
	[sflag:s19] =	ssyncset.done $0x0  }
0xe3: {  	s20 =	smov.u32 s7;
	s8 =	smul.u32 $0x1F40, s4;
	[sflag:s19] =	ssyncadd.s32 $0xFFFFFF80  }
0xe4: {  	[tilespmem:s28], [sflag:$0x1] =	stream.linear.gather [hbm4b:s30+s3], $0x7D0, $0x38;
	[tilespmem:$0x6790] =	vst v63  }
0xe5: {  	s7 =	sshrl.u32 s8, $0x2;
	_ =	swait.ge [sflag:s21], $0x7D0  }
0xe6: {  	s4 =	sshll.u32 s4, $0x7;
	s7 =	sadd.s32 $0x100, s7;
	[sflag:s21] =	ssyncset.done $0x0  }
0xe7: {  	[sflag:s21] =	ssyncadd.s32 $0xFFFFF830  }
0xe8: {  	[spmem:s1] =	stream.indirect.scatter.add.f32 [tilespmem:s7], [sflag:$0x2], $0x10, s4, s22, $0xb8;
	[tilespmem:$0x6790] =	vst v63  }
.Ltmp1:
0xe9: {  	_ =	swait.ge [sflag:s19], $0x7D0;
	(pc) =	sbr.rel @p1 .LBB2_4-.Ltmp1, $4  }
0xea: {  	[sflag:s19] =	ssyncset.done $0x0  }
0xeb: {  	s30 =	sadd.s32 $0xFA, s30;
	[sflag:s19] =	ssyncadd.s32 $0xFFFFF830  }
0xec: {  	[spmem:s2] =	stream.indirect.scatter.add.f32 [tilespmem:s23], [sflag:$0x2], $0x10, s4, s22, $0xb8;
	[tilespmem:$0x6790] =	vst v63  }
0xed: {  	s31 =	sadd.s32 $0x10, s31;
	s28 =	sand.u32 $0x1, s20;
	_ =	swait.ge [sflag:s19], $0x7D0  }
0xee: {  	[sflag:s19] =	ssyncset.done $0x0  }
0xef: {  	s0 =	sshll.u32 s28, $0x7;
	s4 =	smul.u32 $0x1F40, s28;
	[sflag:s19] =	ssyncadd.s32 $0xFFFFF830  }
0xf0: {  	[tilespmem:s0], [sflag:$0x2] =	stream.linear.gather [hbm4b:s31+s3], $0x80, $0x38;
	[tilespmem:$0x6790] =	vst v63  }
0xf1: {  	s20 =	sadd.s32 $0xFFFFFFFF, s20;
	_ =	swait.ge [sflag:s19], $0x80  }
0xf2: {  	s4 =	sshrl.u32 s4, $0x2;
	s0 =	sand.u32 $0x1, s20;
	[sflag:s19] =	ssyncset.done $0x0  }
0xf3: {  	s4 =	sadd.s32 $0x100, s4;
	s7 =	smul.u32 $0x1F40, s0;
	[sflag:s19] =	ssyncadd.s32 $0xFFFFFF80  }
0xf4: {  	[tilespmem:s4], [sflag:$0x1] =	stream.linear.gather [hbm4b:s30+s3], $0x7D0, $0x38;
	[tilespmem:$0x6790] =	vst v63  }
0xf5: {  	_ =	swait.ge [sflag:s21], $0x7D0  }
0xf6: {  	s28 =	sshrl.u32 s7, $0x2;
	[sflag:s21] =	ssyncset.done $0x0  }
0xf7: {  	s0 =	sshll.u32 s0, $0x7;
	s4 =	sadd.s32 $0x100, s28;
	[sflag:s21] =	ssyncadd.s32 $0xFFFFF830  }
0xf8: {  	[spmem:s1] =	stream.indirect.scatter.add.f32 [tilespmem:s4], [sflag:$0x2], $0x10, s0, s22, $0xb8;
	[tilespmem:$0x6790] =	vst v63  }
0xf9: {  	_ =	swait.ge [sflag:s19], $0x7D0  }
0xfa: {  	[sflag:s19] =	ssyncset.done $0x0  }
0xfb: {  	[sflag:s19] =	ssyncadd.s32 $0xFFFFF830  }
0xfc: {  	[spmem:s2] =	stream.indirect.scatter.add.f32 [tilespmem:s23], [sflag:$0x2], $0x10, s0, s22, $0xb8;
	[tilespmem:$0x6790] =	vst v63  }
0xfd: {  	_ =	swait.ge [sflag:s19], $0x7D0  }
0xfe: {  	[sflag:s19] =	ssyncset.done $0x0  }
0xff: {  	[sflag:s19] =	ssyncadd.s32 $0xFFFFF830  }
0x100: {  	_ =	swait.ge [sflag:s21], $0x7D0  }
0x101: {  	[sflag:s21] =	ssyncset.done $0x0  }
0x102: {  	s30 =	simm.s32 $0x8D0;
	[sflag:s21] =	ssyncadd.s32 $0xFFFFF830  }
0x103: {  	[spmem:s1] =	stream.indirect.scatter.add.f32 [tilespmem:s30], [sflag:$0x2], $0x10, s26, s22, $0xb8;
	[tilespmem:$0x6790] =	vst v63  }
0x104: {  	_ =	swait.ge [sflag:s19], $0x7D0  }
0x105: {  	[sflag:s19] =	ssyncset.done $0x0  }
0x106: {  	[sflag:s19] =	ssyncadd.s32 $0xFFFFF830  }
0x107: {  	[spmem:s2] =	stream.indirect.scatter.add.f32 [tilespmem:s23], [sflag:$0x2], $0x10, s26, s22, $0xb8;
	[tilespmem:$0x6790] =	vst v63  }
0x108: {  	_ =	swait.ge [sflag:s19], $0x7D0  }
0x109: {  	s31 =	stileid.u32;
	[sflag:s19] =	ssyncset.done $0x0  }
0x10a: {  	s0 =	sshll.u32 s31, $0x6;
	[sflag:s19] =	ssyncadd.s32 $0xFFFFF830  }
0x10b: {  	s0 =	sor.u32 $0x1C02, s0;
	[bflag:$0x0] =	sbarrier.arrive $0xFFFF  }
0x10c: {  	[hbm:s9], [sflag:s0] =	dma.local [spmem:s24], $0x4E0  }
0x10d: {  	_ =	swait.ge [sflag:s19], $0x4E0  }
0x10e: {  	[sflag:s19] =	ssyncset.done $0x0  }
0x10f: {  	[sflag:s19] =	ssyncadd.s32 $0xFFFFFB20  }
0x110: {  	[hbm:s10], [sflag:s0] =	dma.local [spmem:s25], $0x4E0  }
0x111: {  	_ =	swait.ge [sflag:s19], $0x4E0  }
0x112: {  	[sflag:s19] =	ssyncset.done $0x0  }
0x113: {  	s4 =	sshrl.u32 @!p0 s5, $0x3;
	[sflag:s19] =	ssyncadd.s32 $0xFFFFFB20  }
0x114: {  	[hbm:s11], [sflag:s0] =	dma.local @!p0 [spmem:s4], $0x20  }
0x115: {  	s4 =	simm.s32 @!p0 $0x2  }
0x116: {  	s29 =	sadd.s32 $0x1, s29;
	_ =	swait.ge @!p0 [sflag:s4], $0x20  }
0x117: {  	p1 =	sne.s32 s29, s13;
	[sflag:s4] =	ssyncset.done @!p0 $0x0  }
.Ltmp2:
0x118: {  	s7 =	sshrl.u32 @!p0 s6, $0x3;
	[sflag:s4] =	ssyncadd.s32 @!p0 $0xFFFFFFE0;
	(pc) =	sbr.rel @p1 .LBB2_1-.Ltmp2, $4  }
0x119: {  	[hbm:s12], [sflag:s0] =	dma.local @!p0 [spmem:s7], $0x20  }
0x11a: {  	_ =	swait.ge @!p0 [sflag:s4], $0x20  }
0x11b: {  	[sflag:s4] =	ssyncset.done @!p0 $0x0  }
0x11c: {  	[sflag:s4] =	ssyncadd.s32 @!p0 $0xFFFFFFE0  }
0x11d: {  	_ =	sfence.sel $0x180000  }
0x11e: {  	[bflag:$0x0] =	sbarrier.arrive $0xFFFF  }
0x11f: {  	_ =	strace $0x90000047  }
0x120: {  	s0 =	stileid.u32;
	[bflag:$0x2] =	sbarrier.arrive $0xFFFF  }
0x121: {  	p0 =	sne.s32 s0, $0x0;
	s0 =	rddreg [dreg:$0x3]  }
0x122: {  	s0 =	sadd.s32 @!p0 $0x100000, s0  }
0x123: {  	[sflag:s0] =	ssyncadd.tile.s32 @!p0 $0x1;
	_ =	shalt  }
.Lfunc_end2:
_tile_overlayer_lowered:
.L_overlay_start_2:
0x124: {  	(tag) =	ssettag $0x2  }
0x125: {  	s0 =	rddreg [dreg:$0x0];
	s2 =	stileid.u32  }
0x126: {  	s1 =	rddreg [dreg:$0x1];
	p0 =	sne.s32 s2, $0x0  }
0x127: {  	s3 =	rddreg [dreg:$0x2];
	[bflag:$0x3] =	sbarrier.arrive $0xFFFF;
	s2 =	simm.s32 @!p0 $0x1C02  }
0x128: {  	[timem:s3], [sflag:s2] =	dma.local @!p0 [hbm:s0], s1  }
0x129: {  	s0 =	simm.s32 @!p0 $0x2  }
0x12a: {  	_ =	swait.ge @!p0 [sflag:s0], s1  }
0x12b: {  	s1 =	ssub.s32 @!p0 $0x0, s1;
	[sflag:s0] =	ssyncset.done @!p0 $0x0  }
0x12c: {  	[sflag:s0] =	ssyncadd.s32 @!p0 s1  }
0x12d: {  	[bflag:$0x3] =	sbarrier.arrive $0xFFFF  }
0x12e: {  	_ =	shalt  }

</sc_bundles>
